<compile_context>
chip_gen: v7x
topology: tpu7x:2x2x1
jax: 0.10.2.dev20260603
libtpu: 0.0.44.dev20260713+nightly
codegen_flags: <defaults>
</compile_context>

<pallas_src>
import jax
import jax.numpy as jnp
import numpy as np
from jax.experimental import pallas as pl

NENTITY = 100000
NEG = 50
BATCH = 16384
DIM = 128
TBR = 400
GAMMA = 12.0
ADV_T = 1.0


def _loss_rows(h, r, t, t_neg):
    pos_score = GAMMA - jnp.sum(jnp.abs(h + r - t), axis=-1)
    neg_score = GAMMA - jnp.sum(jnp.abs((h + r)[:, None, :] - t_neg), axis=-1)
    weights = jax.lax.stop_gradient(jax.nn.softmax(neg_score * ADV_T, axis=1))
    negative_score = jnp.sum(weights * jax.nn.log_sigmoid(-neg_score), axis=1)
    positive_score = jax.nn.log_sigmoid(pos_score)
    return (-jnp.mean(positive_score) + -jnp.mean(negative_score)) / 2.0


def _rowsum_body(g_ref, o_ref):
    x = jnp.abs(g_ref[...])
    acc = x
    for g in range(1, 16):
        acc = acc + jnp.roll(x, -8 * g, axis=1)
    y = acc + jnp.roll(acc, -4, axis=1)
    y = y + jnp.roll(y, -2, axis=1)
    y = y + jnp.roll(y, -1, axis=1)
    o_ref[...] = y[:, 0:1]


def _rowsum(grad):
    out = pl.pallas_call(
        _rowsum_body,
        grid=(NENTITY // TBR,),
        in_specs=[pl.BlockSpec((TBR, DIM), lambda i: (i, 0))],
        out_specs=pl.BlockSpec((TBR, 1), lambda i: (i, 0)),
        out_shape=jax.ShapeDtypeStruct((NENTITY, 1), jnp.float32),
    )(grad)
    return out[:, 0]


def kernel(heads, relations, tails, negative_sample, ent_embed, rel_embed):
    def probe_loss(dh, dt, dtn):
        h = jnp.take(ent_embed, heads, axis=0) + dh
        t = jnp.take(ent_embed, tails, axis=0) + dt
        tn = jnp.take(ent_embed, negative_sample, axis=0) + dtn
        r = jnp.take(rel_embed, relations, axis=0)
        return _loss_rows(h, r, t, tn)

    gh, gt, gtn = jax.grad(probe_loss, argnums=(0, 1, 2))(
        jnp.zeros((BATCH, DIM), jnp.float32),
        jnp.zeros((BATCH, DIM), jnp.float32),
        jnp.zeros((BATCH, NEG, DIM), jnp.float32))

    grad = jnp.zeros_like(ent_embed)
    grad = grad.at[heads].add(gh)
    grad = grad.at[tails].add(gt)
    grad = grad.at[negative_sample.reshape(-1)].add(gtn.reshape(-1, DIM))

    row_grad_sum = _rowsum(grad)
    sorted_row_grad_sum, row_grad_sum_idx = jax.lax.top_k(row_grad_sum, NENTITY)
    return row_grad_sum, sorted_row_grad_sum, row_grad_sum_idx

# --- scband reference (transcript-rebuilt; emitter-appended) ---
"""Pipeline reference for scband-metattack-59313498358304 (READ-ONLY COPY).

The authoritative reference and input builder live on the scoring server;
editing this copy changes nothing except your own understanding.
"""

import jax, jax.numpy as jnp
import numpy as np

NENTITY = 100000
NRELATION = 1000
DIM = 128
BATCH = 16384
NUM_NEG = 50
GAMMA = 12.0
ADV_T = 1.0


def setup_inputs(seed: int = 0) -> dict:
    key = jax.random.key(seed)
    k1, k2, k3, k4, k5, k6 = jax.random.split(key, 6)
    heads = jax.random.randint(k1, (BATCH,), 0, NENTITY, dtype=jnp.int64) if jax.config.jax_enable_x64 else jax.random.randint(k1, (BATCH,), 0, NENTITY).astype(jnp.int32)
    relations = jax.random.randint(k2, (BATCH,), 0, NRELATION).astype(heads.dtype)
    tails = jax.random.randint(k3, (BATCH,), 0, NENTITY).astype(heads.dtype)
    negative_sample = jax.random.randint(k4, (BATCH, NUM_NEG), 0, NENTITY).astype(heads.dtype)
    ent_embed = jax.random.normal(k5, (NENTITY, DIM), dtype=jnp.float32) * 0.05
    rel_embed = jax.random.normal(k6, (NRELATION, DIM), dtype=jnp.float32) * 0.05
    return {
        "heads": heads,
        "relations": relations,
        "tails": tails,
        "negative_sample": negative_sample,
        "ent_embed": ent_embed,
        "rel_embed": rel_embed,
    }


def _attack_loss(ent_embed, rel_embed, heads, relations, tails, negative_sample):
    # KGEModel (TransE) scoring, as used inside get_meta_grad().
    h = jnp.take(ent_embed, heads, axis=0)                # [B, D] gather
    r = jnp.take(rel_embed, relations, axis=0)            # [B, D] gather
    t = jnp.take(ent_embed, tails, axis=0)                # [B, D] gather
    pos_score = GAMMA - jnp.sum(jnp.abs(h + r - t), axis=-1)          # [B]
    t_neg = jnp.take(ent_embed, negative_sample, axis=0)  # [B, NEG, D] gather
    neg_score = GAMMA - jnp.sum(jnp.abs((h + r)[:, None, :] - t_neg), axis=-1)  # [B, NEG]
    # self-adversarial negative sampling loss (softmax weights are detached)
    weights = jax.lax.stop_gradient(jax.nn.softmax(neg_score * ADV_T, axis=1))
    negative_score = jnp.sum(weights * jax.nn.log_sigmoid(-neg_score), axis=1)  # [B]
    positive_score = jax.nn.log_sigmoid(pos_score)                              # [B]
    positive_sample_loss = -jnp.mean(positive_score)
    negative_sample_loss = -jnp.mean(negative_score)
    return (positive_sample_loss + negative_sample_loss) / 2.0


def reference(heads, relations, tails, negative_sample, ent_embed, rel_embed):
    # Metattack.forward core: meta-gradient of the attack loss w.r.t. the
    # poisoned entity embedding table, then row-wise |grad| sum and ranking.
    adj_meta_grad = jax.grad(_attack_loss, argnums=0)(
        ent_embed, rel_embed, heads, relations, tails, negative_sample
    )  # [NENTITY, DIM] -- produced by scatter-add into the full table
    row_grad_sum = jnp.sum(jnp.abs(adj_meta_grad), axis=1)  # [NENTITY]
    sorted_row_grad_sum, row_grad_sum_idx = jax.lax.top_k(row_grad_sum, NENTITY)
    return row_grad_sum, sorted_row_grad_sum, row_grad_sum_idx

if __name__ == "__main__":
    import jax
    _d = setup_inputs()
    print(jax.jit(kernel)(*tuple(_d.values())))

</pallas_src>

<mosaic_0001>
module attributes {stable_mosaic.version = 14 : i64} {
  func.func @_rowsum_body(%arg0: i32, %arg1: memref<400x128xf32, #tpu.memory_space<vmem>>, %arg2: memref<400x1xf32, #tpu.memory_space<vmem>>) attributes {dimension_semantics = [#tpu.dimension_semantics<arbitrary>], iteration_bounds = array<i64: 250>, scalar_prefetch = 0 : i64, scratch_operands = 0 : i64, tpu.core_type = #tpu.core_type<tc>, window_params = [{transform_indices = @transform_0, window_bounds = array<i64: 400, 128>}, {transform_indices = @transform_1, window_bounds = array<i64: 400, 1>}]} {
    %get3A = arith.constant 0 : index
    %get3A_0 = arith.constant 0 : index
    %get3A_1 = vector.load %arg1[%get3A, %get3A_0] : memref<400x128xf32, #tpu.memory_space<vmem>>, vector<400x128xf32>
    %abs3A = math.absf %get3A_1 : vector<400x128xf32>
    %slice3A = vector.extract_strided_slice %abs3A {offsets = [0, 8], sizes = [400, 120], strides = [1, 1]} : vector<400x128xf32> to vector<400x120xf32>
    %slice3A_2 = vector.extract_strided_slice %abs3A {offsets = [0, 0], sizes = [400, 8], strides = [1, 1]} : vector<400x128xf32> to vector<400x8xf32>
    %concatenate3A = tpu.concatenate %slice3A, %slice3A_2 in 1 : vector<400x120xf32>, vector<400x8xf32> -> vector<400x128xf32>
    %add3A = arith.addf %abs3A, %concatenate3A : vector<400x128xf32>
    %slice3A_3 = vector.extract_strided_slice %abs3A {offsets = [0, 16], sizes = [400, 112], strides = [1, 1]} : vector<400x128xf32> to vector<400x112xf32>
    %slice3A_4 = vector.extract_strided_slice %abs3A {offsets = [0, 0], sizes = [400, 16], strides = [1, 1]} : vector<400x128xf32> to vector<400x16xf32>
    %concatenate3A_5 = tpu.concatenate %slice3A_3, %slice3A_4 in 1 : vector<400x112xf32>, vector<400x16xf32> -> vector<400x128xf32>
    %add3A_6 = arith.addf %add3A, %concatenate3A_5 : vector<400x128xf32>
    %slice3A_7 = vector.extract_strided_slice %abs3A {offsets = [0, 24], sizes = [400, 104], strides = [1, 1]} : vector<400x128xf32> to vector<400x104xf32>
    %slice3A_8 = vector.extract_strided_slice %abs3A {offsets = [0, 0], sizes = [400, 24], strides = [1, 1]} : vector<400x128xf32> to vector<400x24xf32>
    %concatenate3A_9 = tpu.concatenate %slice3A_7, %slice3A_8 in 1 : vector<400x104xf32>, vector<400x24xf32> -> vector<400x128xf32>
    %add3A_10 = arith.addf %add3A_6, %concatenate3A_9 : vector<400x128xf32>
    %slice3A_11 = vector.extract_strided_slice %abs3A {offsets = [0, 32], sizes = [400, 96], strides = [1, 1]} : vector<400x128xf32> to vector<400x96xf32>
    %slice3A_12 = vector.extract_strided_slice %abs3A {offsets = [0, 0], sizes = [400, 32], strides = [1, 1]} : vector<400x128xf32> to vector<400x32xf32>
    %concatenate3A_13 = tpu.concatenate %slice3A_11, %slice3A_12 in 1 : vector<400x96xf32>, vector<400x32xf32> -> vector<400x128xf32>
    %add3A_14 = arith.addf %add3A_10, %concatenate3A_13 : vector<400x128xf32>
    %slice3A_15 = vector.extract_strided_slice %abs3A {offsets = [0, 40], sizes = [400, 88], strides = [1, 1]} : vector<400x128xf32> to vector<400x88xf32>
    %slice3A_16 = vector.extract_strided_slice %abs3A {offsets = [0, 0], sizes = [400, 40], strides = [1, 1]} : vector<400x128xf32> to vector<400x40xf32>
    %concatenate3A_17 = tpu.concatenate %slice3A_15, %slice3A_16 in 1 : vector<400x88xf32>, vector<400x40xf32> -> vector<400x128xf32>
    %add3A_18 = arith.addf %add3A_14, %concatenate3A_17 : vector<400x128xf32>
    %slice3A_19 = vector.extract_strided_slice %abs3A {offsets = [0, 48], sizes = [400, 80], strides = [1, 1]} : vector<400x128xf32> to vector<400x80xf32>
    %slice3A_20 = vector.extract_strided_slice %abs3A {offsets = [0, 0], sizes = [400, 48], strides = [1, 1]} : vector<400x128xf32> to vector<400x48xf32>
    %concatenate3A_21 = tpu.concatenate %slice3A_19, %slice3A_20 in 1 : vector<400x80xf32>, vector<400x48xf32> -> vector<400x128xf32>
    %add3A_22 = arith.addf %add3A_18, %concatenate3A_21 : vector<400x128xf32>
    %slice3A_23 = vector.extract_strided_slice %abs3A {offsets = [0, 56], sizes = [400, 72], strides = [1, 1]} : vector<400x128xf32> to vector<400x72xf32>
    %slice3A_24 = vector.extract_strided_slice %abs3A {offsets = [0, 0], sizes = [400, 56], strides = [1, 1]} : vector<400x128xf32> to vector<400x56xf32>
    %concatenate3A_25 = tpu.concatenate %slice3A_23, %slice3A_24 in 1 : vector<400x72xf32>, vector<400x56xf32> -> vector<400x128xf32>
    %add3A_26 = arith.addf %add3A_22, %concatenate3A_25 : vector<400x128xf32>
    %slice3A_27 = vector.extract_strided_slice %abs3A {offsets = [0, 64], sizes = [400, 64], strides = [1, 1]} : vector<400x128xf32> to vector<400x64xf32>
    %slice3A_28 = vector.extract_strided_slice %abs3A {offsets = [0, 0], sizes = [400, 64], strides = [1, 1]} : vector<400x128xf32> to vector<400x64xf32>
    %concatenate3A_29 = tpu.concatenate %slice3A_27, %slice3A_28 in 1 : vector<400x64xf32>, vector<400x64xf32> -> vector<400x128xf32>
    %add3A_30 = arith.addf %add3A_26, %concatenate3A_29 : vector<400x128xf32>
    %slice3A_31 = vector.extract_strided_slice %abs3A {offsets = [0, 72], sizes = [400, 56], strides = [1, 1]} : vector<400x128xf32> to vector<400x56xf32>
    %slice3A_32 = vector.extract_strided_slice %abs3A {offsets = [0, 0], sizes = [400, 72], strides = [1, 1]} : vector<400x128xf32> to vector<400x72xf32>
    %concatenate3A_33 = tpu.concatenate %slice3A_31, %slice3A_32 in 1 : vector<400x56xf32>, vector<400x72xf32> -> vector<400x128xf32>
    %add3A_34 = arith.addf %add3A_30, %concatenate3A_33 : vector<400x128xf32>
    %slice3A_35 = vector.extract_strided_slice %abs3A {offsets = [0, 80], sizes = [400, 48], strides = [1, 1]} : vector<400x128xf32> to vector<400x48xf32>
    %slice3A_36 = vector.extract_strided_slice %abs3A {offsets = [0, 0], sizes = [400, 80], strides = [1, 1]} : vector<400x128xf32> to vector<400x80xf32>
    %concatenate3A_37 = tpu.concatenate %slice3A_35, %slice3A_36 in 1 : vector<400x48xf32>, vector<400x80xf32> -> vector<400x128xf32>
    %add3A_38 = arith.addf %add3A_34, %concatenate3A_37 : vector<400x128xf32>
    %slice3A_39 = vector.extract_strided_slice %abs3A {offsets = [0, 88], sizes = [400, 40], strides = [1, 1]} : vector<400x128xf32> to vector<400x40xf32>
    %slice3A_40 = vector.extract_strided_slice %abs3A {offsets = [0, 0], sizes = [400, 88], strides = [1, 1]} : vector<400x128xf32> to vector<400x88xf32>
    %concatenate3A_41 = tpu.concatenate %slice3A_39, %slice3A_40 in 1 : vector<400x40xf32>, vector<400x88xf32> -> vector<400x128xf32>
    %add3A_42 = arith.addf %add3A_38, %concatenate3A_41 : vector<400x128xf32>
    %slice3A_43 = vector.extract_strided_slice %abs3A {offsets = [0, 96], sizes = [400, 32], strides = [1, 1]} : vector<400x128xf32> to vector<400x32xf32>
    %slice3A_44 = vector.extract_strided_slice %abs3A {offsets = [0, 0], sizes = [400, 96], strides = [1, 1]} : vector<400x128xf32> to vector<400x96xf32>
    %concatenate3A_45 = tpu.concatenate %slice3A_43, %slice3A_44 in 1 : vector<400x32xf32>, vector<400x96xf32> -> vector<400x128xf32>
    %add3A_46 = arith.addf %add3A_42, %concatenate3A_45 : vector<400x128xf32>
    %slice3A_47 = vector.extract_strided_slice %abs3A {offsets = [0, 104], sizes = [400, 24], strides = [1, 1]} : vector<400x128xf32> to vector<400x24xf32>
    %slice3A_48 = vector.extract_strided_slice %abs3A {offsets = [0, 0], sizes = [400, 104], strides = [1, 1]} : vector<400x128xf32> to vector<400x104xf32>
    %concatenate3A_49 = tpu.concatenate %slice3A_47, %slice3A_48 in 1 : vector<400x24xf32>, vector<400x104xf32> -> vector<400x128xf32>
    %add3A_50 = arith.addf %add3A_46, %concatenate3A_49 : vector<400x128xf32>
    %slice3A_51 = vector.extract_strided_slice %abs3A {offsets = [0, 112], sizes = [400, 16], strides = [1, 1]} : vector<400x128xf32> to vector<400x16xf32>
    %slice3A_52 = vector.extract_strided_slice %abs3A {offsets = [0, 0], sizes = [400, 112], strides = [1, 1]} : vector<400x128xf32> to vector<400x112xf32>
    %concatenate3A_53 = tpu.concatenate %slice3A_51, %slice3A_52 in 1 : vector<400x16xf32>, vector<400x112xf32> -> vector<400x128xf32>
    %add3A_54 = arith.addf %add3A_50, %concatenate3A_53 : vector<400x128xf32>
    %slice3A_55 = vector.extract_strided_slice %abs3A {offsets = [0, 120], sizes = [400, 8], strides = [1, 1]} : vector<400x128xf32> to vector<400x8xf32>
    %slice3A_56 = vector.extract_strided_slice %abs3A {offsets = [0, 0], sizes = [400, 120], strides = [1, 1]} : vector<400x128xf32> to vector<400x120xf32>
    %concatenate3A_57 = tpu.concatenate %slice3A_55, %slice3A_56 in 1 : vector<400x8xf32>, vector<400x120xf32> -> vector<400x128xf32>
    %add3A_58 = arith.addf %add3A_54, %concatenate3A_57 : vector<400x128xf32>
    %slice3A_59 = vector.extract_strided_slice %add3A_58 {offsets = [0, 4], sizes = [400, 124], strides = [1, 1]} : vector<400x128xf32> to vector<400x124xf32>
    %slice3A_60 = vector.extract_strided_slice %add3A_58 {offsets = [0, 0], sizes = [400, 4], strides = [1, 1]} : vector<400x128xf32> to vector<400x4xf32>
    %concatenate3A_61 = tpu.concatenate %slice3A_59, %slice3A_60 in 1 : vector<400x124xf32>, vector<400x4xf32> -> vector<400x128xf32>
    %add3A_62 = arith.addf %add3A_58, %concatenate3A_61 : vector<400x128xf32>
    %slice3A_63 = vector.extract_strided_slice %add3A_62 {offsets = [0, 2], sizes = [400, 126], strides = [1, 1]} : vector<400x128xf32> to vector<400x126xf32>
    %slice3A_64 = vector.extract_strided_slice %add3A_62 {offsets = [0, 0], sizes = [400, 2], strides = [1, 1]} : vector<400x128xf32> to vector<400x2xf32>
    %concatenate3A_65 = tpu.concatenate %slice3A_63, %slice3A_64 in 1 : vector<400x126xf32>, vector<400x2xf32> -> vector<400x128xf32>
    %add3A_66 = arith.addf %add3A_62, %concatenate3A_65 : vector<400x128xf32>
    %slice3A_67 = vector.extract_strided_slice %add3A_66 {offsets = [0, 1], sizes = [400, 127], strides = [1, 1]} : vector<400x128xf32> to vector<400x127xf32>
    %slice3A_68 = vector.extract_strided_slice %add3A_66 {offsets = [0, 0], sizes = [400, 1], strides = [1, 1]} : vector<400x128xf32> to vector<400x1xf32>
    %concatenate3A_69 = tpu.concatenate %slice3A_67, %slice3A_68 in 1 : vector<400x127xf32>, vector<400x1xf32> -> vector<400x128xf32>
    %add3A_70 = arith.addf %add3A_66, %concatenate3A_69 : vector<400x128xf32>
    %slice3A_71 = vector.extract_strided_slice %add3A_70 {offsets = [0, 0], sizes = [400, 1], strides = [1, 1]} : vector<400x128xf32> to vector<400x1xf32>
    %swap3A = arith.constant 0 : index
    %swap3A_72 = arith.constant 0 : index
    %swap3A_73 = vector.load %arg2[%swap3A, %swap3A_72] : memref<400x1xf32, #tpu.memory_space<vmem>>, vector<400x1xf32>
    tpu.vector_store %arg2[%swap3A, %swap3A_72], %slice3A_71 {strides = array<i32>} : memref<400x1xf32, #tpu.memory_space<vmem>>, vector<400x1xf32>,
    return
  }
  func.func @transform_0(%arg0: i32) -> (i32, i32) {
    %c0_i32 = arith.constant 0 : i32
    %c0_i32_0 = arith.constant 0 : i32
    return %arg0, %c0_i32 : i32, i32
  }
  func.func @transform_1(%arg0: i32) -> (i32, i32) {
    %c0_i32 = arith.constant 0 : i32
    %c0_i32_0 = arith.constant 0 : i32
    return %arg0, %c0_i32 : i32, i32
  }
}

</mosaic_0001>

<sc_bundles>
// kernel: gather_offload_async_start.1
scs
__scs_entry_jumppad:
0x0: {  	(pc) =	sbr.rel $0x88, $3  }
0x1: {  	(tag) =	ssettag $0x0;
	lr =	simm.s32 $0x1  }
0x2: {  	[smem:$0x3F9B] =	sst lr;
	_ =	strace $0xD0000000  }
0x3: {  	_ = 	snop  }
0x4: {  	_ = 	snop  }
0x5: {  	_ = 	snop  }
0x6: {  	_ = 	snop  }
0x7: {  	_ = 	snop  }
__scs_overlays_trampoline_lowered:
0x8: {  	[smem:$0x3FAA] =	sst s0  }
0x9: {  	[smem:$0x3FAB] =	sst s1  }
0xa: {  	[smem:$0x3FAC] =	sst s2  }
0xb: {  	[smem:$0x3FAD] =	sst s3  }
0xc: {  	[smem:$0x3FAE] =	sst s4  }
0xd: {  	[smem:$0x3FAF] =	sst s5  }
0xe: {  	[smem:$0x3FB0] =	sst s6  }
0xf: {  	[smem:$0x3FB1] =	sst s7  }
0x10: {  	[smem:$0x3FB2] =	sst s8  }
0x11: {  	[smem:$0x3FB3] =	sst s9;
	s0 =	simm.s32 @!p0 $0x0  }
0x12: {  	s1 =	sld [smem:$0x3F99];
	s0 =	simm.s32 @p0 $0x1  }
0x13: {  	[smem:$0x3FB4] =	sst s0;
	s0 =	simm.s32 @!p1 $0x0  }
0x14: {  	s2 =	sld [smem:$0x3F98];
	s0 =	simm.s32 @p1 $0x1  }
0x15: {  	[smem:$0x3FB5] =	sst s0;
	s0 =	simm.s32 @!p2 $0x0  }
0x16: {  	s3 =	sld [smem:$0x3FDB];
	s0 =	simm.s32 @p2 $0x1  }
0x17: {  	s4 =	simm.s32 $0x1BF5;
	[smem:$0x3FB7] =	sst s0  }
0x18: {  	s0 =	sld [smem:$0x3F9A];
	_ =	swait.ge [sflag:s4], $0x0  }
0x19: {  	s7 =	sld [smem:$0x3F9B]  }
0x1a: {  	s8 =	sadd.s32 $0xFFFFE003, lr  }
0x1b: {  	s9 =	sadd.s32 $0xFFFFFEF7, lr;
	s5 =	simm.s32 $0xFFFFFFFF;
	p2 =	slt.u32 s8, $0xFFFFF086  }
0x1c: {  	p1 =	slt.u32 s9, $0xF7A;
	s5 =	simm.s32 @!p2 $0x0  }
0x1d: {  	s5 =	simm.s32 @p1 $0x1;
	p0 =	seq.s32 s7, s2  }
0x1e: {  	s7 =	smul.u32 @!p0 $0xF7A, s2;
	p2 =	seq.s32 @!p0 s5, $0x0  }
0x1f: {  	s9 =	smul.u32 $0xF7A, s1;
	s8 =	simm.s32 @!p0 $0x1BF5;
	p2 =	por !p2, p0  }
0x20: {  	[sflag:s8] =	ssyncset.s32 @!p0 $0xFFFFF086;
	s6 =	sadd.s32 @!p0 s3, s7;
	s7 =	simm.s32 @!p0 $0x108  }
0x21: {  	s3 =	sadd.s32 s3, s9;
	s6 =	sadd.s32 @!p0 $0x88, s6;
	s7 =	simm.s32 @p2 $0x1082  }
0x22: {  	[simem:s7], [sflag:s8] =	dma.local @!p0 [hbm:s6], $0xF7A  }
0x23: {  	s9 =	sor.u32 $0xD0000000, s2;
	s6 =	simm.s32 $0x108;
	_ =	swait.ge @!p0 [sflag:s8], $0x0  }
0x24: {  	s3 =	sadd.s32 $0x88, s3;
	s6 =	simm.s32 @!p1 $0x1082;
	[sflag:s4] =	ssyncset.s32 $0xFFFFF086  }
0x25: {  	[simem:s6], [sflag:s4] =	dma.local [hbm:s3], $0xF7A  }
0x26: {  	[smem:$0x3F9B] =	sst s1;
	(tag) =	ssettag s2;
	_ =	strace s9  }
0x27: {  	s1 =	sld [smem:$0x3FAB]  }
0x28: {  	s2 =	sld [smem:$0x3FAC]  }
0x29: {  	s4 =	sld [smem:$0x3FAE]  }
0x2a: {  	p0 =	seq.s32 s5, $0x0;
	s5 =	sld [smem:$0x3FAF]  }
0x2b: {  	s6 =	sld [smem:$0x3FB0]  }
0x2c: {  	s7 =	sld [smem:$0x3FB1]  }
0x2d: {  	s3 =	simm.s32 $0x108;
	s8 =	sld [smem:$0x3FB2]  }
0x2e: {  	s3 =	simm.s32 @!p0 $0x1082;
	s9 =	sld [smem:$0x3FB3]  }
0x2f: {  	lr =	sadd.s32 s0, s3;
	s0 =	sld [smem:$0x3FAA]  }
0x30: {  	s3 =	sld [smem:$0x3FAD]  }
0x31: {  	[smem:$0x3FB6] =	sst s10  }
0x32: {  	s10 =	sld [smem:$0x3FB4];
	_ =	sdelay $0x3  }
0x33: {  	p0 =	seq.s32 s10, $0x1;
	s10 =	sld [smem:$0x3FB6];
	_ =	sdelay $0x3  }
0x34: {  	[smem:$0x3FB6] =	sst s10  }
0x35: {  	s10 =	sld [smem:$0x3FB5];
	_ =	sdelay $0x3  }
0x36: {  	p1 =	seq.s32 s10, $0x1;
	s10 =	sld [smem:$0x3FB6];
	_ =	sdelay $0x3  }
0x37: {  	[smem:$0x3FB6] =	sst s10  }
0x38: {  	s10 =	sld [smem:$0x3FB7]  }
0x39: {  	_ = 	snop;
	(pc) =	sbr.ind lr, $3  }
0x3a: {  	_ = 	snop  }
0x3b: {  	_ = 	snop  }
0x3c: {  	p2 =	seq.s32 s10, $0x1;
	s10 =	sld [smem:$0x3FB6]  }
0x3d: {  	_ =	shalt  }
0x3e: {  	_ =	shalt  }
0x3f: {  	_ =	shalt  }
0x40: {  	_ =	shalt  }
0x41: {  	_ =	shalt  }
0x42: {  	_ =	shalt  }
0x43: {  	_ =	shalt  }
0x44: {  	_ =	shalt  }
0x45: {  	_ =	shalt  }
0x46: {  	_ =	shalt  }
0x47: {  	_ =	shalt  }
0x48: {  	_ =	shalt  }
0x49: {  	_ =	shalt  }
0x4a: {  	_ =	shalt  }
0x4b: {  	_ =	shalt  }
0x4c: {  	_ =	shalt  }
0x4d: {  	_ =	shalt  }
0x4e: {  	_ =	shalt  }
0x4f: {  	_ =	shalt  }
0x50: {  	_ =	shalt  }
0x51: {  	_ =	shalt  }
0x52: {  	_ =	shalt  }
0x53: {  	_ =	shalt  }
0x54: {  	_ =	shalt  }
0x55: {  	_ =	shalt  }
0x56: {  	_ =	shalt  }
0x57: {  	_ =	shalt  }
0x58: {  	_ =	shalt  }
0x59: {  	_ =	shalt  }
0x5a: {  	_ =	shalt  }
0x5b: {  	_ =	shalt  }
0x5c: {  	_ =	shalt  }
0x5d: {  	_ =	shalt  }
0x5e: {  	_ =	shalt  }
0x5f: {  	_ =	shalt  }
0x60: {  	_ =	shalt  }
0x61: {  	_ =	shalt  }
0x62: {  	_ =	shalt  }
0x63: {  	_ =	shalt  }
0x64: {  	_ =	shalt  }
0x65: {  	_ =	shalt  }
0x66: {  	_ =	shalt  }
0x67: {  	_ =	shalt  }
0x68: {  	_ =	shalt  }
0x69: {  	_ =	shalt  }
0x6a: {  	_ =	shalt  }
0x6b: {  	_ =	shalt  }
0x6c: {  	_ =	shalt  }
0x6d: {  	_ =	shalt  }
0x6e: {  	_ =	shalt  }
0x6f: {  	_ =	shalt  }
0x70: {  	_ =	shalt  }
0x71: {  	_ =	shalt  }
0x72: {  	_ =	shalt  }
0x73: {  	_ =	shalt  }
0x74: {  	_ =	shalt  }
0x75: {  	_ =	shalt  }
0x76: {  	_ =	shalt  }
0x77: {  	_ =	shalt  }
0x78: {  	_ =	shalt  }
0x79: {  	_ =	shalt  }
0x7a: {  	_ =	shalt  }
0x7b: {  	_ =	shalt  }
0x7c: {  	_ =	shalt  }
0x7d: {  	_ =	shalt  }
0x7e: {  	_ =	shalt  }
0x7f: {  	_ =	shalt  }
0x80: {  	_ =	shalt  }
0x81: {  	_ =	shalt  }
0x82: {  	_ =	shalt  }
0x83: {  	_ =	shalt  }
0x84: {  	_ =	shalt  }
0x85: {  	_ =	shalt  }
0x86: {  	_ =	shalt  }
0x87: {  	_ =	shalt  }
.Lfunc_end0:
.L_simem_size_0:
called_computation.4_lowered:
.L_overlay_start_0:
0x88: {  	s2 =	sld [smem:$0x3FD9]  }
0x89: {  	s3 =	sld [smem:$0x3FFE];
	_ =	sdelay $0x1  }
0x8a: {  	s1 =	srdreg.scid  }
0x8b: {  	s0 =	sand.u32 $0x1, s1  }
0x8c: {  	s15 =	sshll.u32 s0, $0xA;
	s2 =	sadd.s32 s3, s2  }
0x8d: {  	s2 =	sadd.s32 s2, s15  }
0x8e: {  	[smem:$0x3FC2] =	sst s2  }
0x8f: {  	_ = 	snop  }
0x90: {  	s16 =	sld [smem:$0x3FD0];
	_ =	sdelay $0x2  }
0x91: {  	s4 =	simm.s32 $0xC;
	s5 =	simm.s32 $0x10;
	s2 =	sld [smem:$0x3FC5]  }
0x92: {  	[smem:s5], [sflag:s4] =	dma.local [hbm:s16], $0x1  }
0x93: {  	_ =	swait.eq [sflag:s4], $0x1  }
0x94: {  	[sflag:s4] =	ssyncset.done $0x0  }
0x95: {  	[sflag:s4] =	ssyncadd.s32 $0xFFFFFFFF  }
0x96: {  	s17 =	sld [smem:$0x12];
	(tm) =	ssettm $0x1  }
0x97: {  	s18 =	sld [smem:$0x3FFB];
	_ =	sdelay $0x3  }
0x98: {  	_ =	strace s18  }
0x99: {  	s3 =	sld [smem:$0x3FFC];
	_ =	sdelay $0x3  }
0x9a: {  	_ =	strace s3  }
0x9b: {  	s3 =	sld [smem:$0x3FFD];
	_ =	sdelay $0x3  }
0x9c: {  	_ =	strace s3  }
0x9d: {  	_ =	strace $0x8FFFFFFF  }
0x9e: {  	s19 =	sld [smem:$0x3FDB];
	_ =	sdelay $0x1  }
0x9f: {  	s20 =	simm.s32 $_scs_section_size  }
0xa0: {  	s6 =	simm.s32 $_size__tile_overlayer_lowered;
	s7 =	simm.s32 $_tile_overlayer_lowered  }
0xa1: {  	s8 =	simm.s32 $0x1BFF;
	s21 =	sshll.u32 s7, $0x1;
	s5 =	sadd.s32 s20, s19  }
0xa2: {  	s22 =	simm.s32 $0x0;
	s6 =	sshll.u32 s6, $0x1;
	s7 =	sadd.s32 s21, s5  }
0xa3: {  	[timem:s22], [sflag:s8] =	dma.local [hbm:s7], s6  }
0xa4: {  	_ =	swait.ge [sflag:s8], s6  }
0xa5: {  	s6 =	ssub.s32 $0x0, s6;
	[sflag:s8] =	ssyncset.done $0x0  }
0xa6: {  	[sflag:s8] =	ssyncadd.s32 s6;
	_ =	sdelay $0x1  }
0xa7: {  	s23 =	simm.s32 $0x1B8B  }
0xa8: {  	_ =	swait.ge [sflag:s23], $0x1  }
0xa9: {  	[sflag:s23] =	ssyncset.done $0x0  }
0xaa: {  	[sflag:s23] =	ssyncadd.s32 $0xFFFFFFFF  }
0xab: {  	s6 =	sld [smem:$0x0]  }
0xac: {  	s7 =	sand.u32 $0xFFFFFFFE, s1  }
0xad: {  	p0 =	sne.s32 s1, s7  }
0xae: {  	s7 =	sshll.u32 @p0 s7, $0xE  }
0xaf: {  	s7 =	sadd.s32 @p0 $0x11B8D, s7;
	s8 =	sshll.u32 @p0 s6, $0x11  }
0xb0: {  	s7 =	sor.u32 @p0 s8, s7  }
0xb1: {  	[sflag:s7] =	ssyncadd.remote.s32 @p0 $0x1;
	_ =	sdelay $0x1  }
0xb2: {  	s7 =	simm.s32 @p0 $0x1B8D  }
0xb3: {  	_ =	swait.eq @p0 [sflag:s7], $0x1  }
0xb4: {  	[sflag:s7] =	ssyncadd.s32 @p0 $0xFFFFFFFF  }
0xb5: {  	s8 =	sshll.u32 @!p0 s1, $0xE  }
0xb6: {  	s8 =	sor.u32 @!p0 $0x4000, s8;
	s7 =	simm.s32 @!p0 $0x1B8D  }
0xb7: {  	s6 =	sshll.u32 @!p0 s6, $0x11;
	s8 =	sadd.s32 @!p0 $0x11B8D, s8;
	_ =	swait.eq @!p0 [sflag:s7], $0x1  }
0xb8: {  	s6 =	sor.u32 @!p0 s6, s8;
	[sflag:s7] =	ssyncadd.s32 @!p0 $0xFFFFFFFF  }
0xb9: {  	s25 =	simm.s32 $0x1B8E;
	s24 =	sld [smem:$0x3FFE];
	[sflag:s6] =	ssyncadd.remote.s32 @!p0 $0x1  }
0xba: {  	s26 =	simm.s32 $execute0_lowered;
	[smem:$0x3FD2] =	sst s25  }
0xbb: {  	s7 =	sshll.u32 s26, $0x1;
	_ =	strace $0x80000049;
	[dreg:$0x1] =	wrdreg $0xFFFFFFFF  }
0xbc: {  	s28 =	simm.s32 $_size_execute0_lowered;
	s5 =	sadd.s32 s5, s7;
	[dreg:$0x0] =	wrdreg $0x0  }
0xbd: {  	s7 =	sshll.u32 s28, $0x1;
	[dreg:$0x2] =	wrdreg s5  }
0xbe: {  	[dreg:$0x3] =	wrdreg s7  }
0xbf: {  	[dreg:$0x4] =	wrdreg $0xC0  }
0xc0: {  	_ =	task [dreg:s22], $0x5FFFF  }
0xc1: {  	[dreg:$0x1] =	wrdreg $0xFFFFFFFF  }
0xc2: {  	[dreg:$0x0] =	wrdreg $0x60  }
0xc3: {  	[dreg:$0x2] =	wrdreg s2  }
0xc4: {  	[dreg:$0x3] =	wrdreg s17  }
0xc5: {  	[dreg:$0x4] =	wrdreg s24  }
0xc6: {  	[dreg:$0x5] =	wrdreg $0xA  }
0xc7: {  	_ =	task.clear_ibuf [dreg:s22], $0x6FFFF;
	_ =	strace $0x90000049  }
0xc8: {  	s29 =	simm.s32 $0xA;
	_ =	strace $0x8000004B  }
0xc9: {  	_ =	swait.ge [sflag:s29], $0x1  }
0xca: {  	[sflag:s29] =	ssyncadd.s32 $0xFFFFFFFF  }
0xcb: {  	_ =	strace $0x9000004B  }
0xcc: {  	_ =	sfence  }
0xcd: {  	s30 =	sld [smem:$0x0];
	_ =	sdelay $0x2  }
0xce: {  	s31 =	sshll.u32 s1, $0xD;
	s1 =	sshrl.u32 s1, $0x2  }
0xcf: {  	s4 =	sand.u32 $0x4000, s31;
	s1 =	sadd.s32 s1, s30  }
0xd0: {  	s0 =	sor.u32 s4, s0;
	s1 =	sshll.u32 s1, $0x11  }
0xd1: {  	s0 =	sor.u32 s1, s0  }
0xd2: {  	s0 =	sadd.s32 $0x8F2B, s0  }
0xd3: {  	[sflag:s0] =	ssyncadd.remote.s32 $0x1  }
0xd4: {  	_ =	sfence.sel $0xFFFF  }
0xd5: {  	[dreg:$0x0] =	wrdreg $0xFFFFFFFF;
	(pc) =	sbr.abs _section_cstart, $3  }
0xd6: {  	[dreg:$0x1] =	wrdreg $0xFFFFFFFF  }
0xd7: {  	_ =	task.clear_ibuf [dreg:s22], $0x2FFFF;
	_ =	strace $0x9FFFFFFF  }
0xd8: {  	(tm) =	ssettm $0x7FFFFFFF  }
0xd9: {  	_ =	shalt  }
tec
execute0_lowered:
.L_overlay_start_1:
0x0: {  	(tag) =	ssettag $0x1  }
0x1: {  	s2 =	rddreg [dreg:$0x0]  }
0x2: {  	s3 =	rddreg [dreg:$0x1]  }
0x3: {  	s7 =	rddreg [dreg:$0x2]  }
0x4: {  	s0 =	rddreg [dreg:$0x3];
	s1 =	srdreg.scid;
	_ =	strace $0x8000004A  }
0x5: {  	s4 =	simm.s32 $0x1;
	s9 =	simm.s32 $0x3;
	s5 =	sshll.u32 s1, $0x4  }
.Ltmp0:
0x6: {  	s1 =	stileid.u32;
	s5 =	sand.u32 $0x10, s5;
	(pc) =	sbr.rel .LBB2_1-.Ltmp0, $4  }
0x7: {  	s11 =	simm.s32 $0x0;
	p0 =	por $0x0, $0x0;
	s6 =	sor.u32 s1, s5  }
0x8: {  	[sflag:s4] =	ssyncpa.u1 $0x0;
	s5 =	simm.s32 $0x2;
	s6 =	sshll.u32 s6, $0x9  }
0x9: {  	s7 =	sadd.s32 $0x41000, s7;
	[sflag:s5] =	ssyncpa.u1 $0x0;
	s8 =	sadd.s32 $0x200, s6  }
0xa: {  	vm0 =	vmmov $0xff;
	vm1 =	vcmask $0x3F20;
	[sflag:s9] =	ssyncpa.u1 $0x0;
	s10 =	smov.u32 s6;
	s9 =	simm.s32 $0x0  }
.LBB2_7:
0xb: {  	p1 =	slt.u32 s9, $0x2;
	s11 =	sadd.s32 $0x100, s10  }
0xc: {  	s13 =	smov.u32 s6;
	s9 =	sadd.s32 $0x1, s9;
	p2 =	slt.s32 s11, s8  }
0xd: {  	s13 =	smov.u32 @p2 s11;
	p2 =	sne.s32 s9, $0x4  }
.Ltmp1:
0xe: {  	_ = 	snop;
	(pc) =	sbr.rel @!p2 .LBB2_8-.Ltmp1, $4  }
0xf: {  	s12 =	simm.s32 @!p1 $0x3  }
0x10: {  	_ =	swait.ge @!p1 [sflag:s12], $0x8000  }
0x11: {  	p0 =	por !p0, !p0;
	[sflag:s12] =	ssyncset.done @!p1 $0x0  }
0x12: {  	s11 =	smov.u32 s10;
	s10 =	smov.u32 s13;
	[sflag:s12] =	ssyncadd.s32 @!p1 $0xFFFF8000  }
.LBB2_1:
0x13: {  	p1 =	sgt.u32 s9, $0x1  }
0x14: {  	s12 =	sshll.u32 @!p1 s9, $0x8;
	s13 =	sshrl.u32 @!p1 s10, $0x3  }
0x15: {  	s14 =	sand.u32 @!p1 $0x7, s10;
	s12 =	sxor.u32 @!p1 $0x100, s12;
	s13 =	sadd.s32 @!p1 s3, s13  }
0x16: {  	[tilespmem:s12], [sflag:$0x2] =	stream.linear.gather @!p1 [hbm4b:s13+s14], $0x100, $0x38;
	[tilespmem:$0x10200] =	vst v63  }
0x17: {  	p1 =	seq.s32 s9, $0x0  }
0x18: {  	p2 =	seq.s32 @!p1 s9, $0x3  }
0x19: {  	p1 =	por p1, p2  }
.Ltmp2:
0x1a: {  	_ = 	snop;
	(pc) =	sbr.rel @p1 .LBB2_7-.Ltmp2, $1  }
0x1b: {  	_ =	sdelay $0x3  }
0x1c: {  	s12 =	simm.s32 $0x1  }
0x1d: {  	_ =	swait.ge [sflag:s5], $0x100;
	s12 =	simm.s32 @!p0 $0x0  }
0x1e: {  	[sflag:s5] =	ssyncset.done $0x0;
	s14 =	sshll.u32 s12, $0x8  }
0x1f: {  	[sflag:s5] =	ssyncadd.s32 $0xFFFFFF00;
	s13 =	sadd.s32 $0x0, s14  }
0x20: {  	v0 =	vld.msk [tilespmem:s13+$0x0 ss:$0x1], $0xffff;
	_ =	sdelay $0x4  }
0x21: {  	vm2 =	vgt.s32 v0, $0x0  }
0x22: {  	v0 =	vnsel vm2, $0x0, v0  }
0x23: {  	v0 =	vmin.u32 v0, $0x1869F  }
0x24: {  	v0 =	vshll.u32 v0, $0x4;
	_ =	sdelay $0x2  }
0x25: {  	s12 =	sshll.u32 s12, $0xF  }
0x26: {  	s12 =	sor.u32 $0x200, s12  }
0x27: {  	[tilespmem:s12], [sflag:$0x1] =	stream.indirect_vreg.gather [hbm:s2], $0x80, v0, vm0, $0x38;
	[tilespmem:$0x10200] =	vst v63  }
0x28: {  	s15 =	sadd.s32 $0x10, s14;
	s13 =	sadd.s32 $0x400, s12  }
0x29: {  	[tilespmem:s13], [sflag:$0x1] =	stream.indirect_vreg.gather [hbm:s2], $0x80, v0, vm1, $0x38;
	[tilespmem:$0x10200] =	vst v63  }
0x2a: {  	s16 =	simm.s32 $0x80;
	v0 =	vld.msk [tilespmem:s15+$0x0 ss:$0x1], $0xffff;
	s15 =	smov.u32 s12  }
.LBB2_3:
0x2b: {  	p1 =	sne.s32 s16, $0x3C0;
	_ =	sdelay $0x4  }
0x2c: {  	vm2 =	vgt.s32 v0, $0x0  }
0x2d: {  	v0 =	vnsel vm2, $0x0, v0  }
0x2e: {  	v0 =	vmin.u32 v0, $0x1869F  }
0x2f: {  	v0 =	vshll.u32 v0, $0x4;
	_ =	sdelay $0x3  }
.Ltmp3:
0x30: {  	s17 =	sshra.s32 s16, $0x2;
	s15 =	sadd.s32 $0x800, s15;
	(pc) =	sbr.rel @p1 .LBB2_3-.Ltmp3, $4  }
0x31: {  	[tilespmem:s15], [sflag:$0x1] =	stream.indirect_vreg.gather [hbm:s2], $0x80, v0, vm0, $0x38;
	[tilespmem:$0x10200] =	vst v63  }
0x32: {  	s17 =	sadd.s32 s17, s14;
	s18 =	sadd.s32 $0x400, s15  }
0x33: {  	[tilespmem:s18], [sflag:$0x1] =	stream.indirect_vreg.gather [hbm:s2], $0x80, v0, vm1, $0x38;
	[tilespmem:$0x10200] =	vst v63  }
0x34: {  	s16 =	sadd.s32 $0x40, s16;
	v0 =	vld.msk [tilespmem:s17+$0x0 ss:$0x1], $0xffff  }
0x35: {  	_ =	sdelay $0x3  }
0x36: {  	vm2 =	vgt.s32 v0, $0x0  }
0x37: {  	v0 =	vnsel vm2, $0x0, v0  }
0x38: {  	v0 =	vmin.u32 v0, $0x1869F  }
0x39: {  	v0 =	vshll.u32 v0, $0x4;
	_ =	sdelay $0x3  }
0x3a: {  	s14 =	sadd.s32 $0x800, s15  }
0x3b: {  	[tilespmem:s14], [sflag:$0x1] =	stream.indirect_vreg.gather [hbm:s2], $0x80, v0, vm0, $0x38;
	[tilespmem:$0x10200] =	vst v63  }
0x3c: {  	s14 =	sadd.s32 $0x400, s14  }
0x3d: {  	[tilespmem:s14], [sflag:$0x1] =	stream.indirect_vreg.gather [hbm:s2], $0x80, v0, vm1, $0x38;
	[tilespmem:$0x10200] =	vst v63  }
0x3e: {  	s11 =	sshll.u32 s11, $0x4;
	_ =	swait.ge [sflag:s4], $0x8000  }
0x3f: {  	s11 =	sadd.s32 s11, s7;
	[sflag:s4] =	ssyncset.done $0x0  }
0x40: {  	s15 =	sadd.s32 $0x0, s11;
	s14 =	simm.s32 $0x80;
	[sflag:s4] =	ssyncadd.s32 $0xFFFF8000  }
.LBB2_5:
0x41: {  	[hbm:s15] =	stream.linear.scatter [tilespmem:s12], [sflag:$0x3], $0x400, $0x38;
	[tilespmem:$0x10200] =	vst v63  }
0x42: {  	s15 =	smov.u32 s14;
	s12 =	smov.u32 s13;
	p1 =	sne.s32 s14, $0xF80  }
.Ltmp4:
0x43: {  	s14 =	sadd.s32 $0x80, s14;
	(pc) =	sbr.rel @p1 .LBB2_5-.Ltmp4, $2  }
0x44: {  	_ =	sdelay $0x2  }
0x45: {  	s13 =	sadd.s32 $0x400, s13;
	s15 =	sadd.s32 s15, s11  }
.Ltmp5:
0x46: {  	(pc) =	sbr.rel .LBB2_7-.Ltmp5, $2  }
0x47: {  	_ =	sdelay $0x2  }
0x48: {  	[hbm:s15] =	stream.linear.scatter [tilespmem:s12], [sflag:$0x3], $0x400, $0x38;
	[tilespmem:$0x10200] =	vst v63  }
.LBB2_8:
0x49: {  	_ =	sfence.sel $0x180000  }
0x4a: {  	s2 =	simm.s32 $0x2;
	[bflag:$0x0] =	sbarrier.arrive $0xFFFF  }
0x4b: {  	s30 =	simm.s32 $0x3;
	[sflag:s2] =	ssyncpa.u1 $0x1  }
0x4c: {  	s31 =	simm.s32 $0x1;
	[sflag:s30] =	ssyncpa.u1 $0x1  }
0x4d: {  	[sflag:s31] =	ssyncpa.u1 $0x1  }
0x4e: {  	p0 =	sne.s32 s1, $0x0;
	_ =	strace $0x9000004A  }
0x4f: {  	s0 =	sadd.s32 @!p0 $0x100000, s0;
	[bflag:$0x2] =	sbarrier.arrive $0xFFFF  }
0x50: {  	[sflag:s0] =	ssyncadd.tile.s32 @!p0 $0x1;
	_ =	shalt  }
.Lfunc_end2:
_tile_overlayer_lowered:
.L_overlay_start_2:
0x51: {  	(tag) =	ssettag $0x2  }
0x52: {  	s0 =	rddreg [dreg:$0x0];
	s2 =	stileid.u32  }
0x53: {  	s1 =	rddreg [dreg:$0x1];
	p0 =	sne.s32 s2, $0x0  }
0x54: {  	s3 =	rddreg [dreg:$0x2];
	[bflag:$0x3] =	sbarrier.arrive $0xFFFF;
	s2 =	simm.s32 @!p0 $0x1C01  }
0x55: {  	[timem:s3], [sflag:s2] =	dma.local @!p0 [hbm:s0], s1  }
0x56: {  	s0 =	simm.s32 @!p0 $0x1  }
0x57: {  	_ =	swait.ge @!p0 [sflag:s0], s1  }
0x58: {  	s1 =	ssub.s32 @!p0 $0x0, s1;
	[sflag:s0] =	ssyncset.done @!p0 $0x0  }
0x59: {  	[sflag:s0] =	ssyncadd.s32 @!p0 s1  }
0x5a: {  	[bflag:$0x3] =	sbarrier.arrive $0xFFFF  }
0x5b: {  	_ =	shalt  }

// kernel: gather_offload_async_start.2
scs
__scs_entry_jumppad:
0x0: {  	(pc) =	sbr.rel $0x88, $3  }
0x1: {  	(tag) =	ssettag $0x0;
	lr =	simm.s32 $0x1  }
0x2: {  	[smem:$0x3F9B] =	sst lr;
	_ =	strace $0xD0000000  }
0x3: {  	_ = 	snop  }
0x4: {  	_ = 	snop  }
0x5: {  	_ = 	snop  }
0x6: {  	_ = 	snop  }
0x7: {  	_ = 	snop  }
__scs_overlays_trampoline_lowered:
0x8: {  	[smem:$0x3FAA] =	sst s0  }
0x9: {  	[smem:$0x3FAB] =	sst s1  }
0xa: {  	[smem:$0x3FAC] =	sst s2  }
0xb: {  	[smem:$0x3FAD] =	sst s3  }
0xc: {  	[smem:$0x3FAE] =	sst s4  }
0xd: {  	[smem:$0x3FAF] =	sst s5  }
0xe: {  	[smem:$0x3FB0] =	sst s6  }
0xf: {  	[smem:$0x3FB1] =	sst s7  }
0x10: {  	[smem:$0x3FB2] =	sst s8  }
0x11: {  	[smem:$0x3FB3] =	sst s9;
	s0 =	simm.s32 @!p0 $0x0  }
0x12: {  	s1 =	sld [smem:$0x3F99];
	s0 =	simm.s32 @p0 $0x1  }
0x13: {  	[smem:$0x3FB4] =	sst s0;
	s0 =	simm.s32 @!p1 $0x0  }
0x14: {  	s2 =	sld [smem:$0x3F98];
	s0 =	simm.s32 @p1 $0x1  }
0x15: {  	[smem:$0x3FB5] =	sst s0;
	s0 =	simm.s32 @!p2 $0x0  }
0x16: {  	s3 =	sld [smem:$0x3FDB];
	s0 =	simm.s32 @p2 $0x1  }
0x17: {  	s4 =	simm.s32 $0x1BF5;
	[smem:$0x3FB7] =	sst s0  }
0x18: {  	s0 =	sld [smem:$0x3F9A];
	_ =	swait.ge [sflag:s4], $0x0  }
0x19: {  	s7 =	sld [smem:$0x3F9B]  }
0x1a: {  	s8 =	sadd.s32 $0xFFFFE003, lr  }
0x1b: {  	s9 =	sadd.s32 $0xFFFFFEF7, lr;
	s5 =	simm.s32 $0xFFFFFFFF;
	p2 =	slt.u32 s8, $0xFFFFF086  }
0x1c: {  	p1 =	slt.u32 s9, $0xF7A;
	s5 =	simm.s32 @!p2 $0x0  }
0x1d: {  	s5 =	simm.s32 @p1 $0x1;
	p0 =	seq.s32 s7, s2  }
0x1e: {  	s7 =	smul.u32 @!p0 $0xF7A, s2;
	p2 =	seq.s32 @!p0 s5, $0x0  }
0x1f: {  	s9 =	smul.u32 $0xF7A, s1;
	s8 =	simm.s32 @!p0 $0x1BF5;
	p2 =	por !p2, p0  }
0x20: {  	[sflag:s8] =	ssyncset.s32 @!p0 $0xFFFFF086;
	s6 =	sadd.s32 @!p0 s3, s7;
	s7 =	simm.s32 @!p0 $0x108  }
0x21: {  	s3 =	sadd.s32 s3, s9;
	s6 =	sadd.s32 @!p0 $0x88, s6;
	s7 =	simm.s32 @p2 $0x1082  }
0x22: {  	[simem:s7], [sflag:s8] =	dma.local @!p0 [hbm:s6], $0xF7A  }
0x23: {  	s9 =	sor.u32 $0xD0000000, s2;
	s6 =	simm.s32 $0x108;
	_ =	swait.ge @!p0 [sflag:s8], $0x0  }
0x24: {  	s3 =	sadd.s32 $0x88, s3;
	s6 =	simm.s32 @!p1 $0x1082;
	[sflag:s4] =	ssyncset.s32 $0xFFFFF086  }
0x25: {  	[simem:s6], [sflag:s4] =	dma.local [hbm:s3], $0xF7A  }
0x26: {  	[smem:$0x3F9B] =	sst s1;
	(tag) =	ssettag s2;
	_ =	strace s9  }
0x27: {  	s1 =	sld [smem:$0x3FAB]  }
0x28: {  	s2 =	sld [smem:$0x3FAC]  }
0x29: {  	s4 =	sld [smem:$0x3FAE]  }
0x2a: {  	p0 =	seq.s32 s5, $0x0;
	s5 =	sld [smem:$0x3FAF]  }
0x2b: {  	s6 =	sld [smem:$0x3FB0]  }
0x2c: {  	s7 =	sld [smem:$0x3FB1]  }
0x2d: {  	s3 =	simm.s32 $0x108;
	s8 =	sld [smem:$0x3FB2]  }
0x2e: {  	s3 =	simm.s32 @!p0 $0x1082;
	s9 =	sld [smem:$0x3FB3]  }
0x2f: {  	lr =	sadd.s32 s0, s3;
	s0 =	sld [smem:$0x3FAA]  }
0x30: {  	s3 =	sld [smem:$0x3FAD]  }
0x31: {  	[smem:$0x3FB6] =	sst s10  }
0x32: {  	s10 =	sld [smem:$0x3FB4];
	_ =	sdelay $0x3  }
0x33: {  	p0 =	seq.s32 s10, $0x1;
	s10 =	sld [smem:$0x3FB6];
	_ =	sdelay $0x3  }
0x34: {  	[smem:$0x3FB6] =	sst s10  }
0x35: {  	s10 =	sld [smem:$0x3FB5];
	_ =	sdelay $0x3  }
0x36: {  	p1 =	seq.s32 s10, $0x1;
	s10 =	sld [smem:$0x3FB6];
	_ =	sdelay $0x3  }
0x37: {  	[smem:$0x3FB6] =	sst s10  }
0x38: {  	s10 =	sld [smem:$0x3FB7]  }
0x39: {  	_ = 	snop;
	(pc) =	sbr.ind lr, $3  }
0x3a: {  	_ = 	snop  }
0x3b: {  	_ = 	snop  }
0x3c: {  	p2 =	seq.s32 s10, $0x1;
	s10 =	sld [smem:$0x3FB6]  }
0x3d: {  	_ =	shalt  }
0x3e: {  	_ =	shalt  }
0x3f: {  	_ =	shalt  }
0x40: {  	_ =	shalt  }
0x41: {  	_ =	shalt  }
0x42: {  	_ =	shalt  }
0x43: {  	_ =	shalt  }
0x44: {  	_ =	shalt  }
0x45: {  	_ =	shalt  }
0x46: {  	_ =	shalt  }
0x47: {  	_ =	shalt  }
0x48: {  	_ =	shalt  }
0x49: {  	_ =	shalt  }
0x4a: {  	_ =	shalt  }
0x4b: {  	_ =	shalt  }
0x4c: {  	_ =	shalt  }
0x4d: {  	_ =	shalt  }
0x4e: {  	_ =	shalt  }
0x4f: {  	_ =	shalt  }
0x50: {  	_ =	shalt  }
0x51: {  	_ =	shalt  }
0x52: {  	_ =	shalt  }
0x53: {  	_ =	shalt  }
0x54: {  	_ =	shalt  }
0x55: {  	_ =	shalt  }
0x56: {  	_ =	shalt  }
0x57: {  	_ =	shalt  }
0x58: {  	_ =	shalt  }
0x59: {  	_ =	shalt  }
0x5a: {  	_ =	shalt  }
0x5b: {  	_ =	shalt  }
0x5c: {  	_ =	shalt  }
0x5d: {  	_ =	shalt  }
0x5e: {  	_ =	shalt  }
0x5f: {  	_ =	shalt  }
0x60: {  	_ =	shalt  }
0x61: {  	_ =	shalt  }
0x62: {  	_ =	shalt  }
0x63: {  	_ =	shalt  }
0x64: {  	_ =	shalt  }
0x65: {  	_ =	shalt  }
0x66: {  	_ =	shalt  }
0x67: {  	_ =	shalt  }
0x68: {  	_ =	shalt  }
0x69: {  	_ =	shalt  }
0x6a: {  	_ =	shalt  }
0x6b: {  	_ =	shalt  }
0x6c: {  	_ =	shalt  }
0x6d: {  	_ =	shalt  }
0x6e: {  	_ =	shalt  }
0x6f: {  	_ =	shalt  }
0x70: {  	_ =	shalt  }
0x71: {  	_ =	shalt  }
0x72: {  	_ =	shalt  }
0x73: {  	_ =	shalt  }
0x74: {  	_ =	shalt  }
0x75: {  	_ =	shalt  }
0x76: {  	_ =	shalt  }
0x77: {  	_ =	shalt  }
0x78: {  	_ =	shalt  }
0x79: {  	_ =	shalt  }
0x7a: {  	_ =	shalt  }
0x7b: {  	_ =	shalt  }
0x7c: {  	_ =	shalt  }
0x7d: {  	_ =	shalt  }
0x7e: {  	_ =	shalt  }
0x7f: {  	_ =	shalt  }
0x80: {  	_ =	shalt  }
0x81: {  	_ =	shalt  }
0x82: {  	_ =	shalt  }
0x83: {  	_ =	shalt  }
0x84: {  	_ =	shalt  }
0x85: {  	_ =	shalt  }
0x86: {  	_ =	shalt  }
0x87: {  	_ =	shalt  }
.Lfunc_end0:
.L_simem_size_0:
called_computation.5_lowered:
.L_overlay_start_0:
0x88: {  	s2 =	sld [smem:$0x3FD9]  }
0x89: {  	s3 =	sld [smem:$0x3FFE];
	_ =	sdelay $0x1  }
0x8a: {  	s1 =	srdreg.scid  }
0x8b: {  	s0 =	sand.u32 $0x1, s1  }
0x8c: {  	s17 =	sshll.u32 s0, $0xA;
	s2 =	sadd.s32 s3, s2  }
0x8d: {  	s2 =	sadd.s32 s2, s17  }
0x8e: {  	[smem:$0x3FC2] =	sst s2  }
0x8f: {  	_ = 	snop  }
0x90: {  	s2 =	sld [smem:$0x3FC5];
	(tm) =	ssettm $0x1  }
0x91: {  	s18 =	sld [smem:$0x3FFB];
	_ =	sdelay $0x3  }
0x92: {  	_ =	strace s18  }
0x93: {  	s3 =	sld [smem:$0x3FFC];
	_ =	sdelay $0x3  }
0x94: {  	_ =	strace s3  }
0x95: {  	s3 =	sld [smem:$0x3FFD];
	_ =	sdelay $0x3  }
0x96: {  	_ =	strace s3  }
0x97: {  	_ =	strace $0x8FFFFFFF  }
0x98: {  	s19 =	sld [smem:$0x3FDB];
	_ =	sdelay $0x1  }
0x99: {  	s4 =	simm.s32 $_scs_section_size  }
0x9a: {  	s5 =	simm.s32 $_size__tile_overlayer_lowered;
	s6 =	simm.s32 $_tile_overlayer_lowered  }
0x9b: {  	s22 =	simm.s32 $0x1BFF;
	s21 =	sshll.u32 s6, $0x1;
	s3 =	sadd.s32 s4, s19  }
0x9c: {  	s7 =	simm.s32 $0x0;
	s20 =	sshll.u32 s5, $0x1;
	s5 =	sadd.s32 s21, s3  }
0x9d: {  	[timem:s7], [sflag:s22] =	dma.local [hbm:s5], s20  }
0x9e: {  	_ =	swait.ge [sflag:s22], s20  }
0x9f: {  	s4 =	ssub.s32 $0x0, s20;
	[sflag:s22] =	ssyncset.done $0x0  }
0xa0: {  	[sflag:s22] =	ssyncadd.s32 s4;
	_ =	sdelay $0x1  }
0xa1: {  	s23 =	simm.s32 $0x1B8B  }
0xa2: {  	_ =	swait.ge [sflag:s23], $0x1  }
0xa3: {  	[sflag:s23] =	ssyncset.done $0x0  }
0xa4: {  	s25 =	simm.s32 $0x1B8E;
	s24 =	sld [smem:$0x3FFE];
	[sflag:s23] =	ssyncadd.s32 $0xFFFFFFFF  }
0xa5: {  	s26 =	simm.s32 $execute0_lowered;
	[smem:$0x3FD2] =	sst s25  }
0xa6: {  	s5 =	sshll.u32 s26, $0x1;
	_ =	strace $0x80000046;
	[dreg:$0x1] =	wrdreg $0xFFFFFFFF  }
0xa7: {  	s28 =	simm.s32 $_size_execute0_lowered;
	s3 =	sadd.s32 s3, s5;
	[dreg:$0x0] =	wrdreg $0x0  }
0xa8: {  	s5 =	sshll.u32 s28, $0x1;
	[dreg:$0x2] =	wrdreg s3  }
0xa9: {  	[dreg:$0x3] =	wrdreg s5  }
0xaa: {  	[dreg:$0x4] =	wrdreg $0xC0  }
0xab: {  	_ =	task [dreg:s7], $0x5FFFF  }
0xac: {  	[dreg:$0x1] =	wrdreg $0xFFFFFFFF  }
0xad: {  	[dreg:$0x0] =	wrdreg $0x60  }
0xae: {  	[dreg:$0x2] =	wrdreg s2  }
0xaf: {  	[dreg:$0x3] =	wrdreg s24  }
0xb0: {  	[dreg:$0x4] =	wrdreg $0xB  }
0xb1: {  	_ =	task.clear_ibuf [dreg:s7], $0x5FFFF;
	_ =	strace $0x90000046  }
0xb2: {  	s29 =	simm.s32 $0xB;
	_ =	strace $0x80000048  }
0xb3: {  	_ =	swait.ge [sflag:s29], $0x1  }
0xb4: {  	[sflag:s29] =	ssyncadd.s32 $0xFFFFFFFF  }
0xb5: {  	_ =	strace $0x90000048  }
0xb6: {  	_ =	sfence  }
0xb7: {  	s30 =	sld [smem:$0x0];
	_ =	sdelay $0x2  }
0xb8: {  	s31 =	sshll.u32 s1, $0xD;
	s1 =	sshrl.u32 s1, $0x2  }
0xb9: {  	s3 =	sand.u32 $0x4000, s31;
	s1 =	sadd.s32 s1, s30  }
0xba: {  	s0 =	sor.u32 s3, s0;
	s1 =	sshll.u32 s1, $0x11  }
0xbb: {  	s0 =	sor.u32 s1, s0  }
0xbc: {  	s0 =	sadd.s32 $0x8F2B, s0  }
0xbd: {  	[sflag:s0] =	ssyncadd.remote.s32 $0x1  }
0xbe: {  	_ =	sfence.sel $0xFFFF  }
0xbf: {  	[dreg:$0x0] =	wrdreg $0xFFFFFFFF;
	(pc) =	sbr.abs _section_cstart, $3  }
0xc0: {  	[dreg:$0x1] =	wrdreg $0xFFFFFFFF  }
0xc1: {  	_ =	task.clear_ibuf [dreg:s7], $0x2FFFF;
	_ =	strace $0x9FFFFFFF  }
0xc2: {  	(tm) =	ssettm $0x7FFFFFFF  }
0xc3: {  	_ =	shalt  }
tec
execute0_lowered:
.L_overlay_start_1:
0x0: {  	(tag) =	ssettag $0x1  }
0x1: {  	s2 =	rddreg [dreg:$0x0]  }
0x2: {  	s3 =	rddreg [dreg:$0x1]  }
0x3: {  	s0 =	rddreg [dreg:$0x2];
	s1 =	srdreg.scid;
	_ =	strace $0x80000047  }
0x4: {  	s4 =	simm.s32 $0x1;
	s9 =	simm.s32 $0x3;
	s5 =	sshll.u32 s1, $0x4  }
.Ltmp0:
0x5: {  	s1 =	stileid.u32;
	s5 =	sand.u32 $0x10, s5;
	(pc) =	sbr.rel .LBB2_1-.Ltmp0, $4  }
0x6: {  	s11 =	simm.s32 $0x0;
	p0 =	por $0x0, $0x0;
	s6 =	sor.u32 s1, s5  }
0x7: {  	[sflag:s4] =	ssyncpa.u1 $0x0;
	s5 =	simm.s32 $0x2;
	s6 =	sshll.u32 s6, $0x9  }
0x8: {  	s7 =	sadd.s32 $0x1000, s3;
	[sflag:s5] =	ssyncpa.u1 $0x0;
	s8 =	sadd.s32 $0x200, s6  }
0x9: {  	vm0 =	vmmov $0xff;
	vm1 =	vcmask $0x3F20;
	[sflag:s9] =	ssyncpa.u1 $0x0;
	s10 =	smov.u32 s6;
	s9 =	simm.s32 $0x0  }
.LBB2_7:
0xa: {  	p1 =	slt.u32 s9, $0x2;
	s11 =	sadd.s32 $0x100, s10  }
0xb: {  	s13 =	smov.u32 s6;
	s9 =	sadd.s32 $0x1, s9;
	p2 =	slt.s32 s11, s8  }
0xc: {  	s13 =	smov.u32 @p2 s11;
	p2 =	sne.s32 s9, $0x4  }
.Ltmp1:
0xd: {  	_ = 	snop;
	(pc) =	sbr.rel @!p2 .LBB2_8-.Ltmp1, $4  }
0xe: {  	s12 =	simm.s32 @!p1 $0x3  }
0xf: {  	_ =	swait.ge @!p1 [sflag:s12], $0x8000  }
0x10: {  	p0 =	por !p0, !p0;
	[sflag:s12] =	ssyncset.done @!p1 $0x0  }
0x11: {  	s11 =	smov.u32 s10;
	s10 =	smov.u32 s13;
	[sflag:s12] =	ssyncadd.s32 @!p1 $0xFFFF8000  }
.LBB2_1:
0x12: {  	p1 =	sgt.u32 s9, $0x1  }
0x13: {  	s12 =	sshll.u32 @!p1 s9, $0x8;
	s13 =	sshrl.u32 @!p1 s10, $0x3  }
0x14: {  	s14 =	sand.u32 @!p1 $0x7, s10;
	s12 =	sxor.u32 @!p1 $0x100, s12;
	s13 =	sadd.s32 @!p1 s3, s13  }
0x15: {  	[tilespmem:s12], [sflag:$0x2] =	stream.linear.gather @!p1 [hbm4b:s13+s14], $0x100, $0x38;
	[tilespmem:$0x10200] =	vst v63  }
0x16: {  	p1 =	seq.s32 s9, $0x0  }
0x17: {  	p2 =	seq.s32 @!p1 s9, $0x3  }
0x18: {  	p1 =	por p1, p2  }
.Ltmp2:
0x19: {  	_ = 	snop;
	(pc) =	sbr.rel @p1 .LBB2_7-.Ltmp2, $1  }
0x1a: {  	_ =	sdelay $0x3  }
0x1b: {  	s12 =	simm.s32 $0x1  }
0x1c: {  	_ =	swait.ge [sflag:s5], $0x100;
	s12 =	simm.s32 @!p0 $0x0  }
0x1d: {  	[sflag:s5] =	ssyncset.done $0x0;
	s14 =	sshll.u32 s12, $0x8  }
0x1e: {  	[sflag:s5] =	ssyncadd.s32 $0xFFFFFF00;
	s13 =	sadd.s32 $0x0, s14  }
0x1f: {  	v0 =	vld.msk [tilespmem:s13+$0x0 ss:$0x1], $0xffff;
	_ =	sdelay $0x4  }
0x20: {  	vm2 =	vgt.s32 v0, $0x0  }
0x21: {  	v0 =	vnsel vm2, $0x0, v0  }
0x22: {  	v0 =	vmin.u32 v0, $0x1869F  }
0x23: {  	v0 =	vshll.u32 v0, $0x4;
	_ =	sdelay $0x2  }
0x24: {  	s12 =	sshll.u32 s12, $0xF  }
0x25: {  	s12 =	sor.u32 $0x200, s12  }
0x26: {  	[tilespmem:s12], [sflag:$0x1] =	stream.indirect_vreg.gather [hbm:s2], $0x80, v0, vm0, $0x38;
	[tilespmem:$0x10200] =	vst v63  }
0x27: {  	s15 =	sadd.s32 $0x10, s14;
	s13 =	sadd.s32 $0x400, s12  }
0x28: {  	[tilespmem:s13], [sflag:$0x1] =	stream.indirect_vreg.gather [hbm:s2], $0x80, v0, vm1, $0x38;
	[tilespmem:$0x10200] =	vst v63  }
0x29: {  	s16 =	simm.s32 $0x80;
	v0 =	vld.msk [tilespmem:s15+$0x0 ss:$0x1], $0xffff;
	s15 =	smov.u32 s12  }
.LBB2_3:
0x2a: {  	p1 =	sne.s32 s16, $0x3C0;
	_ =	sdelay $0x4  }
0x2b: {  	vm2 =	vgt.s32 v0, $0x0  }
0x2c: {  	v0 =	vnsel vm2, $0x0, v0  }
0x2d: {  	v0 =	vmin.u32 v0, $0x1869F  }
0x2e: {  	v0 =	vshll.u32 v0, $0x4;
	_ =	sdelay $0x3  }
.Ltmp3:
0x2f: {  	s17 =	sshra.s32 s16, $0x2;
	s15 =	sadd.s32 $0x800, s15;
	(pc) =	sbr.rel @p1 .LBB2_3-.Ltmp3, $4  }
0x30: {  	[tilespmem:s15], [sflag:$0x1] =	stream.indirect_vreg.gather [hbm:s2], $0x80, v0, vm0, $0x38;
	[tilespmem:$0x10200] =	vst v63  }
0x31: {  	s17 =	sadd.s32 s17, s14;
	s18 =	sadd.s32 $0x400, s15  }
0x32: {  	[tilespmem:s18], [sflag:$0x1] =	stream.indirect_vreg.gather [hbm:s2], $0x80, v0, vm1, $0x38;
	[tilespmem:$0x10200] =	vst v63  }
0x33: {  	s16 =	sadd.s32 $0x40, s16;
	v0 =	vld.msk [tilespmem:s17+$0x0 ss:$0x1], $0xffff  }
0x34: {  	_ =	sdelay $0x3  }
0x35: {  	vm2 =	vgt.s32 v0, $0x0  }
0x36: {  	v0 =	vnsel vm2, $0x0, v0  }
0x37: {  	v0 =	vmin.u32 v0, $0x1869F  }
0x38: {  	v0 =	vshll.u32 v0, $0x4;
	_ =	sdelay $0x3  }
0x39: {  	s14 =	sadd.s32 $0x800, s15  }
0x3a: {  	[tilespmem:s14], [sflag:$0x1] =	stream.indirect_vreg.gather [hbm:s2], $0x80, v0, vm0, $0x38;
	[tilespmem:$0x10200] =	vst v63  }
0x3b: {  	s14 =	sadd.s32 $0x400, s14  }
0x3c: {  	[tilespmem:s14], [sflag:$0x1] =	stream.indirect_vreg.gather [hbm:s2], $0x80, v0, vm1, $0x38;
	[tilespmem:$0x10200] =	vst v63  }
0x3d: {  	s11 =	sshll.u32 s11, $0x4;
	_ =	swait.ge [sflag:s4], $0x8000  }
0x3e: {  	s11 =	sadd.s32 s11, s7;
	[sflag:s4] =	ssyncset.done $0x0  }
0x3f: {  	s15 =	sadd.s32 $0x0, s11;
	s14 =	simm.s32 $0x80;
	[sflag:s4] =	ssyncadd.s32 $0xFFFF8000  }
.LBB2_5:
0x40: {  	[hbm:s15] =	stream.linear.scatter [tilespmem:s12], [sflag:$0x3], $0x400, $0x38;
	[tilespmem:$0x10200] =	vst v63  }
0x41: {  	s15 =	smov.u32 s14;
	s12 =	smov.u32 s13;
	p1 =	sne.s32 s14, $0xF80  }
.Ltmp4:
0x42: {  	s14 =	sadd.s32 $0x80, s14;
	(pc) =	sbr.rel @p1 .LBB2_5-.Ltmp4, $2  }
0x43: {  	_ =	sdelay $0x2  }
0x44: {  	s13 =	sadd.s32 $0x400, s13;
	s15 =	sadd.s32 s15, s11  }
.Ltmp5:
0x45: {  	(pc) =	sbr.rel .LBB2_7-.Ltmp5, $2  }
0x46: {  	_ =	sdelay $0x2  }
0x47: {  	[hbm:s15] =	stream.linear.scatter [tilespmem:s12], [sflag:$0x3], $0x400, $0x38;
	[tilespmem:$0x10200] =	vst v63  }
.LBB2_8:
0x48: {  	_ =	sfence.sel $0x180000  }
0x49: {  	s2 =	simm.s32 $0x2;
	[bflag:$0x0] =	sbarrier.arrive $0xFFFF  }
0x4a: {  	s30 =	simm.s32 $0x3;
	[sflag:s2] =	ssyncpa.u1 $0x1  }
0x4b: {  	s31 =	simm.s32 $0x1;
	[sflag:s30] =	ssyncpa.u1 $0x1  }
0x4c: {  	[sflag:s31] =	ssyncpa.u1 $0x1  }
0x4d: {  	p0 =	sne.s32 s1, $0x0;
	_ =	strace $0x90000047  }
0x4e: {  	s0 =	sadd.s32 @!p0 $0x100000, s0;
	[bflag:$0x2] =	sbarrier.arrive $0xFFFF  }
0x4f: {  	[sflag:s0] =	ssyncadd.tile.s32 @!p0 $0x1;
	_ =	shalt  }
.Lfunc_end2:
_tile_overlayer_lowered:
.L_overlay_start_2:
0x50: {  	(tag) =	ssettag $0x2  }
0x51: {  	s0 =	rddreg [dreg:$0x0];
	s2 =	stileid.u32  }
0x52: {  	s1 =	rddreg [dreg:$0x1];
	p0 =	sne.s32 s2, $0x0  }
0x53: {  	s3 =	rddreg [dreg:$0x2];
	[bflag:$0x3] =	sbarrier.arrive $0xFFFF;
	s2 =	simm.s32 @!p0 $0x1C01  }
0x54: {  	[timem:s3], [sflag:s2] =	dma.local @!p0 [hbm:s0], s1  }
0x55: {  	s0 =	simm.s32 @!p0 $0x1  }
0x56: {  	_ =	swait.ge @!p0 [sflag:s0], s1  }
0x57: {  	s1 =	ssub.s32 @!p0 $0x0, s1;
	[sflag:s0] =	ssyncset.done @!p0 $0x0  }
0x58: {  	[sflag:s0] =	ssyncadd.s32 @!p0 s1  }
0x59: {  	[bflag:$0x3] =	sbarrier.arrive $0xFFFF  }
0x5a: {  	_ =	shalt  }

// kernel: gather_offload_async_start
scs
__scs_entry_jumppad:
0x0: {  	(pc) =	sbr.rel $0x88, $3  }
0x1: {  	(tag) =	ssettag $0x0;
	lr =	simm.s32 $0x1  }
0x2: {  	[smem:$0x3F9B] =	sst lr;
	_ =	strace $0xD0000000  }
0x3: {  	_ = 	snop  }
0x4: {  	_ = 	snop  }
0x5: {  	_ = 	snop  }
0x6: {  	_ = 	snop  }
0x7: {  	_ = 	snop  }
__scs_overlays_trampoline_lowered:
0x8: {  	[smem:$0x3FAA] =	sst s0  }
0x9: {  	[smem:$0x3FAB] =	sst s1  }
0xa: {  	[smem:$0x3FAC] =	sst s2  }
0xb: {  	[smem:$0x3FAD] =	sst s3  }
0xc: {  	[smem:$0x3FAE] =	sst s4  }
0xd: {  	[smem:$0x3FAF] =	sst s5  }
0xe: {  	[smem:$0x3FB0] =	sst s6  }
0xf: {  	[smem:$0x3FB1] =	sst s7  }
0x10: {  	[smem:$0x3FB2] =	sst s8  }
0x11: {  	[smem:$0x3FB3] =	sst s9;
	s0 =	simm.s32 @!p0 $0x0  }
0x12: {  	s1 =	sld [smem:$0x3F99];
	s0 =	simm.s32 @p0 $0x1  }
0x13: {  	[smem:$0x3FB4] =	sst s0;
	s0 =	simm.s32 @!p1 $0x0  }
0x14: {  	s2 =	sld [smem:$0x3F98];
	s0 =	simm.s32 @p1 $0x1  }
0x15: {  	[smem:$0x3FB5] =	sst s0;
	s0 =	simm.s32 @!p2 $0x0  }
0x16: {  	s3 =	sld [smem:$0x3FDB];
	s0 =	simm.s32 @p2 $0x1  }
0x17: {  	s4 =	simm.s32 $0x1BF5;
	[smem:$0x3FB7] =	sst s0  }
0x18: {  	s0 =	sld [smem:$0x3F9A];
	_ =	swait.ge [sflag:s4], $0x0  }
0x19: {  	s7 =	sld [smem:$0x3F9B]  }
0x1a: {  	s8 =	sadd.s32 $0xFFFFE003, lr  }
0x1b: {  	s9 =	sadd.s32 $0xFFFFFEF7, lr;
	s5 =	simm.s32 $0xFFFFFFFF;
	p2 =	slt.u32 s8, $0xFFFFF086  }
0x1c: {  	p1 =	slt.u32 s9, $0xF7A;
	s5 =	simm.s32 @!p2 $0x0  }
0x1d: {  	s5 =	simm.s32 @p1 $0x1;
	p0 =	seq.s32 s7, s2  }
0x1e: {  	s7 =	smul.u32 @!p0 $0xF7A, s2;
	p2 =	seq.s32 @!p0 s5, $0x0  }
0x1f: {  	s9 =	smul.u32 $0xF7A, s1;
	s8 =	simm.s32 @!p0 $0x1BF5;
	p2 =	por !p2, p0  }
0x20: {  	[sflag:s8] =	ssyncset.s32 @!p0 $0xFFFFF086;
	s6 =	sadd.s32 @!p0 s3, s7;
	s7 =	simm.s32 @!p0 $0x108  }
0x21: {  	s3 =	sadd.s32 s3, s9;
	s6 =	sadd.s32 @!p0 $0x88, s6;
	s7 =	simm.s32 @p2 $0x1082  }
0x22: {  	[simem:s7], [sflag:s8] =	dma.local @!p0 [hbm:s6], $0xF7A  }
0x23: {  	s9 =	sor.u32 $0xD0000000, s2;
	s6 =	simm.s32 $0x108;
	_ =	swait.ge @!p0 [sflag:s8], $0x0  }
0x24: {  	s3 =	sadd.s32 $0x88, s3;
	s6 =	simm.s32 @!p1 $0x1082;
	[sflag:s4] =	ssyncset.s32 $0xFFFFF086  }
0x25: {  	[simem:s6], [sflag:s4] =	dma.local [hbm:s3], $0xF7A  }
0x26: {  	[smem:$0x3F9B] =	sst s1;
	(tag) =	ssettag s2;
	_ =	strace s9  }
0x27: {  	s1 =	sld [smem:$0x3FAB]  }
0x28: {  	s2 =	sld [smem:$0x3FAC]  }
0x29: {  	s4 =	sld [smem:$0x3FAE]  }
0x2a: {  	p0 =	seq.s32 s5, $0x0;
	s5 =	sld [smem:$0x3FAF]  }
0x2b: {  	s6 =	sld [smem:$0x3FB0]  }
0x2c: {  	s7 =	sld [smem:$0x3FB1]  }
0x2d: {  	s3 =	simm.s32 $0x108;
	s8 =	sld [smem:$0x3FB2]  }
0x2e: {  	s3 =	simm.s32 @!p0 $0x1082;
	s9 =	sld [smem:$0x3FB3]  }
0x2f: {  	lr =	sadd.s32 s0, s3;
	s0 =	sld [smem:$0x3FAA]  }
0x30: {  	s3 =	sld [smem:$0x3FAD]  }
0x31: {  	[smem:$0x3FB6] =	sst s10  }
0x32: {  	s10 =	sld [smem:$0x3FB4];
	_ =	sdelay $0x3  }
0x33: {  	p0 =	seq.s32 s10, $0x1;
	s10 =	sld [smem:$0x3FB6];
	_ =	sdelay $0x3  }
0x34: {  	[smem:$0x3FB6] =	sst s10  }
0x35: {  	s10 =	sld [smem:$0x3FB5];
	_ =	sdelay $0x3  }
0x36: {  	p1 =	seq.s32 s10, $0x1;
	s10 =	sld [smem:$0x3FB6];
	_ =	sdelay $0x3  }
0x37: {  	[smem:$0x3FB6] =	sst s10  }
0x38: {  	s10 =	sld [smem:$0x3FB7]  }
0x39: {  	_ = 	snop;
	(pc) =	sbr.ind lr, $3  }
0x3a: {  	_ = 	snop  }
0x3b: {  	_ = 	snop  }
0x3c: {  	p2 =	seq.s32 s10, $0x1;
	s10 =	sld [smem:$0x3FB6]  }
0x3d: {  	_ =	shalt  }
0x3e: {  	_ =	shalt  }
0x3f: {  	_ =	shalt  }
0x40: {  	_ =	shalt  }
0x41: {  	_ =	shalt  }
0x42: {  	_ =	shalt  }
0x43: {  	_ =	shalt  }
0x44: {  	_ =	shalt  }
0x45: {  	_ =	shalt  }
0x46: {  	_ =	shalt  }
0x47: {  	_ =	shalt  }
0x48: {  	_ =	shalt  }
0x49: {  	_ =	shalt  }
0x4a: {  	_ =	shalt  }
0x4b: {  	_ =	shalt  }
0x4c: {  	_ =	shalt  }
0x4d: {  	_ =	shalt  }
0x4e: {  	_ =	shalt  }
0x4f: {  	_ =	shalt  }
0x50: {  	_ =	shalt  }
0x51: {  	_ =	shalt  }
0x52: {  	_ =	shalt  }
0x53: {  	_ =	shalt  }
0x54: {  	_ =	shalt  }
0x55: {  	_ =	shalt  }
0x56: {  	_ =	shalt  }
0x57: {  	_ =	shalt  }
0x58: {  	_ =	shalt  }
0x59: {  	_ =	shalt  }
0x5a: {  	_ =	shalt  }
0x5b: {  	_ =	shalt  }
0x5c: {  	_ =	shalt  }
0x5d: {  	_ =	shalt  }
0x5e: {  	_ =	shalt  }
0x5f: {  	_ =	shalt  }
0x60: {  	_ =	shalt  }
0x61: {  	_ =	shalt  }
0x62: {  	_ =	shalt  }
0x63: {  	_ =	shalt  }
0x64: {  	_ =	shalt  }
0x65: {  	_ =	shalt  }
0x66: {  	_ =	shalt  }
0x67: {  	_ =	shalt  }
0x68: {  	_ =	shalt  }
0x69: {  	_ =	shalt  }
0x6a: {  	_ =	shalt  }
0x6b: {  	_ =	shalt  }
0x6c: {  	_ =	shalt  }
0x6d: {  	_ =	shalt  }
0x6e: {  	_ =	shalt  }
0x6f: {  	_ =	shalt  }
0x70: {  	_ =	shalt  }
0x71: {  	_ =	shalt  }
0x72: {  	_ =	shalt  }
0x73: {  	_ =	shalt  }
0x74: {  	_ =	shalt  }
0x75: {  	_ =	shalt  }
0x76: {  	_ =	shalt  }
0x77: {  	_ =	shalt  }
0x78: {  	_ =	shalt  }
0x79: {  	_ =	shalt  }
0x7a: {  	_ =	shalt  }
0x7b: {  	_ =	shalt  }
0x7c: {  	_ =	shalt  }
0x7d: {  	_ =	shalt  }
0x7e: {  	_ =	shalt  }
0x7f: {  	_ =	shalt  }
0x80: {  	_ =	shalt  }
0x81: {  	_ =	shalt  }
0x82: {  	_ =	shalt  }
0x83: {  	_ =	shalt  }
0x84: {  	_ =	shalt  }
0x85: {  	_ =	shalt  }
0x86: {  	_ =	shalt  }
0x87: {  	_ =	shalt  }
.Lfunc_end0:
.L_simem_size_0:
called_computation.3_lowered:
.L_overlay_start_0:
0x88: {  	s2 =	sld [smem:$0x3FD9]  }
0x89: {  	s3 =	sld [smem:$0x3FFE];
	_ =	sdelay $0x1  }
0x8a: {  	s1 =	srdreg.scid  }
0x8b: {  	s0 =	sand.u32 $0x1, s1  }
0x8c: {  	s17 =	sshll.u32 s0, $0xA;
	s2 =	sadd.s32 s3, s2  }
0x8d: {  	s2 =	sadd.s32 s2, s17  }
0x8e: {  	[smem:$0x3FC2] =	sst s2  }
0x8f: {  	_ = 	snop  }
0x90: {  	s18 =	sld [smem:$0x3FC5];
	(tm) =	ssettm $0x1  }
0x91: {  	s19 =	sld [smem:$0x3FFB];
	_ =	sdelay $0x3  }
0x92: {  	_ =	strace s19  }
0x93: {  	s2 =	sld [smem:$0x3FFC];
	_ =	sdelay $0x3  }
0x94: {  	_ =	strace s2  }
0x95: {  	s2 =	sld [smem:$0x3FFD];
	_ =	sdelay $0x3  }
0x96: {  	_ =	strace s2  }
0x97: {  	_ =	strace $0x8FFFFFFF  }
0x98: {  	s20 =	sld [smem:$0x3FDB];
	_ =	sdelay $0x1  }
0x99: {  	s4 =	simm.s32 $_scs_section_size  }
0x9a: {  	s5 =	simm.s32 $_size__tile_overlayer_lowered;
	s6 =	simm.s32 $_tile_overlayer_lowered  }
0x9b: {  	s7 =	simm.s32 $0x1BFF;
	s21 =	sshll.u32 s6, $0x1;
	s4 =	sadd.s32 s4, s20  }
0x9c: {  	s22 =	simm.s32 $0x0;
	s5 =	sshll.u32 s5, $0x1;
	s6 =	sadd.s32 s21, s4  }
0x9d: {  	[timem:s22], [sflag:s7] =	dma.local [hbm:s6], s5  }
0x9e: {  	_ =	swait.ge [sflag:s7], s5  }
0x9f: {  	s5 =	ssub.s32 $0x0, s5;
	[sflag:s7] =	ssyncset.done $0x0  }
0xa0: {  	[sflag:s7] =	ssyncadd.s32 s5;
	_ =	sdelay $0x1  }
0xa1: {  	s23 =	simm.s32 $0x1B8B  }
0xa2: {  	_ =	swait.ge [sflag:s23], $0x1  }
0xa3: {  	[sflag:s23] =	ssyncset.done $0x0  }
0xa4: {  	[sflag:s23] =	ssyncadd.s32 $0xFFFFFFFF  }
0xa5: {  	s5 =	sld [smem:$0x0]  }
0xa6: {  	s6 =	sand.u32 $0xFFFFFFFE, s1  }
0xa7: {  	p0 =	sne.s32 s1, s6  }
0xa8: {  	s6 =	sshll.u32 @p0 s6, $0xE  }
0xa9: {  	s6 =	sadd.s32 @p0 $0x11B8D, s6;
	s7 =	sshll.u32 @p0 s5, $0x11  }
0xaa: {  	s6 =	sor.u32 @p0 s7, s6  }
0xab: {  	[sflag:s6] =	ssyncadd.remote.s32 @p0 $0x1;
	_ =	sdelay $0x1  }
0xac: {  	s6 =	simm.s32 @p0 $0x1B8D  }
0xad: {  	_ =	swait.eq @p0 [sflag:s6], $0x1  }
0xae: {  	[sflag:s6] =	ssyncadd.s32 @p0 $0xFFFFFFFF  }
0xaf: {  	s7 =	sshll.u32 @!p0 s1, $0xE  }
0xb0: {  	s7 =	sor.u32 @!p0 $0x4000, s7;
	s6 =	simm.s32 @!p0 $0x1B8D  }
0xb1: {  	s5 =	sshll.u32 @!p0 s5, $0x11;
	s7 =	sadd.s32 @!p0 $0x11B8D, s7;
	_ =	swait.eq @!p0 [sflag:s6], $0x1  }
0xb2: {  	s5 =	sor.u32 @!p0 s5, s7;
	[sflag:s6] =	ssyncadd.s32 @!p0 $0xFFFFFFFF  }
0xb3: {  	s25 =	simm.s32 $0x1B8E;
	s24 =	sld [smem:$0x3FFE];
	[sflag:s5] =	ssyncadd.remote.s32 @!p0 $0x1  }
0xb4: {  	s26 =	simm.s32 $execute0_lowered;
	[smem:$0x3FD2] =	sst s25  }
0xb5: {  	s6 =	sshll.u32 s26, $0x1;
	_ =	strace $0x8000004C;
	[dreg:$0x1] =	wrdreg $0xFFFFFFFF  }
0xb6: {  	s28 =	simm.s32 $_size_execute0_lowered;
	s4 =	sadd.s32 s4, s6;
	[dreg:$0x0] =	wrdreg $0x0  }
0xb7: {  	s6 =	sshll.u32 s28, $0x1;
	[dreg:$0x2] =	wrdreg s4  }
0xb8: {  	[dreg:$0x3] =	wrdreg s6  }
0xb9: {  	[dreg:$0x4] =	wrdreg $0xC0  }
0xba: {  	_ =	task [dreg:s22], $0x5FFFF  }
0xbb: {  	[dreg:$0x1] =	wrdreg $0xFFFFFFFF  }
0xbc: {  	[dreg:$0x0] =	wrdreg $0x60  }
0xbd: {  	[dreg:$0x2] =	wrdreg s18  }
0xbe: {  	[dreg:$0x3] =	wrdreg s24  }
0xbf: {  	[dreg:$0x4] =	wrdreg $0x9  }
0xc0: {  	_ =	task.clear_ibuf [dreg:s22], $0x5FFFF;
	_ =	strace $0x9000004C  }
0xc1: {  	s29 =	simm.s32 $0x9;
	_ =	strace $0x8000004E  }
0xc2: {  	_ =	swait.ge [sflag:s29], $0x1  }
0xc3: {  	[sflag:s29] =	ssyncadd.s32 $0xFFFFFFFF  }
0xc4: {  	_ =	strace $0x9000004E  }
0xc5: {  	_ =	sfence  }
0xc6: {  	s30 =	sld [smem:$0x0];
	_ =	sdelay $0x2  }
0xc7: {  	s31 =	sshll.u32 s1, $0xD;
	s1 =	sshrl.u32 s1, $0x2  }
0xc8: {  	s4 =	sand.u32 $0x4000, s31;
	s1 =	sadd.s32 s1, s30  }
0xc9: {  	s0 =	sor.u32 s4, s0;
	s1 =	sshll.u32 s1, $0x11  }
0xca: {  	s0 =	sor.u32 s1, s0  }
0xcb: {  	s0 =	sadd.s32 $0x8F2B, s0  }
0xcc: {  	[sflag:s0] =	ssyncadd.remote.s32 $0x1  }
0xcd: {  	_ =	sfence.sel $0xFFFF  }
0xce: {  	[dreg:$0x0] =	wrdreg $0xFFFFFFFF;
	(pc) =	sbr.abs _section_cstart, $3  }
0xcf: {  	[dreg:$0x1] =	wrdreg $0xFFFFFFFF  }
0xd0: {  	_ =	task.clear_ibuf [dreg:s22], $0x2FFFF;
	_ =	strace $0x9FFFFFFF  }
0xd1: {  	(tm) =	ssettm $0x7FFFFFFF  }
tec
execute0_lowered:
.L_overlay_start_1:
0x0: {  	(tag) =	ssettag $0x1  }
0x1: {  	s2 =	rddreg [dreg:$0x0]  }
0x2: {  	s8 =	rddreg [dreg:$0x1]  }
0x3: {  	s1 =	srdreg.scid;
	s0 =	rddreg [dreg:$0x2]  }
0x4: {  	_ =	strace $0x8000004D;
	s4 =	simm.s32 $0x1;
	s6 =	simm.s32 $0x2  }
0x5: {  	s10 =	simm.s32 $0x3;
	p3 =	por $0x0, $0x0;
	s3 =	sshll.u32 s1, $0x4  }
.Ltmp0:
0x6: {  	s1 =	stileid.u32;
	s5 =	sand.u32 $0x10, s3;
	(pc) =	sbr.rel .LBB2_1-.Ltmp0, $4  }
0x7: {  	s11 =	simm.s32 $0x80;
	[sflag:s4] =	ssyncpa.u1 $0x0;
	s5 =	sor.u32 s1, s5  }
0x8: {  	s7 =	sadd.s32 $0xB3000, s8;
	[sflag:s6] =	ssyncpa.u1 $0x0;
	s5 =	smul.u32 $0x6400, s5  }
0x9: {  	s3 =	sadd.s32 $0x81000, s8;
	s8 =	sadd.s32 $0x9A000, s8;
	[sflag:s10] =	ssyncpa.u1 $0x0  }
0xa: {  	v0 =	vlaneseq.u32;
	s10 =	simm.s32 $0x0;
	s9 =	sadd.s32 $0x6400, s5;
	s12 =	smov.u32 s5  }
.LBB2_6:
0xb: {  	s15 =	sadd.s32 s17, s15  }
0xc: {  	v2 =	vld.msk [tilespmem:s15+$0x0 ss:$0x1], $0x1  }
0xd: {  	(v2sf) =	vpush v1, $0x1  }
0xe: {  	(v2sf) =	vpush v1, $0x0;
	_ =	sdelay $0x2  }
0xf: {  	(v2sf) =	vpush v2, $0x0;
	_ =	sdelay $0xa  }
0x10: {  	p1 =	seq.s32 s18, $0x63C;
	s15 =	simm.s32 $0x1;
	s18 =	spop (v2sf)  }
0x11: {  	s15 =	simm.s32 @!p1 $0x2;
	s18 =	simm.s32 @p0 $0xFFFFFFFF;
	s19 =	spop (v2sf)  }
0x12: {  	v1 =	vmov s15;
	s15 =	simm.s32 $0x1;
	p0 =	sne.s32 s19, s18  }
0x13: {  	vm0 =	vgt.u32 v1, v0;
	s15 =	simm.s32 @!p0 $0x0  }
0x14: {  	s15 =	sadd.s32 s15, s16;
	s26 =	spop (v2sf)  }
0x15: {  	s15 =	sshll.u32 s15, $0x9;
	s28 =	sshll.u32 s26, $0x4  }
0x16: {  	s15 =	sshra.s32 s15, $0x2;
	s16 =	sand.u32 $0x1FFFFFF0, s28  }
0x17: {  	s13 =	sadd.s32 s17, s13;
	s14 =	sadd.s32 s15, s14;
	s29 =	sadd.s32 s7, s16  }
0x18: {  	[hbm:s29] =	stream.strided.scatter [tilespmem:s14], [sflag:$0x3], $0x80, s11, s11, $0x38;
	[tilespmem:$0x19640] =	vst v63  }
0x19: {  	v1 =	vld.msk [tilespmem:s13+$0x0 ss:$0x1], vm0;
	_ =	sdelay $0x4  }
0x1a: {  	(v2sf) =	vpush v1, $0x1  }
0x1b: {  	(v2sf) =	vpush v1, $0x0;
	_ =	sdelay $0xb  }
0x1c: {  	s13 =	sld [smem:$0x7FB];
	_ =	sdelay $0x1  }
0x1d: {  	s30 =	spop (v2sf)  }
0x1e: {  	p3 =	seq.s32 s13, $0x1;
	s31 =	spop (v2sf)  }
.LBB2_7:
0x1f: {  	p0 =	slt.u32 s10, $0x2;
	s10 =	sadd.s32 $0x1, s10  }
0x20: {  	p2 =	sne.s32 s10, $0x42  }
.Ltmp1:
0x21: {  	_ = 	snop;
	(pc) =	sbr.rel @!p2 .LBB2_8-.Ltmp1, $4  }
0x22: {  	s13 =	simm.s32 @!p0 $0x3  }
0x23: {  	s14 =	sadd.s32 $0x190, s12;
	_ =	swait.ge @!p0 [sflag:s13], $0xC800  }
0x24: {  	s12 =	smov.u32 s5;
	p1 =	slt.s32 s14, s9;
	[sflag:s13] =	ssyncset.done @!p0 $0x0  }
0x25: {  	p3 =	por !p3, !p3;
	s12 =	smov.u32 @p1 s14;
	[sflag:s13] =	ssyncadd.s32 @!p0 $0xFFFF3800  }
.LBB2_1:
0x26: {  	p0 =	sgt.u32 s10, $0x3F  }
0x27: {  	s13 =	sxor.u32 @!p0 $0xFFFFFFFF, s10  }
0x28: {  	s13 =	sand.u32 @!p0 $0x1, s13  }
0x29: {  	s14 =	sshrl.u32 @!p0 s12, $0x3;
	s13 =	smul.u32 @!p0 $0x190, s13  }
0x2a: {  	s16 =	sand.u32 @!p0 $0x7, s12;
	s15 =	sadd.s32 @!p0 s3, s14  }
0x2b: {  	[tilespmem:s13], [sflag:$0x2] =	stream.linear.gather @!p0 [hbm4b:s15+s16], $0x190, $0x38;
	[tilespmem:$0x19640] =	vst v63  }
0x2c: {  	s31 =	sadd.s32 $0xFFFFFFFF, s10;
	s14 =	sadd.s32 @!p0 s8, s14;
	s13 =	sadd.s32 @!p0 $0x320, s13  }
0x2d: {  	[tilespmem:s13], [sflag:$0x2] =	stream.linear.gather @!p0 [hbm4b:s14+s16], $0x190, $0x38;
	[tilespmem:$0x19640] =	vst v63  }
0x2e: {  	p0 =	sgt.u32 s31, $0x3F  }
.Ltmp2:
0x2f: {  	_ = 	snop;
	(pc) =	sbr.rel @p0 .LBB2_7-.Ltmp2, $1  }
0x30: {  	_ =	sdelay $0x3  }
0x31: {  	p0 =	por $0x0, $0x0  }
0x32: {  	s13 =	simm.s32 $0x1;
	p0 =	por p0, p0  }
0x33: {  	s13 =	simm.s32 @!p0 $0x2  }
0x34: {  	v1 =	vmov s13  }
0x35: {  	s14 =	simm.s32 @!p3 $0x0;
	s13 =	simm.s32 $0x1;
	vm0 =	vgt.u32 v1, v0  }
0x36: {  	s14 =	simm.s32 @p3 $0x1;
	s13 =	simm.s32 @!p3 $0x0  }
0x37: {  	[smem:$0x7FB] =	sst s14;
	s13 =	smul.u32 $0x640, s13  }
0x38: {  	_ =	swait.ge [sflag:s6], $0x320  }
0x39: {  	[sflag:s6] =	ssyncset.done $0x0;
	s13 =	sshrl.u32 s13, $0x2  }
0x3a: {  	[sflag:s6] =	ssyncadd.s32 $0xFFFFFCE0;
	s25 =	sadd.s32 $0x0, s13  }
0x3b: {  	p1 =	por $0x0, $0x0;
	v1 =	vld.msk [tilespmem:s25+$0x0 ss:$0x1], vm0  }
0x3c: {  	p1 =	por p1, p1;
	s14 =	simm.s32 $0x1  }
0x3d: {  	s14 =	simm.s32 @!p1 $0x2  }
0x3e: {  	v2 =	vmov s14  }
0x3f: {  	vm0 =	vgt.u32 v2, v0  }
0x40: {  	(v2sf) =	vpush v1, $0x1  }
0x41: {  	(v2sf) =	vpush v1, $0x0  }
0x42: {  	p2 =	por $0x0, $0x0  }
0x43: {  	p2 =	por p2, p2;
	s14 =	simm.s32 $0x1  }
0x44: {  	s14 =	simm.s32 @!p2 $0x2;
	s26 =	sadd.s32 $0x1, s13  }
0x45: {  	v2 =	vmov s14;
	v3 =	vld.msk [tilespmem:s26+$0x0 ss:$0x1], vm0  }
0x46: {  	vm1 =	vgt.u32 v2, v0;
	_ =	sdelay $0x3  }
0x47: {  	(v2sf) =	vpush v3, $0x1  }
0x48: {  	s28 =	sadd.s32 $0x2, s13;
	(v2sf) =	vpush v3, $0x0  }
0x49: {  	v4 =	vld.msk [tilespmem:s28+$0x0 ss:$0x1], vm1  }
0x4a: {  	p0 =	por p0, p0  }
0x4b: {  	p0 =	por p0, p0  }
0x4c: {  	s29 =	sand.u32 $0x1, s10;
	p0 =	por p0, p0;
	s14 =	spop (v2sf)  }
0x4d: {  	p5 =	por $0x0, $0x0;
	s14 =	simm.s32 @p0 $0xFFFFFFFF;
	s15 =	spop (v2sf)  }
0x4e: {  	s16 =	simm.s32 $0x1;
	s17 =	simm.s32 $0x0;
	(v2sf) =	vpush v4, $0x1;
	p0 =	seq.s32 s15, s14  }
0x4f: {  	p6 =	por $0x0, $0x0;
	s24 =	simm.s32 $0x1;
	p1 =	por p1, p1;
	vm0 =	vgt.s32 @!p0 v1, $0x0  }
0x50: {  	p3 =	por p5, p5;
	p4 =	por p1, p1;
	p2 =	por p2, p2;
	(v2sf) =	vpush v4, $0x0;
	v1 =	vnsel @!p0 vm0, $0x0, v1  }
0x51: {  	p1 =	por p6, p6;
	s16 =	simm.s32 @!p3 $0x2;
	p2 =	por p2, p2;
	v1 =	vmin.u32 @!p0 v1, $0x1869F  }
0x52: {  	p6 =	por p4, p4;
	p5 =	por p3, p3;
	p2 =	por p2, p2;
	(v2sf) =	vpush @!p0 v1, $0x0  }
0x53: {  	s19 =	sadd.s32 $0x3, s13;
	s30 =	sadd.s32 $0x4, s13;
	s14 =	smul.u32 $0x32000, s29;
	v1 =	vmov s16  }
0x54: {  	s15 =	sadd.s32 $0x320, s13;
	s18 =	simm.s32 @!p0 $0x1;
	s16 =	simm.s32 $0x1;
	vm0 =	vgt.u32 v1, v0  }
0x55: {  	p4 =	por p0, p0;
	s14 =	sshrl.u32 s14, $0x2;
	s16 =	simm.s32 @!p1 $0x2  }
0x56: {  	s18 =	smov.u32 @p0 s17;
	s17 =	simm.s32 $0x18;
	s20 =	spop (v2sf);
	v1 =	vmov s16  }
0x57: {  	s14 =	sor.u32 $0x640, s14;
	s20 =	simm.s32 @p6 $0xFFFFFFFF;
	s21 =	spop (v2sf);
	vm1 =	vgt.u32 v1, v0  }
0x58: {  	p6 =	por p5, p5;
	p1 =	por p1, p1;
	p3 =	seq.s32 s21, s20  }
0x59: {  	p5 =	por $0x0, $0x0;
	s16 =	sadd.s32 @!p0 $0x0, s14;
	s23 =	sadd.s32 @!p3 $0x1, s18  }
0x5a: {  	s23 =	smov.u32 @p3 s18;
	v2 =	vld.msk [tilespmem:s19+$0x0 ss:$0x1], vm0;
	s19 =	sshll.u32 @!p3 s18, $0x9;
	s18 =	simm.s32 @!p1 $0x0  }
0x5b: {  	p5 =	por p5, p5;
	s21 =	simm.s32 $0x1C;
	s18 =	simm.s32 @p1 $0x1  }
0x5c: {  	s24 =	simm.s32 @!p5 $0x2;
	s19 =	sshra.s32 @!p3 s19, $0x2;
	[smem:$0x7FC] =	sst s18  }
0x5d: {  	p1 =	por $0x0, $0x0;
	s22 =	spop (v2sf);
	s18 =	simm.s32 @!p5 $0x0;
	v1 =	vld.msk [tilespmem:s30+$0x0 ss:$0x1], vm1  }
0x5e: {  	vm0 =	vgt.s32 @!p3 v3, $0x0;
	s22 =	simm.s32 @p2 $0xFFFFFFFF;
	s18 =	simm.s32 @p5 $0x1;
	p5 =	por p4, p4  }
0x5f: {  	v3 =	vnsel @!p3 vm0, $0x0, v3;
	s31 =	spop (v2sf);
	p2 =	por p6, p6;
	[smem:$0x7FD] =	sst s18;
	(v2sf) =	vpush v2, $0x1  }
0x60: {  	v3 =	vmin.u32 @!p3 v3, $0x1869F;
	s18 =	sadd.s32 @!p3 s19, s14;
	p4 =	seq.s32 s31, s22;
	s22 =	simm.s32 @!p5 $0x80;
	(v2sf) =	vpush v2, $0x0  }
0x61: {  	vm0 =	vgt.s32 @!p4 v4, $0x0;
	s19 =	sshll.u32 @!p4 s23, $0x9;
	s20 =	sadd.s32 @!p4 $0x1, s23;
	(v2sf) =	vpush @!p3 v3, $0x0;
	v3 =	vmov s24;
	s25 =	spop @!p0 (v2sf)  }
0x62: {  	v4 =	vnsel @!p4 vm0, $0x0, v4;
	s19 =	sshra.s32 @!p4 s19, $0x2;
	s20 =	smov.u32 @p4 s23;
	(v2sf) =	vpush v1, $0x1;
	vm0 =	vgt.u32 v3, v0;
	s25 =	sshll.u32 @!p5 s25, $0x4  }
0x63: {  	s24 =	sadd.s32 $0x5, s13;
	v3 =	vmin.u32 @!p4 v4, $0x1869F;
	p0 =	por p3, p3;
	(v2sf) =	vpush v1, $0x0;
	s23 =	sadd.s32 @!p5 s2, s25  }
.LBB2_3:
0x64: {  	_ =	sdelay $0x1  }
0x65: {  	s26 =	sld [smem:$0x7FC]  }
0x66: {  	s25 =	simm.s32 @!p3 $0x0;
	s28 =	sld [smem:$0x7FD]  }
0x67: {  	v4 =	vld.msk [tilespmem:s24+$0x0 ss:$0x1], vm0;
	[tilespmem:s16], [sflag:$0x1] =	stream.strided.gather @!p5 [hbm:s23], $0x80, s22, s22, $0x38;
	[tilespmem:$0x19640] =	vst v63  }
0x68: {  	s31 =	smov.u32 s17;
	s17 =	smov.u32 s21;
	s25 =	simm.s32 @p3 $0x1  }
0x69: {  	(v2sf) =	vpush @!p4 v3, $0x0;
	p3 =	por p4, p4;
	p5 =	seq.s32 s26, $0x1;
	p4 =	seq.s32 s28, $0x1  }
0x6a: {  	s16 =	smov.u32 s18;
	p6 =	por p5, p5;
	p5 =	por p4, p4  }
0x6b: {  	s21 =	sadd.s32 $0x4, s21;
	[smem:$0x7F9] =	sst s25;
	s18 =	simm.s32 @!p5 $0x0  }
0x6c: {  	s25 =	smov.u32 s20;
	p4 =	por p1, p1;
	s18 =	simm.s32 @p5 $0x1  }
0x6d: {  	s20 =	simm.s32 @!p4 $0x0;
	[smem:$0x7FC] =	sst s18;
	s18 =	simm.s32 $0x1  }
0x6e: {  	s20 =	simm.s32 @p4 $0x1;
	s18 =	simm.s32 @!p4 $0x2;
	p4 =	sne.s32 s21, $0x640  }
0x6f: {  	[smem:$0x7FD] =	sst s20;
	s20 =	simm.s32 @!p4 $0x0  }
0x70: {  	s30 =	sld [smem:$0x7F9];
	s20 =	simm.s32 @p4 $0x1  }
0x71: {  	s23 =	sshra.s32 s31, $0x2;
	[smem:$0x7FA] =	sst s20  }
0x72: {  	v3 =	vmov s18;
	s18 =	sadd.s32 @!p3 s19, s14;
	s19 =	spop (v2sf);
	s31 =	sld [smem:$0x7FA]  }
0x73: {  	s19 =	simm.s32 @p2 $0xFFFFFFFF  }
0x74: {  	s29 =	spop (v2sf);
	p2 =	por p6, p6;
	p6 =	seq.s32 s30, $0x1  }
0x75: {  	s24 =	spop @!p6 (v2sf);
	p6 =	seq.s32 s31, $0x1  }
.Ltmp3:
0x76: {  	_ = 	snop;
	(pc) =	sbr.rel @p6 .LBB2_3-.Ltmp3, $4  }
0x77: {  	p1 =	seq.s32 s17, $0x63C;
	p5 =	por p0, p0;
	p4 =	seq.s32 s29, s19  }
0x78: {  	p0 =	por p3, p3;
	s22 =	simm.s32 @!p5 $0x80;
	vm1 =	vgt.s32 @!p4 v2, $0x0;
	s19 =	sshll.u32 @!p4 s25, $0x9  }
0x79: {  	vm0 =	vgt.u32 v3, v0;
	(v2sf) =	vpush v4, $0x1;
	s20 =	sadd.s32 @!p4 $0x1, s25;
	s26 =	sshll.u32 @!p5 s24, $0x4;
	s24 =	sadd.s32 s23, s13;
	v3 =	vnsel @!p4 vm1, $0x0, v2  }
0x7a: {  	(v2sf) =	vpush v4, $0x0;
	s19 =	sshra.s32 @!p4 s19, $0x2;
	v2 =	vmovc v1;
	v1 =	vmov v4;
	s20 =	smov.u32 @p4 s25;
	s23 =	sadd.s32 @!p5 s2, s26;
	v3 =	vmin.u32 @!p4 v3, $0x1869F  }
0x7b: {  	_ = 	snop  }
0x7c: {  	p6 =	por p1, p1;
	s21 =	simm.s32 $0x1  }
0x7d: {  	s21 =	simm.s32 @!p6 $0x2  }
0x7e: {  	v4 =	vmov s21  }
0x7f: {  	vm1 =	vgt.u32 v4, v0  }
0x80: {  	v4 =	vld.msk [tilespmem:s24+$0x0 ss:$0x1], vm0;
	_ =	sdelay $0x2  }
0x81: {  	s17 =	sshra.s32 s17, $0x2;
	s21 =	spop (v2sf)  }
0x82: {  	s17 =	sadd.s32 s17, s13;
	(v2sf) =	vpush @!p4 v3, $0x0;
	s21 =	simm.s32 @p2 $0xFFFFFFFF;
	s31 =	spop (v2sf)  }
0x83: {  	p2 =	seq.s32 s31, s21;
	(v2sf) =	vpush v4, $0x1;
	v3 =	vld.msk [tilespmem:s17+$0x0 ss:$0x1], vm1  }
0x84: {  	vm0 =	vgt.s32 @!p2 v2, $0x0;
	(v2sf) =	vpush v4, $0x0  }
0x85: {  	v2 =	vnsel @!p2 vm0, $0x0, v2  }
0x86: {  	[tilespmem:s16], [sflag:$0x1] =	stream.strided.gather @!p5 [hbm:s23], $0x80, s22, s22, $0x38;
	v2 =	vmin.u32 @!p2 v2, $0x1869F;
	[tilespmem:$0x19640] =	vst v63  }
0x87: {  	s22 =	sld [smem:$0x7FC];
	(v2sf) =	vpush @!p2 v2, $0x0  }
0x88: {  	(v2sf) =	vpush v3, $0x1  }
0x89: {  	p0 =	por p0, p0;
	(v2sf) =	vpush v3, $0x0  }
0x8a: {  	s17 =	spop @!p3 (v2sf);
	p3 =	seq.s32 s22, $0x1;
	s22 =	sld [smem:$0x7FD]  }
0x8b: {  	p1 =	por p3, p3;
	s17 =	sshll.u32 @!p0 s17, $0x4  }
0x8c: {  	p1 =	por p1, p1;
	s17 =	sadd.s32 @!p0 s2, s17  }
0x8d: {  	p5 =	seq.s32 s22, $0x1;
	s22 =	simm.s32 @!p0 $0x80;
	s16 =	spop (v2sf)  }
0x8e: {  	[tilespmem:s18], [sflag:$0x1] =	stream.strided.gather @!p0 [hbm:s17], $0x80, s22, s22, $0x38;
	[tilespmem:$0x19640] =	vst v63  }
0x8f: {  	s23 =	spop (v2sf);
	s16 =	simm.s32 @p1 $0xFFFFFFFF  }
0x90: {  	p3 =	por p5, p5;
	p1 =	seq.s32 s23, s16  }
0x91: {  	p3 =	por p3, p3;
	vm0 =	vgt.s32 @!p1 v1, $0x0;
	s16 =	spop @!p4 (v2sf)  }
0x92: {  	p0 =	por p3, p3;
	v1 =	vnsel @!p1 vm0, $0x0, v1;
	s17 =	spop (v2sf)  }
0x93: {  	v1 =	vmin.u32 @!p1 v1, $0x1869F;
	s17 =	simm.s32 @p0 $0xFFFFFFFF;
	s24 =	spop (v2sf)  }
0x94: {  	(v2sf) =	vpush @!p1 v1, $0x0;
	p0 =	seq.s32 s24, s17  }
0x95: {  	p5 =	por p6, p6;
	vm0 =	vgt.s32 @!p0 v4, $0x0  }
0x96: {  	p3 =	por p5, p5;
	s17 =	spop @!p2 (v2sf);
	v1 =	vnsel @!p0 vm0, $0x0, v4  }
0x97: {  	p3 =	por p3, p3;
	v1 =	vmin.u32 @!p0 v1, $0x1869F;
	s18 =	spop (v2sf)  }
0x98: {  	p6 =	por p4, p4;
	(v2sf) =	vpush @!p0 v1, $0x0;
	s18 =	simm.s32 @p3 $0xFFFFFFFF;
	s25 =	spop (v2sf)  }
0x99: {  	p5 =	por p6, p6;
	p3 =	seq.s32 s25, s18  }
0x9a: {  	p6 =	por p2, p2;
	s16 =	sshll.u32 @!p5 s16, $0x4;
	vm0 =	vgt.s32 @!p3 v3, $0x0  }
0x9b: {  	s16 =	sadd.s32 @!p5 s2, s16;
	s18 =	sadd.s32 @!p4 s19, s14;
	s19 =	simm.s32 @!p5 $0x80;
	v1 =	vnsel @!p3 vm0, $0x0, v3  }
0x9c: {  	[tilespmem:s18], [sflag:$0x1] =	stream.strided.gather @!p5 [hbm:s16], $0x80, s19, s19, $0x38;
	v1 =	vmin.u32 @!p3 v1, $0x1869F;
	[tilespmem:$0x19640] =	vst v63  }
0x9d: {  	p4 =	por p6, p6;
	s16 =	sshll.u32 @!p2 s20, $0x9;
	(v2sf) =	vpush @!p3 v1, $0x0  }
0x9e: {  	s18 =	sadd.s32 @!p2 $0x1, s20;
	s17 =	sshll.u32 @!p4 s17, $0x4;
	s19 =	simm.s32 @!p4 $0x80  }
0x9f: {  	p5 =	por p0, p0;
	p6 =	por p3, p3;
	s16 =	sshra.s32 @!p2 s16, $0x2  }
0xa0: {  	s18 =	smov.u32 @p2 s20;
	s17 =	sadd.s32 @!p4 s2, s17;
	s16 =	sadd.s32 @!p2 s16, s14  }
0xa1: {  	[tilespmem:s16], [sflag:$0x1] =	stream.strided.gather @!p4 [hbm:s17], $0x80, s19, s19, $0x38;
	[tilespmem:$0x19640] =	vst v63  }
0xa2: {  	s16 =	sshll.u32 @!p1 s18, $0x9;
	p4 =	por p1, p1;
	s17 =	sadd.s32 @!p1 $0x1, s18  }
0xa3: {  	s19 =	spop @!p1 (v2sf);
	p2 =	por p4, p4;
	s16 =	sshra.s32 @!p1 s16, $0x2  }
0xa4: {  	s17 =	smov.u32 @p1 s18;
	s18 =	sshll.u32 @!p2 s19, $0x4;
	s16 =	sadd.s32 @!p1 s16, s14  }
0xa5: {  	s19 =	simm.s32 @!p2 $0x80;
	p1 =	por p5, p5;
	s18 =	sadd.s32 @!p2 s2, s18  }
0xa6: {  	[tilespmem:s16], [sflag:$0x1] =	stream.strided.gather @!p2 [hbm:s18], $0x80, s19, s19, $0x38;
	[tilespmem:$0x19640] =	vst v63  }
0xa7: {  	s16 =	sshll.u32 @!p0 s17, $0x9;
	s18 =	sadd.s32 @!p0 $0x1, s17;
	s19 =	spop @!p0 (v2sf)  }
0xa8: {  	s16 =	sshra.s32 @!p0 s16, $0x2;
	s18 =	smov.u32 @p0 s17;
	s17 =	sshll.u32 @!p1 s19, $0x4  }
0xa9: {  	s16 =	sadd.s32 @!p0 s16, s14;
	s19 =	simm.s32 @!p1 $0x80;
	s17 =	sadd.s32 @!p1 s2, s17  }
0xaa: {  	[tilespmem:s16], [sflag:$0x1] =	stream.strided.gather @!p1 [hbm:s17], $0x80, s19, s19, $0x38;
	[tilespmem:$0x19640] =	vst v63  }
0xab: {  	p0 =	por p6, p6;
	s16 =	sshll.u32 @!p3 s18, $0x9  }
0xac: {  	s17 =	sadd.s32 @!p3 $0x1, s18;
	s16 =	sshra.s32 @!p3 s16, $0x2;
	s19 =	spop @!p3 (v2sf)  }
0xad: {  	s17 =	smov.u32 @p3 s18;
	s16 =	sadd.s32 @!p3 s16, s14;
	s18 =	sshll.u32 @!p0 s19, $0x4  }
0xae: {  	s26 =	sshll.u32 s17, $0x7;
	s19 =	simm.s32 @!p0 $0x80;
	s18 =	sadd.s32 @!p0 s2, s18  }
0xaf: {  	[tilespmem:s16], [sflag:$0x1] =	stream.strided.gather @!p0 [hbm:s18], $0x80, s19, s19, $0x38;
	[tilespmem:$0x19640] =	vst v63  }
0xb0: {  	s16 =	sand.u32 $0x3FFFFF80, s26  }
0xb1: {  	_ =	swait.ge [sflag:s4], s16  }
0xb2: {  	s16 =	ssub.s32 $0x0, s16;
	[sflag:s4] =	ssyncset.done $0x0  }
0xb3: {  	s28 =	sadd.s32 $0x0, s15;
	[sflag:s4] =	ssyncadd.s32 s16  }
0xb4: {  	v1 =	vld.msk [tilespmem:s28+$0x0 ss:$0x1], $0x1;
	_ =	sdelay $0x4  }
0xb5: {  	(v2sf) =	vpush v1, $0x0;
	_ =	sdelay $0xa  }
0xb6: {  	p0 =	por $0x0, $0x0;
	s16 =	simm.s32 $0x1  }
0xb7: {  	s16 =	simm.s32 @!p0 $0x2  }
0xb8: {  	v1 =	vmov s16  }
0xb9: {  	vm15 =	vgt.u32 v1, v0  }
0xba: {  	s29 =	spop (v2sf)  }
0xbb: {  	s16 =	sshll.u32 s29, $0x4  }
0xbc: {  	s16 =	sand.u32 $0x1FFFFFF0, s16  }
0xbd: {  	s30 =	sadd.s32 $0x0, s14;
	s31 =	sadd.s32 $0x0, s13;
	s16 =	sadd.s32 s7, s16  }
0xbe: {  	[hbm:s16] =	stream.strided.scatter [tilespmem:s30], [sflag:$0x3], $0x80, s11, s11, $0x38;
	[tilespmem:$0x19640] =	vst v63  }
0xbf: {  	s17 =	simm.s32 $0x1;
	s18 =	simm.s32 $0x4;
	v1 =	vld.msk [tilespmem:s31+$0x0 ss:$0x1], vm15  }
0xc0: {  	s19 =	simm.s32 $0x8;
	p0 =	por p0, p0;
	s16 =	simm.s32 $0x0  }
.LBB2_5:
0xc1: {  	p1 =	sne.s32 s19, $0x63C;
	s20 =	sadd.s32 s17, s15  }
0xc2: {  	v2 =	vld.msk [tilespmem:s20+$0x0 ss:$0x1], $0x1;
	_ =	sdelay $0x1  }
0xc3: {  	(v2sf) =	vpush v1, $0x1  }
0xc4: {  	(v2sf) =	vpush v1, $0x0;
	_ =	sdelay $0x2  }
0xc5: {  	(v2sf) =	vpush v2, $0x0;
	_ =	sdelay $0x9  }
0xc6: {  	p2 =	seq.s32 s18, $0x63C;
	s18 =	smov.u32 s19;
	s20 =	simm.s32 $0x1  }
0xc7: {  	s20 =	simm.s32 @!p2 $0x2;
	s21 =	spop (v2sf)  }
0xc8: {  	s21 =	simm.s32 @p0 $0xFFFFFFFF;
	s22 =	spop (v2sf);
	p0 =	por p2, p2  }
0xc9: {  	v1 =	vmov s20;
	s20 =	simm.s32 $0x1;
	p2 =	sne.s32 s22, s21  }
0xca: {  	vm0 =	vgt.u32 v1, v0;
	s20 =	simm.s32 @!p2 $0x0  }
0xcb: {  	s21 =	spop (v2sf);
	s16 =	sadd.s32 s20, s16  }
0xcc: {  	s20 =	sshll.u32 s21, $0x4;
	s21 =	sshll.u32 s16, $0x9  }
0xcd: {  	s17 =	sadd.s32 s17, s13;
	s20 =	sand.u32 $0x1FFFFFF0, s20;
	s21 =	sshra.s32 s21, $0x2  }
.Ltmp4:
0xce: {  	s21 =	sadd.s32 s21, s14;
	s20 =	sadd.s32 s7, s20;
	(pc) =	sbr.rel @p1 .LBB2_5-.Ltmp4, $3  }
0xcf: {  	[hbm:s20] =	stream.strided.scatter [tilespmem:s21], [sflag:$0x3], $0x80, s11, s11, $0x38;
	[tilespmem:$0x19640] =	vst v63  }
0xd0: {  	v1 =	vld.msk [tilespmem:s17+$0x0 ss:$0x1], vm0;
	_ =	sdelay $0x1  }
0xd1: {  	s19 =	sadd.s32 $0x4, s19;
	s17 =	sshra.s32 s18, $0x2  }
.Ltmp5:
0xd2: {  	_ = 	snop;
	(pc) =	sbr.rel .LBB2_6-.Ltmp5, $1  }
0xd3: {  	_ =	sdelay $0x3  }
.LBB2_8:
0xd4: {  	_ =	sfence.sel $0x180000  }
0xd5: {  	s2 =	simm.s32 $0x2;
	[bflag:$0x0] =	sbarrier.arrive $0xFFFF  }
0xd6: {  	s30 =	simm.s32 $0x3;
	[sflag:s2] =	ssyncpa.u1 $0x1  }
0xd7: {  	s31 =	simm.s32 $0x1;
	[sflag:s30] =	ssyncpa.u1 $0x1  }
0xd8: {  	[sflag:s31] =	ssyncpa.u1 $0x1  }
0xd9: {  	p0 =	sne.s32 s1, $0x0;
	_ =	strace $0x9000004D  }
0xda: {  	s0 =	sadd.s32 @!p0 $0x100000, s0;
	[bflag:$0x2] =	sbarrier.arrive $0xFFFF  }
0xdb: {  	[sflag:s0] =	ssyncadd.tile.s32 @!p0 $0x1;
	_ =	shalt  }
.Lfunc_end2:
_tile_overlayer_lowered:
.L_overlay_start_2:
0xdc: {  	(tag) =	ssettag $0x2  }
0xdd: {  	s0 =	rddreg [dreg:$0x0];
	s2 =	stileid.u32  }
0xde: {  	s1 =	rddreg [dreg:$0x1];
	p0 =	sne.s32 s2, $0x0  }
0xdf: {  	s3 =	rddreg [dreg:$0x2];
	[bflag:$0x3] =	sbarrier.arrive $0xFFFF;
	s2 =	simm.s32 @!p0 $0x1C01  }
0xe0: {  	[timem:s3], [sflag:s2] =	dma.local @!p0 [hbm:s0], s1  }
0xe1: {  	s0 =	simm.s32 @!p0 $0x1  }
0xe2: {  	_ =	swait.ge @!p0 [sflag:s0], s1  }
0xe3: {  	s1 =	ssub.s32 @!p0 $0x0, s1;
	[sflag:s0] =	ssyncset.done @!p0 $0x0  }
0xe4: {  	[sflag:s0] =	ssyncadd.s32 @!p0 s1  }
0xe5: {  	[bflag:$0x3] =	sbarrier.arrive $0xFFFF  }
0xe6: {  	_ =	shalt  }

// kernel: scatter_offload_async_start.1
scs
__scs_entry_jumppad:
0x0: {  	(pc) =	sbr.rel $0x88, $3  }
0x1: {  	(tag) =	ssettag $0x0;
	lr =	simm.s32 $0x1  }
0x2: {  	[smem:$0x3F9B] =	sst lr;
	_ =	strace $0xD0000000  }
0x3: {  	_ = 	snop  }
0x4: {  	_ = 	snop  }
0x5: {  	_ = 	snop  }
0x6: {  	_ = 	snop  }
0x7: {  	_ = 	snop  }
__scs_overlays_trampoline_lowered:
0x8: {  	[smem:$0x3FAA] =	sst s0  }
0x9: {  	[smem:$0x3FAB] =	sst s1  }
0xa: {  	[smem:$0x3FAC] =	sst s2  }
0xb: {  	[smem:$0x3FAD] =	sst s3  }
0xc: {  	[smem:$0x3FAE] =	sst s4  }
0xd: {  	[smem:$0x3FAF] =	sst s5  }
0xe: {  	[smem:$0x3FB0] =	sst s6  }
0xf: {  	[smem:$0x3FB1] =	sst s7  }
0x10: {  	[smem:$0x3FB2] =	sst s8  }
0x11: {  	[smem:$0x3FB3] =	sst s9;
	s0 =	simm.s32 @!p0 $0x0  }
0x12: {  	s1 =	sld [smem:$0x3F99];
	s0 =	simm.s32 @p0 $0x1  }
0x13: {  	[smem:$0x3FB4] =	sst s0;
	s0 =	simm.s32 @!p1 $0x0  }
0x14: {  	s2 =	sld [smem:$0x3F98];
	s0 =	simm.s32 @p1 $0x1  }
0x15: {  	[smem:$0x3FB5] =	sst s0;
	s0 =	simm.s32 @!p2 $0x0  }
0x16: {  	s3 =	sld [smem:$0x3FDB];
	s0 =	simm.s32 @p2 $0x1  }
0x17: {  	s4 =	simm.s32 $0x1BF5;
	[smem:$0x3FB7] =	sst s0  }
0x18: {  	s0 =	sld [smem:$0x3F9A];
	_ =	swait.ge [sflag:s4], $0x0  }
0x19: {  	s7 =	sld [smem:$0x3F9B]  }
0x1a: {  	s8 =	sadd.s32 $0xFFFFE003, lr  }
0x1b: {  	s9 =	sadd.s32 $0xFFFFFEF7, lr;
	s5 =	simm.s32 $0xFFFFFFFF;
	p2 =	slt.u32 s8, $0xFFFFF086  }
0x1c: {  	p1 =	slt.u32 s9, $0xF7A;
	s5 =	simm.s32 @!p2 $0x0  }
0x1d: {  	s5 =	simm.s32 @p1 $0x1;
	p0 =	seq.s32 s7, s2  }
0x1e: {  	s7 =	smul.u32 @!p0 $0xF7A, s2;
	p2 =	seq.s32 @!p0 s5, $0x0  }
0x1f: {  	s9 =	smul.u32 $0xF7A, s1;
	s8 =	simm.s32 @!p0 $0x1BF5;
	p2 =	por !p2, p0  }
0x20: {  	[sflag:s8] =	ssyncset.s32 @!p0 $0xFFFFF086;
	s6 =	sadd.s32 @!p0 s3, s7;
	s7 =	simm.s32 @!p0 $0x108  }
0x21: {  	s3 =	sadd.s32 s3, s9;
	s6 =	sadd.s32 @!p0 $0x88, s6;
	s7 =	simm.s32 @p2 $0x1082  }
0x22: {  	[simem:s7], [sflag:s8] =	dma.local @!p0 [hbm:s6], $0xF7A  }
0x23: {  	s9 =	sor.u32 $0xD0000000, s2;
	s6 =	simm.s32 $0x108;
	_ =	swait.ge @!p0 [sflag:s8], $0x0  }
0x24: {  	s3 =	sadd.s32 $0x88, s3;
	s6 =	simm.s32 @!p1 $0x1082;
	[sflag:s4] =	ssyncset.s32 $0xFFFFF086  }
0x25: {  	[simem:s6], [sflag:s4] =	dma.local [hbm:s3], $0xF7A  }
0x26: {  	[smem:$0x3F9B] =	sst s1;
	(tag) =	ssettag s2;
	_ =	strace s9  }
0x27: {  	s1 =	sld [smem:$0x3FAB]  }
0x28: {  	s2 =	sld [smem:$0x3FAC]  }
0x29: {  	s4 =	sld [smem:$0x3FAE]  }
0x2a: {  	p0 =	seq.s32 s5, $0x0;
	s5 =	sld [smem:$0x3FAF]  }
0x2b: {  	s6 =	sld [smem:$0x3FB0]  }
0x2c: {  	s7 =	sld [smem:$0x3FB1]  }
0x2d: {  	s3 =	simm.s32 $0x108;
	s8 =	sld [smem:$0x3FB2]  }
0x2e: {  	s3 =	simm.s32 @!p0 $0x1082;
	s9 =	sld [smem:$0x3FB3]  }
0x2f: {  	lr =	sadd.s32 s0, s3;
	s0 =	sld [smem:$0x3FAA]  }
0x30: {  	s3 =	sld [smem:$0x3FAD]  }
0x31: {  	[smem:$0x3FB6] =	sst s10  }
0x32: {  	s10 =	sld [smem:$0x3FB4];
	_ =	sdelay $0x3  }
0x33: {  	p0 =	seq.s32 s10, $0x1;
	s10 =	sld [smem:$0x3FB6];
	_ =	sdelay $0x3  }
0x34: {  	[smem:$0x3FB6] =	sst s10  }
0x35: {  	s10 =	sld [smem:$0x3FB5];
	_ =	sdelay $0x3  }
0x36: {  	p1 =	seq.s32 s10, $0x1;
	s10 =	sld [smem:$0x3FB6];
	_ =	sdelay $0x3  }
0x37: {  	[smem:$0x3FB6] =	sst s10  }
0x38: {  	s10 =	sld [smem:$0x3FB7]  }
0x39: {  	_ = 	snop;
	(pc) =	sbr.ind lr, $3  }
0x3a: {  	_ = 	snop  }
0x3b: {  	_ = 	snop  }
0x3c: {  	p2 =	seq.s32 s10, $0x1;
	s10 =	sld [smem:$0x3FB6]  }
0x3d: {  	_ =	shalt  }
0x3e: {  	_ =	shalt  }
0x3f: {  	_ =	shalt  }
0x40: {  	_ =	shalt  }
0x41: {  	_ =	shalt  }
0x42: {  	_ =	shalt  }
0x43: {  	_ =	shalt  }
0x44: {  	_ =	shalt  }
0x45: {  	_ =	shalt  }
0x46: {  	_ =	shalt  }
0x47: {  	_ =	shalt  }
0x48: {  	_ =	shalt  }
0x49: {  	_ =	shalt  }
0x4a: {  	_ =	shalt  }
0x4b: {  	_ =	shalt  }
0x4c: {  	_ =	shalt  }
0x4d: {  	_ =	shalt  }
0x4e: {  	_ =	shalt  }
0x4f: {  	_ =	shalt  }
0x50: {  	_ =	shalt  }
0x51: {  	_ =	shalt  }
0x52: {  	_ =	shalt  }
0x53: {  	_ =	shalt  }
0x54: {  	_ =	shalt  }
0x55: {  	_ =	shalt  }
0x56: {  	_ =	shalt  }
0x57: {  	_ =	shalt  }
0x58: {  	_ =	shalt  }
0x59: {  	_ =	shalt  }
0x5a: {  	_ =	shalt  }
0x5b: {  	_ =	shalt  }
0x5c: {  	_ =	shalt  }
0x5d: {  	_ =	shalt  }
0x5e: {  	_ =	shalt  }
0x5f: {  	_ =	shalt  }
0x60: {  	_ =	shalt  }
0x61: {  	_ =	shalt  }
0x62: {  	_ =	shalt  }
0x63: {  	_ =	shalt  }
0x64: {  	_ =	shalt  }
0x65: {  	_ =	shalt  }
0x66: {  	_ =	shalt  }
0x67: {  	_ =	shalt  }
0x68: {  	_ =	shalt  }
0x69: {  	_ =	shalt  }
0x6a: {  	_ =	shalt  }
0x6b: {  	_ =	shalt  }
0x6c: {  	_ =	shalt  }
0x6d: {  	_ =	shalt  }
0x6e: {  	_ =	shalt  }
0x6f: {  	_ =	shalt  }
0x70: {  	_ =	shalt  }
0x71: {  	_ =	shalt  }
0x72: {  	_ =	shalt  }
0x73: {  	_ =	shalt  }
0x74: {  	_ =	shalt  }
0x75: {  	_ =	shalt  }
0x76: {  	_ =	shalt  }
0x77: {  	_ =	shalt  }
0x78: {  	_ =	shalt  }
0x79: {  	_ =	shalt  }
0x7a: {  	_ =	shalt  }
0x7b: {  	_ =	shalt  }
0x7c: {  	_ =	shalt  }
0x7d: {  	_ =	shalt  }
0x7e: {  	_ =	shalt  }
0x7f: {  	_ =	shalt  }
0x80: {  	_ =	shalt  }
0x81: {  	_ =	shalt  }
0x82: {  	_ =	shalt  }
0x83: {  	_ =	shalt  }
0x84: {  	_ =	shalt  }
0x85: {  	_ =	shalt  }
0x86: {  	_ =	shalt  }
0x87: {  	_ =	shalt  }
.Lfunc_end0:
.L_simem_size_0:
called_computation.1_lowered:
.L_overlay_start_0:
0x88: {  	s2 =	sld [smem:$0x3FD9]  }
0x89: {  	s3 =	sld [smem:$0x3FFE];
	_ =	sdelay $0x1  }
0x8a: {  	s1 =	srdreg.scid  }
0x8b: {  	s0 =	sand.u32 $0x1, s1  }
0x8c: {  	s13 =	sshll.u32 s0, $0xA;
	s2 =	sadd.s32 s3, s2  }
0x8d: {  	s2 =	sadd.s32 s2, s13  }
0x8e: {  	[smem:$0x3FC2] =	sst s2  }
0x8f: {  	_ = 	snop  }
0x90: {  	s2 =	sld [smem:$0x3FD0];
	_ =	sdelay $0x2  }
0x91: {  	s14 =	simm.s32 $0xC;
	s4 =	simm.s32 $0x10  }
0x92: {  	[smem:s4], [sflag:s14] =	dma.local [hbm:s2], $0x1  }
0x93: {  	_ =	swait.eq [sflag:s14], $0x1  }
0x94: {  	[sflag:s14] =	ssyncset.done $0x0  }
0x95: {  	[sflag:s14] =	ssyncadd.s32 $0xFFFFFFFF  }
0x96: {  	s15 =	sld [smem:$0x12];
	(tm) =	ssettm $0x1  }
0x97: {  	s16 =	sld [smem:$0x3FFB];
	_ =	sdelay $0x3  }
0x98: {  	_ =	strace s16  }
0x99: {  	s3 =	sld [smem:$0x3FFC];
	_ =	sdelay $0x3  }
0x9a: {  	_ =	strace s3  }
0x9b: {  	s3 =	sld [smem:$0x3FFD];
	_ =	sdelay $0x3  }
0x9c: {  	_ =	strace s3  }
0x9d: {  	_ =	strace $0x8FFFFFFF  }
0x9e: {  	s17 =	sld [smem:$0x3FDB];
	_ =	sdelay $0x1  }
0x9f: {  	s18 =	simm.s32 $_scs_section_size  }
0xa0: {  	s5 =	simm.s32 $_size__tile_overlayer_lowered;
	s6 =	simm.s32 $_tile_overlayer_lowered  }
0xa1: {  	s21 =	simm.s32 $0x1BFF;
	s20 =	sshll.u32 s6, $0x1;
	s3 =	sadd.s32 s18, s17  }
0xa2: {  	s7 =	simm.s32 $0x0;
	s19 =	sshll.u32 s5, $0x1;
	s5 =	sadd.s32 s20, s3  }
0xa3: {  	[timem:s7], [sflag:s21] =	dma.local [hbm:s5], s19  }
0xa4: {  	_ =	swait.ge [sflag:s21], s19  }
0xa5: {  	s4 =	ssub.s32 $0x0, s19;
	[sflag:s21] =	ssyncset.done $0x0  }
0xa6: {  	[sflag:s21] =	ssyncadd.s32 s4;
	_ =	sdelay $0x1  }
0xa7: {  	s22 =	simm.s32 $0x1B8B  }
0xa8: {  	_ =	swait.ge [sflag:s22], $0x1  }
0xa9: {  	[sflag:s22] =	ssyncset.done $0x0  }
0xaa: {  	s23 =	sld [smem:$0x3FFE];
	[sflag:s22] =	ssyncadd.s32 $0xFFFFFFFF  }
0xab: {  	s25 =	simm.s32 $0x1B8E;
	s24 =	sld [smem:$0x0]  }
0xac: {  	s26 =	simm.s32 $execute0_lowered;
	[smem:$0x3FD2] =	sst s25  }
0xad: {  	s6 =	sshll.u32 s26, $0x1;
	_ =	strace $0x80000052;
	[dreg:$0x1] =	wrdreg $0xFFFFFFFF  }
0xae: {  	s28 =	simm.s32 $_size_execute0_lowered;
	s3 =	sadd.s32 s3, s6;
	[dreg:$0x0] =	wrdreg $0x0  }
0xaf: {  	s6 =	sshll.u32 s28, $0x1;
	[dreg:$0x2] =	wrdreg s3  }
0xb0: {  	[dreg:$0x3] =	wrdreg s6  }
0xb1: {  	[dreg:$0x4] =	wrdreg $0xC0  }
0xb2: {  	_ =	task [dreg:s7], $0x5FFFF  }
0xb3: {  	[dreg:$0x1] =	wrdreg $0xFFFFFFFF  }
0xb4: {  	[dreg:$0x0] =	wrdreg $0x60  }
0xb5: {  	[dreg:$0x2] =	wrdreg s23  }
0xb6: {  	[dreg:$0x3] =	wrdreg s15  }
0xb7: {  	[dreg:$0x4] =	wrdreg s1  }
0xb8: {  	[dreg:$0x5] =	wrdreg s24  }
0xb9: {  	[dreg:$0x6] =	wrdreg $0x9  }
0xba: {  	_ =	task.clear_ibuf [dreg:s7], $0x7FFFF;
	_ =	strace $0x90000052  }
0xbb: {  	s29 =	simm.s32 $0x9;
	_ =	strace $0x80000054  }
0xbc: {  	_ =	swait.ge [sflag:s29], $0x1  }
0xbd: {  	[sflag:s29] =	ssyncadd.s32 $0xFFFFFFFF  }
0xbe: {  	_ =	strace $0x90000054  }
0xbf: {  	_ =	sfence  }
0xc0: {  	s30 =	sld [smem:$0x0];
	_ =	sdelay $0x2  }
0xc1: {  	s31 =	sshll.u32 s1, $0xD;
	s1 =	sshrl.u32 s1, $0x2  }
0xc2: {  	s3 =	sand.u32 $0x4000, s31;
	s1 =	sadd.s32 s1, s30  }
0xc3: {  	s0 =	sor.u32 s3, s0;
	s1 =	sshll.u32 s1, $0x11  }
0xc4: {  	s0 =	sor.u32 s1, s0  }
0xc5: {  	s0 =	sadd.s32 $0x8F2B, s0  }
0xc6: {  	[sflag:s0] =	ssyncadd.remote.s32 $0x1  }
0xc7: {  	_ =	sfence.sel $0xFFFF  }
0xc8: {  	[dreg:$0x0] =	wrdreg $0xFFFFFFFF;
	(pc) =	sbr.abs _section_cstart, $3  }
0xc9: {  	[dreg:$0x1] =	wrdreg $0xFFFFFFFF  }
0xca: {  	_ =	task.clear_ibuf [dreg:s7], $0x2FFFF;
	_ =	strace $0x9FFFFFFF  }
0xcb: {  	(tm) =	ssettm $0x7FFFFFFF  }
tec
execute0_lowered:
.L_overlay_start_1:
0x0: {  	(tag) =	ssettag $0x1  }
0x1: {  	s2 =	rddreg [dreg:$0x0]  }
0x2: {  	s0 =	rddreg [dreg:$0x1]  }
0x3: {  	s3 =	rddreg [dreg:$0x2];
	_ =	strace $0x80000053;
	s1 =	simm.s32 $0x1  }
0x4: {  	s4 =	simm.s32 $0x108;
	v0 =	vimm.s32 $0x0;
	[sflag:s1] =	ssyncpa.u1 $0x0  }
0x5: {  	[tilespmem:s4+$0x70] =	vst v0  }
0x6: {  	[tilespmem:s4+$0x60] =	vst v0  }
0x7: {  	[tilespmem:s4+$0x50] =	vst v0  }
0x8: {  	[tilespmem:s4+$0x40] =	vst v0  }
0x9: {  	s1 =	sadd.s32 $0xD9C000, s2;
	[tilespmem:s4+$0x30] =	vst v0  }
0xa: {  	s7 =	sadd.s32 $0xD5C000, s2;
	s3 =	sand.u32 $0x1, s3;
	s15 =	sadd.s32 $0x800, s2;
	[tilespmem:s4+$0x20] =	vst v0  }
0xb: {  	s2 =	simm.s32 $0x40;
	[dreg:$0x5] =	wrdreg s3;
	s16 =	sshll.u32 s3, $0xA;
	[tilespmem:s4+$0x10] =	vst v0  }
.LBB2_1:
0xc: {  	s2 =	sadd.s32 $0x40, s2;
	[tilespmem:s4+$0x0] =	vst v0;
	s4 =	sadd.s32 $0x80, s4  }
0xd: {  	p0 =	slt.u32 s2, $0x3C40;
	[tilespmem:s4+$0x70] =	vst v0  }
0xe: {  	[tilespmem:s4+$0x60] =	vst v0  }
.Ltmp0:
0xf: {  	[tilespmem:s4+$0x50] =	vst v0;
	(pc) =	sbr.rel @p0 .LBB2_1-.Ltmp0, $4  }
0x10: {  	[tilespmem:s4+$0x40] =	vst v0  }
0x11: {  	[tilespmem:s4+$0x30] =	vst v0  }
0x12: {  	[tilespmem:s4+$0x20] =	vst v0  }
0x13: {  	[tilespmem:s4+$0x10] =	vst v0  }
0x14: {  	s6 =	stileid.u32  }
0x15: {  	s3 =	sshll.u32 s6, $0x1;
	s2 =	smin.u32 s6, $0x3  }
0x16: {  	s2 =	sadd.s32 s2, s3  }
0x17: {  	p0 =	slt.u32 s6, $0x3;
	s8 =	smul.u32 $0xF0, s2;
	s2 =	simm.s32 $0x2D0  }
0x18: {  	s2 =	simm.s32 @!p0 $0x1E0  }
0x19: {  	s2 =	sadd.s32 s2, s8  }
0x1a: {  	s9 =	smin.u32 s2, $0x2000  }
0x1b: {  	s2 =	ssub.s32 s9, s8  }
0x1c: {  	p0 =	sgt.s32 s2, $0x0  }
0x1d: {  	s30 =	simm.s32 $0x2;
	s2 =	simm.s32 @!p0 $0x0  }
0x1e: {  	s11 =	simm.s32 $0x9;
	s5 =	simm.s32 $0xA;
	s29 =	smul.u32 $0x8889, s2  }
0x1f: {  	s12 =	simm.s32 $0xB;
	s13 =	simm.s32 $0x1;
	s15 =	sadd.s32 s16, s15  }
0x20: {  	s16 =	sadd.s32 s16, s0;
	[dreg:$0x6] =	wrdreg s3;
	s3 =	sshrl.u32 s29, $0x17  }
0x21: {  	s23 =	simm.s32 $0x0;
	s19 =	simm.s32 $0xC;
	s31 =	smul.u32 $0xF0, s3  }
.Ltmp1:
0x22: {  	[tilespmem:s4+$0x0] =	vst v0;
	v0 =	vimm.s32 $0xFFFFFFFF;
	s21 =	simm.s32 $0x0;
	[sflag:s30] =	ssyncpa.u1 $0x0;
	(pc) =	sbr.rel .LBB2_3-.Ltmp1, $4  }
0x23: {  	[tilespmem:$0xF208] =	vst v0;
	[sflag:s11] =	ssyncpa.u1 $0x0;
	p0 =	sne.s32 s2, s31;
	s2 =	simm.s32 $0x1  }
0x24: {  	s22 =	simm.s32 $0x0;
	[sflag:s5] =	ssyncpa.u1 $0x0;
	s2 =	simm.s32 @!p0 $0x0  }
0x25: {  	s17 =	sshll.u32 s6, $0x8;
	[sflag:s12] =	ssyncpa.u1 $0x0;
	s14 =	sadd.s32 s3, s2  }
0x26: {  	v0 =	vlaneseq.u32;
	s20 =	smov.u32 s8;
	p0 =	por $0x0, $0x0;
	s18 =	sadd.s32 $0x1, s14  }
.LBB2_18:
0x27: {  	s0 =	sshrl.u32 s0, $0x2  }
.LBB2_20:
0x28: {  	_ =	swait.ge [sflag:s19], s0  }
0x29: {  	s30 =	ssub.s32 $0x0, s0;
	v1 =	vmov s25;
	vm0 =	veq.s32 v0, $0x0;
	[sflag:s19] =	ssyncset.done $0x0  }
0x2a: {  	vm15 =	veq.s32 v0, $0x2;
	v1 =	vsel vm0, s31, v1;
	[sflag:s19] =	ssyncadd.s32 s30  }
0x2b: {  	v1 =	vsel vm15, s23, v1;
	[sflag:s19] =	ssyncpa.u1 $0x1  }
0x2c: {  	[tilespmem:$0xF208] =	vst v1  }
.LBB2_21:
0x2d: {  	s0 =	sadd.s32 $0xF0, s20  }
0x2e: {  	s2 =	smov.u32 s8;
	p1 =	slt.s32 s0, s9  }
0x2f: {  	s2 =	smov.u32 @p1 s0;
	p1 =	sne.s32 s22, s18  }
.Ltmp2:
0x30: {  	_ = 	snop;
	(pc) =	sbr.rel @!p1 .LBB2_22-.Ltmp2, $3  }
0x31: {  	_ =	sdelay $0x1  }
0x32: {  	s23 =	smov.u32 s21;
	s31 =	sadd.s32 $0x1, s22;
	s21 =	smov.u32 s20  }
0x33: {  	p0 =	por !p0, !p0;
	s22 =	smov.u32 s31;
	s20 =	smov.u32 s2  }
.LBB2_3:
0x34: {  	p1 =	sge.u32 s22, s14  }
0x35: {  	s0 =	smulhi.u32 @!p1 $0xAAAAAAAB, s22  }
0x36: {  	s2 =	smov.u32 s20;
	p2 =	sgt.s32 @!p1 s20, $0x1F10  }
0x37: {  	s3 =	sshra.s32 @!p1 s20, $0x1F;
	p2 =	por !p2, p1;
	s0 =	sshrl.u32 @!p1 s0, $0x1  }
0x38: {  	s3 =	sand.u32 @!p1 s3, s20;
	s2 =	simm.s32 @p2 $0x1F10;
	s0 =	smul.u32 @!p1 $0x3, s0  }
0x39: {  	s2 =	ssub.s32 @!p1 s2, s3  }
0x3a: {  	s2 =	sadd.s32 @!p1 $0xFFFFE0F0, s2;
	s0 =	ssub.s32 @!p1 s22, s0  }
0x3b: {  	s3 =	sshll.u32 @!p1 s2, $0x2;
	p2 =	sgt.s32 @!p1 s2, $0xEF;
	s0 =	smul.u32 @!p1 $0x3C0, s0  }
0x3c: {  	s4 =	sand.u32 @!p1 $0x7, s20;
	s2 =	ssub.s32 @!p1 $0x3C0, s3;
	p2 =	por !p2, p1  }
0x3d: {  	s3 =	sshrl.u32 @!p1 s20, $0x3;
	s2 =	sshrl.u32 @!p1 s2, $0x2;
	s0 =	sshrl.u32 @!p1 s0, $0x2  }
0x3e: {  	s3 =	sadd.s32 @!p1 s3, s15;
	s2 =	simm.s32 @!p2 $0x0;
	s0 =	sadd.s32 @!p1 $0x10248, s0  }
0x3f: {  	[tilespmem:s0], [sflag:$0xA] =	stream.linear.gather @!p1 [hbm4b:s3+s4], s2, $0x38;
	[tilespmem:$0x1F6F8] =	vst v63  }
0x40: {  	s0 =	sadd.s32 $0xFFFFFFFF, s22  }
0x41: {  	p1 =	sge.u32 s0, s14  }
0x42: {  	p2 =	sgt.s32 @!p1 s21, $0x1F10  }
0x43: {  	s2 =	smov.u32 s21;
	s3 =	sshra.s32 @!p1 s21, $0x1F;
	p2 =	por !p2, p1  }
0x44: {  	s3 =	sand.u32 @!p1 s3, s21;
	s2 =	simm.s32 @p2 $0x1F10  }
0x45: {  	s2 =	ssub.s32 @!p1 s2, s3  }
0x46: {  	s2 =	sadd.s32 @!p1 $0xFFFFE0F0, s2  }
0x47: {  	s4 =	sand.u32 @!p1 $0x1, s0;
	s3 =	sshll.u32 @!p1 s2, $0x2  }
0x48: {  	p2 =	sgt.s32 @!p1 s2, $0xEF;
	s2 =	ssub.s32 @!p1 $0x3C0, s3;
	s3 =	smulhi.u32 @!p1 $0xAAAAAAAB, s0  }
0x49: {  	s6 =	smul.u32 @!p1 $0x3C0, s4;
	p2 =	por !p2, p1;
	s2 =	sshrl.u32 @!p1 s2, $0x2  }
0x4a: {  	s5 =	simm.s32 @!p1 $0xA;
	s2 =	simm.s32 @!p2 $0x0;
	s3 =	sshrl.u32 @!p1 s3, $0x1  }
0x4b: {  	s6 =	sshrl.u32 @!p1 s6, $0x2;
	_ =	swait.ge @!p1 [sflag:s5], s2;
	s3 =	smul.u32 @!p1 $0x3, s3  }
0x4c: {  	s6 =	sadd.s32 @!p1 $0x10518, s6;
	s24 =	ssub.s32 @!p1 $0x0, s2;
	[sflag:s5] =	ssyncset.done @!p1 $0x0  }
0x4d: {  	[sflag:s5] =	ssyncadd.s32 @!p1 s24;
	s5 =	sshrl.u32 @!p1 s21, $0x3;
	s0 =	ssub.s32 @!p1 s0, s3  }
0x4e: {  	s24 =	sand.u32 @!p1 $0x7, s21;
	s5 =	sadd.s32 @!p1 s5, s16;
	s0 =	smul.u32 @!p1 $0x3C0, s0  }
0x4f: {  	[tilespmem:s6], [sflag:$0xB] =	stream.linear.gather @!p1 [hbm4b:s5+s24], s2, $0x38;
	[tilespmem:$0x1F6F8] =	vst v63  }
0x50: {  	s3 =	ssub.s32 @!p1 $0x2000, s21;
	s2 =	smul.u32 @!p1 $0x1E000, s4  }
0x51: {  	p2 =	slt.s32 @!p1 s3, $0xF0  }
0x52: {  	p2 =	por !p2, p1;
	s0 =	sshrl.u32 @!p1 s0, $0x2;
	s2 =	sshrl.u32 @!p1 s2, $0x2  }
0x53: {  	s3 =	simm.s32 @p2 $0xF0;
	s0 =	sadd.s32 @!p1 $0x10248, s0;
	s2 =	sor.u32 @!p1 $0x106F8, s2  }
0x54: {  	[tilespmem:s2], [sflag:$0x9] =	stream.indirect.gather @!p1 [hbm4b:s7+s3], $0x80, s0, s3, $0xb8;
	[tilespmem:$0x1F6F8] =	vst v63  }
0x55: {  	p1 =	slt.u32 s22, $0x2  }
.Ltmp3:
0x56: {  	_ = 	snop;
	(pc) =	sbr.rel @p1 .LBB2_21-.Ltmp3, $1  }
0x57: {  	_ =	sdelay $0x3  }
0x58: {  	p1 =	sgt.s32 s23, $0x1F10  }
0x59: {  	s0 =	smov.u32 s23;
	s2 =	sshra.s32 s23, $0x1F;
	s3 =	ssub.s32 $0x2000, s23  }
0x5a: {  	s0 =	simm.s32 @!p1 $0x1F10;
	s2 =	sand.u32 s2, s23;
	p1 =	slt.s32 s3, $0xF0  }
0x5b: {  	s0 =	ssub.s32 s0, s2;
	s3 =	simm.s32 @!p1 $0xF0  }
0x5c: {  	s0 =	sadd.s32 $0xFFFFE0F0, s0;
	s24 =	sshll.u32 s3, $0x7  }
0x5d: {  	s25 =	sshll.u32 s0, $0x2;
	s2 =	sand.u32 $0x3FFFFF80, s24  }
0x5e: {  	p1 =	sgt.s32 s0, $0xEF;
	s26 =	ssub.s32 $0x3C0, s25;
	_ =	swait.ge [sflag:s11], s2  }
0x5f: {  	s2 =	ssub.s32 $0x0, s2;
	[sflag:s11] =	ssyncset.done $0x0;
	s0 =	sshrl.u32 s26, $0x2  }
0x60: {  	[sflag:s11] =	ssyncadd.s32 s2;
	s0 =	simm.s32 @p1 $0x0  }
0x61: {  	_ =	swait.ge [sflag:s12], s0  }
0x62: {  	s0 =	ssub.s32 $0x0, s0;
	[sflag:s12] =	ssyncset.done $0x0  }
0x63: {  	[sflag:s12] =	ssyncadd.s32 s0  }
0x64: {  	v1 =	vld [tilespmem:$0xF208];
	_ =	sdelay $0x4  }
0x65: {  	(v2sf) =	vpush v1, $0x0  }
0x66: {  	(v2sf) =	vpush v1, $0x1  }
0x67: {  	(v2sf) =	vpush v1, $0x2;
	_ =	sdelay $0x3  }
0x68: {  	s0 =	sadd.s32 $0xF0, s23  }
0x69: {  	s2 =	ssub.s32 $0x4000, s23;
	p1 =	slt.s32 s9, s0  }
0x6a: {  	s0 =	smov.u32 @p1 s9;
	p1 =	sgt.s32 s2, $0x0  }
0x6b: {  	s0 =	ssub.s32 s0, s23;
	s2 =	simm.s32 @!p1 $0x0  }
0x6c: {  	p1 =	slt.s32 s2, s0  }
0x6d: {  	s0 =	smov.u32 @p1 s2  }
0x6e: {  	s26 =	simm.s32 $0x1;
	p1 =	slt.s32 s0, $0x1  }
.Ltmp4:
0x6f: {  	s26 =	simm.s32 @!p0 $0x0;
	(pc) =	sbr.rel @p1 .LBB2_8-.Ltmp4, $4  }
0x70: {  	s30 =	smul.u32 $0x3C0, s26  }
0x71: {  	s28 =	spop (v2sf)  }
0x72: {  	s31 =	sshrl.u32 s30, $0x2;
	s29 =	spop (v2sf)  }
0x73: {  	s24 =	sadd.s32 $0x10518, s31;
	s23 =	spop (v2sf)  }
0x74: {  	s2 =	smin.u32 s0, $0x10  }
0x75: {  	v1 =	vmov s2  }
0x76: {  	p2 =	sgt.s32 s0, $0x10;
	vm1 =	vgt.u32 v1, v0  }
.Ltmp5:
0x77: {  	_ = 	snop;
	(pc) =	sbr.rel @!p2 .LBB2_7-.Ltmp5, $2  }
0x78: {  	_ =	sdelay $0x2  }
0x79: {  	s5 =	simm.s32 $0x10;
	s25 =	sadd.s32 $0xFFFFFFF0, s0;
	s4 =	smov.u32 s24;
	vm0 =	vmmov vm1  }
.LBB2_6:
0x7a: {  	s2 =	smin.u32 s25, $0x10;
	s5 =	sadd.s32 $0x10, s5;
	v1 =	vld.msk [tilespmem:s4+$0x0 ss:$0x1], vm1  }
0x7b: {  	v2 =	vmov s2;
	p2 =	slt.s32 s5, s0  }
0x7c: {  	vm1 =	vgt.u32 v2, v0  }
.Ltmp6:
0x7d: {  	(pc) =	sbr.rel @p2 .LBB2_6-.Ltmp6, $3  }
0x7e: {  	_ =	sdelay $0x1  }
0x7f: {  	v1 =	vshll.u32 v1, $0x4  }
0x80: {  	s25 =	sadd.s32 $0xFFFFFFF0, s25;
	[tilespmem:s4+$0x0] =	vst.msk vm0, v1;
	s4 =	sadd.s32 $0x10, s4;
	vm0 =	vmmov vm1  }
.LBB2_7:
0x81: {  	_ =	sdelay $0x4  }
0x82: {  	v1 =	vld.msk [tilespmem:s4+$0x0 ss:$0x1], vm1;
	_ =	sdelay $0x4  }
0x83: {  	v1 =	vshll.u32 v1, $0x4  }
0x84: {  	[tilespmem:s4+$0x0] =	vst.msk vm0, v1  }
.LBB2_8:
0x85: {  	s2 =	sand.u32 $0x1, s22  }
0x86: {  	s2 =	smul.u32 $0xF0, s2  }
0x87: {  	p2 =	sne.s32 s29, $0xFFFFFFFF  }
0x88: {  	v1 =	vld.msk @!p2 [tilespmem:s2+$0x10518], $0x1;
	_ =	sdelay $0x4  }
0x89: {  	(v2sf) =	vpush @!p2 v1, $0x0;
	_ =	sdelay $0xc  }
.Ltmp7:
0x8a: {  	_ = 	snop;
	(pc) =	sbr.rel @p1 .LBB2_19-.Ltmp7, $4  }
0x8b: {  	_ = 	snop  }
0x8c: {  	s30 =	spop @!p2 (v2sf)  }
0x8d: {  	s23 =	simm.s32 @!p2 $0x0;
	s25 =	smov.u32 s30  }
0x8e: {  	[sflag:s19] =	ssyncpa.u1 $0x0;
	s30 =	smov.u32 @p2 s28;
	s25 =	smov.u32 @p2 s29  }
0x8f: {  	v1 =	vld.msk [tilespmem:s24+$0x0], $0x1;
	_ =	sdelay $0x4  }
0x90: {  	(v2sf) =	vpush v1, $0x0;
	_ =	sdelay $0xe  }
0x91: {  	s2 =	smul.u32 $0x1E000, s26;
	s4 =	spop (v2sf)  }
0x92: {  	s28 =	ssub.s32 $0x0, s0;
	p1 =	seq.s32 s30, s4  }
0x93: {  	s0 =	sadd.s32 $0x1, s28;
	s2 =	sshrl.u32 s2, $0x2;
	p2 =	sgt.s32 @!p1 s30, $0x0  }
0x94: {  	s26 =	sor.u32 $0x10738, s2;
	s2 =	smov.u32 s30;
	p2 =	por !p2, p1  }
0x95: {  	s2 =	simm.s32 @p2 $0x0;
	p2 =	seq.s32 s0, $0x0  }
.Ltmp8:
0x96: {  	_ = 	snop;
	(pc) =	sbr.rel @p2 .LBB2_11-.Ltmp8, $4  }
0x97: {  	_ = 	snop  }
0x98: {  	s29 =	simm.s32 $0x0;
	s5 =	simm.s32 @!p1 $0x1;
	s3 =	smin.u32 @!p1 s2, $0x1869F0  }
0x99: {  	s31 =	sadd.s32 $0x1, s24;
	s5 =	smov.u32 @p1 s29;
	s6 =	sand.u32 @!p1 $0x1FFFF8, s3  }
0x9a: {  	s2 =	simm.s32 @!p1 $0x7988;
	s3 =	sand.u32 @!p1 $0x7, s3;
	s6 =	sadd.s32 @!p1 s1, s6  }
.LBB2_10:
0x9b: {  	s10 =	smov.u32 s5  }
0x9c: {  	[tilespmem:s2], [sflag:$0x2] =	stream.linear.gather @!p1 [hbm4b:s6+s3], $0x80, $0x38;
	[tilespmem:$0x1F6F8] =	vst v63  }
0x9d: {  	s0 =	sadd.s32 $0x1, s0;
	s3 =	smov.u32 s4;
	v1 =	vld.msk [tilespmem:s31+$0x0], $0x1  }
0x9e: {  	p2 =	seq.s32 s0, $0x0;
	_ =	sdelay $0x3  }
0x9f: {  	(v2sf) =	vpush v1, $0x0;
	_ =	sdelay $0xe  }
0xa0: {  	s4 =	spop (v2sf)  }
0xa1: {  	p1 =	seq.s32 s3, s4  }
0xa2: {  	p3 =	sgt.s32 @!p1 s3, $0x0;
	s2 =	sshll.u32 @!p1 s5, $0x9;
	s5 =	sadd.s32 @!p1 $0x1, s5  }
.Ltmp9:
0xa3: {  	p3 =	por !p3, p1;
	s2 =	sshra.s32 @!p1 s2, $0x2;
	(pc) =	sbr.rel @!p2 .LBB2_10-.Ltmp9, $4  }
0xa4: {  	s5 =	smov.u32 @p1 s10;
	s3 =	simm.s32 @p3 $0x0;
	s2 =	sadd.s32 @!p1 $0x7988, s2  }
0xa5: {  	s3 =	smin.u32 @!p1 s3, $0x1869F0  }
0xa6: {  	s6 =	sand.u32 @!p1 $0x1FFFF8, s3;
	s3 =	sand.u32 @!p1 $0x7, s3  }
0xa7: {  	s31 =	sadd.s32 $0x1, s31;
	s6 =	sadd.s32 @!p1 s1, s6  }
.LBB2_11:
0xa8: {  	[tilespmem:s2], [sflag:$0x2] =	stream.linear.gather @!p1 [hbm4b:s6+s3], $0x80, $0x38;
	[tilespmem:$0x1F6F8] =	vst v63  }
.Ltmp10:
0xa9: {  	s0 =	sshll.u32 s5, $0x7;
	(pc) =	sbr.rel .LBB2_12-.Ltmp10, $4  }
0xaa: {  	s31 =	simm.s32 $0x2;
	s0 =	sand.u32 $0x3FFFFF80, s0  }
0xab: {  	_ =	swait.ge [sflag:s31], s0  }
0xac: {  	s0 =	ssub.s32 $0x0, s0;
	[sflag:s31] =	ssyncset.done $0x0  }
0xad: {  	[sflag:s31] =	ssyncadd.s32 s0;
	s0 =	simm.s32 $0x0  }
.LBB2_13:
0xae: {  	v1 =	vld [tilespmem:s26+$0xFFFFFFC0];
	_ =	sdelay $0x3  }
0xaf: {  	s2 =	sshra.s32 s2, $0x2  }
0xb0: {  	[tilespmem:s2+$0x108] =	vst.add.f32.msk $0xffff, v1  }
0xb1: {  	v1 =	vld [tilespmem:s26+$0xFFFFFFD0];
	_ =	sdelay $0x4  }
0xb2: {  	[tilespmem:s2+$0x118] =	vst.add.f32.msk $0xffff, v1  }
0xb3: {  	v1 =	vld [tilespmem:s26+$0xFFFFFFE0];
	_ =	sdelay $0x4  }
0xb4: {  	[tilespmem:s2+$0x128] =	vst.add.f32.msk $0xffff, v1  }
0xb5: {  	v1 =	vld [tilespmem:s26+$0xFFFFFFF0];
	_ =	sdelay $0x4  }
0xb6: {  	[tilespmem:s2+$0x138] =	vst.add.f32.msk $0xffff, v1  }
0xb7: {  	v1 =	vld [tilespmem:s26+$0x0];
	_ =	sdelay $0x4  }
0xb8: {  	[tilespmem:s2+$0x148] =	vst.add.f32.msk $0xffff, v1  }
0xb9: {  	v1 =	vld [tilespmem:s26+$0x10];
	_ =	sdelay $0x4  }
0xba: {  	[tilespmem:s2+$0x158] =	vst.add.f32.msk $0xffff, v1  }
0xbb: {  	v1 =	vld [tilespmem:s26+$0x20];
	_ =	sdelay $0x4  }
0xbc: {  	[tilespmem:s2+$0x168] =	vst.add.f32.msk $0xffff, v1  }
0xbd: {  	v1 =	vld [tilespmem:s26+$0x30];
	_ =	sdelay $0x4  }
0xbe: {  	[tilespmem:s2+$0x178] =	vst.add.f32.msk $0xffff, v1  }
.LBB2_17:
0xbf: {  	s28 =	sadd.s32 $0x1, s28  }
0xc0: {  	p1 =	seq.s32 s28, $0x0  }
.Ltmp11:
0xc1: {  	_ = 	snop;
	(pc) =	sbr.rel @p1 .LBB2_18-.Ltmp11, $2  }
0xc2: {  	_ =	sdelay $0x2  }
0xc3: {  	s24 =	sadd.s32 $0x1, s24;
	s26 =	sadd.s32 $0x80, s26;
	s30 =	smov.u32 s31  }
.LBB2_12:
0xc4: {  	v1 =	vld.msk [tilespmem:s24+$0x0], $0x1;
	_ =	sdelay $0x4  }
0xc5: {  	(v2sf) =	vpush v1, $0x0;
	_ =	sdelay $0xe  }
0xc6: {  	s31 =	spop (v2sf)  }
0xc7: {  	p1 =	sne.s32 s30, s31  }
.Ltmp12:
0xc8: {  	_ = 	snop;
	(pc) =	sbr.rel @!p1 .LBB2_13-.Ltmp12, $2  }
0xc9: {  	_ =	sdelay $0x2  }
0xca: {  	s2 =	sshll.u32 s23, $0x9  }
0xcb: {  	p1 =	seq.s32 s30, s25  }
.Ltmp13:
0xcc: {  	_ = 	snop;
	(pc) =	sbr.rel @!p1 .LBB2_15-.Ltmp13, $1  }
0xcd: {  	_ =	sdelay $0x3  }
0xce: {  	s2 =	sshra.s32 s2, $0x2  }
.Ltmp14:
0xcf: {  	s2 =	sadd.s32 $0x108, s2;
	(pc) =	sbr.rel .LBB2_16-.Ltmp14, $4  }
0xd0: {  	[spmem:s17] =	stream.linear.scatter [tilespmem:s2], [sflag:$0x1], $0x80, $0x38;
	[tilespmem:$0x1F6F8] =	vst v63  }
0xd1: {  	_ =	swait.ge [sflag:s13], $0x80  }
0xd2: {  	[sflag:s13] =	ssyncset.done $0x0  }
0xd3: {  	[sflag:s13] =	ssyncadd.s32 $0xFFFFFF80  }
.LBB2_15:
0xd4: {  	s3 =	sshll.u32 s29, $0x9  }
0xd5: {  	s3 =	sshra.s32 s3, $0x2  }
0xd6: {  	v1 =	vld [tilespmem:s3+$0x7988];
	_ =	sdelay $0x3  }
0xd7: {  	s2 =	sshra.s32 s2, $0x2  }
0xd8: {  	[tilespmem:s2+$0x108] =	vst.add.f32.msk $0xffff, v1  }
0xd9: {  	v1 =	vld [tilespmem:s3+$0x7998];
	_ =	sdelay $0x4  }
0xda: {  	[tilespmem:s2+$0x118] =	vst.add.f32.msk $0xffff, v1  }
0xdb: {  	v1 =	vld [tilespmem:s3+$0x79A8];
	_ =	sdelay $0x4  }
0xdc: {  	[tilespmem:s2+$0x128] =	vst.add.f32.msk $0xffff, v1  }
0xdd: {  	v1 =	vld [tilespmem:s3+$0x79B8];
	_ =	sdelay $0x4  }
0xde: {  	[tilespmem:s2+$0x138] =	vst.add.f32.msk $0xffff, v1  }
0xdf: {  	v1 =	vld [tilespmem:s3+$0x79C8];
	_ =	sdelay $0x4  }
0xe0: {  	[tilespmem:s2+$0x148] =	vst.add.f32.msk $0xffff, v1  }
0xe1: {  	v1 =	vld [tilespmem:s3+$0x79D8];
	_ =	sdelay $0x4  }
0xe2: {  	[tilespmem:s2+$0x158] =	vst.add.f32.msk $0xffff, v1  }
0xe3: {  	v1 =	vld [tilespmem:s3+$0x79E8];
	_ =	sdelay $0x4  }
0xe4: {  	[tilespmem:s2+$0x168] =	vst.add.f32.msk $0xffff, v1  }
0xe5: {  	v1 =	vld [tilespmem:s3+$0x79F8];
	_ =	sdelay $0x2  }
0xe6: {  	p1 =	sgt.u32 s30, $0x1869F0  }
0xe7: {  	s3 =	sand.u32 @!p1 $0x1FFFF8, s30  }
0xe8: {  	s4 =	sadd.s32 $0x108, s2;
	[tilespmem:s2+$0x178] =	vst.add.f32.msk $0xffff, v1;
	s2 =	sadd.s32 @!p1 s1, s3;
	s3 =	sand.u32 @!p1 $0x7, s30  }
0xe9: {  	[hbm4b:s2+s3] =	stream.linear.scatter @!p1 [tilespmem:s4], [sflag:$0xC], $0x80, $0x38;
	[tilespmem:$0x1F6F8] =	vst v63  }
0xea: {  	s2 =	simm.s32 $0x0  }
0xeb: {  	s2 =	simm.s32 @!p1 $0x200  }
0xec: {  	s0 =	sadd.s32 s2, s0  }
.LBB2_16:
0xed: {  	s2 =	sadd.s32 $0x1, s23  }
0xee: {  	s3 =	smulhi.u32 $0x88888889, s2;
	_ =	sdelay $0x1  }
0xef: {  	v1 =	vld [tilespmem:s26+$0xFFFFFFC0];
	s3 =	sshrl.u32 s3, $0x7  }
0xf0: {  	s3 =	smul.u32 $0xF0, s3;
	_ =	sdelay $0x1  }
0xf1: {  	s23 =	ssub.s32 s2, s3  }
0xf2: {  	s2 =	sshll.u32 s23, $0x7  }
0xf3: {  	[tilespmem:s2+$0x108] =	vst v1  }
0xf4: {  	v1 =	vld [tilespmem:s26+$0xFFFFFFD0];
	_ =	sdelay $0x4  }
0xf5: {  	[tilespmem:s2+$0x118] =	vst v1  }
0xf6: {  	v1 =	vld [tilespmem:s26+$0xFFFFFFE0];
	_ =	sdelay $0x4  }
0xf7: {  	[tilespmem:s2+$0x128] =	vst v1  }
0xf8: {  	v1 =	vld [tilespmem:s26+$0xFFFFFFF0];
	_ =	sdelay $0x4  }
0xf9: {  	[tilespmem:s2+$0x138] =	vst v1  }
0xfa: {  	v1 =	vld [tilespmem:s26+$0x0];
	_ =	sdelay $0x4  }
0xfb: {  	[tilespmem:s2+$0x148] =	vst v1  }
0xfc: {  	v1 =	vld [tilespmem:s26+$0x10];
	_ =	sdelay $0x4  }
0xfd: {  	[tilespmem:s2+$0x158] =	vst v1  }
0xfe: {  	v1 =	vld [tilespmem:s26+$0x20];
	_ =	sdelay $0x4  }
0xff: {  	[tilespmem:s2+$0x168] =	vst v1  }
0x100: {  	v1 =	vld [tilespmem:s26+$0x30]  }
.Ltmp15:
0x101: {  	_ = 	snop;
	(pc) =	sbr.rel .LBB2_17-.Ltmp15, $2  }
0x102: {  	_ =	sdelay $0x2  }
0x103: {  	s29 =	sadd.s32 $0x1, s29;
	[tilespmem:s2+$0x178] =	vst v1  }
.LBB2_19:
.Ltmp16:
0x104: {  	(pc) =	sbr.rel .LBB2_20-.Ltmp16, $4  }
0x105: {  	_ = 	snop  }
0x106: {  	s0 =	simm.s32 $0x2  }
0x107: {  	_ =	swait.ge [sflag:s0], $0x0  }
0x108: {  	s31 =	smov.u32 s30;
	[sflag:s0] =	ssyncset.done $0x0;
	s0 =	simm.s32 $0x0  }
.LBB2_22:
0x109: {  	_ =	sfence.sel $0x180000  }
0x10a: {  	s0 =	simm.s32 $0x9;
	[bflag:$0x0] =	sbarrier.arrive $0xFFFF  }
0x10b: {  	s24 =	simm.s32 $0xA;
	[sflag:s0] =	ssyncpa.u1 $0x1  }
0x10c: {  	s25 =	simm.s32 $0xB;
	[sflag:s24] =	ssyncpa.u1 $0x1  }
0x10d: {  	s26 =	simm.s32 $0x2;
	[sflag:s25] =	ssyncpa.u1 $0x1  }
0x10e: {  	[sflag:s26] =	ssyncpa.u1 $0x1  }
0x10f: {  	v0 =	vld [tilespmem:$0xF208];
	_ =	sdelay $0x4  }
0x110: {  	(v2sf) =	vpush v0, $0x0  }
0x111: {  	(v2sf) =	vpush v0, $0x1;
	_ =	sdelay $0x2  }
0x112: {  	(v2sf) =	vpush v0, $0x2;
	_ =	sdelay $0xa  }
0x113: {  	s0 =	spop (v2sf)  }
0x114: {  	s2 =	spop (v2sf)  }
0x115: {  	s3 =	smov.u32 s0;
	p0 =	sne.s32 s0, s2  }
0x116: {  	s3 =	simm.s32 @!p0 $0xFFFFFFFF  }
0x117: {  	v2 =	vimm.s32 $0x1;
	v3 =	vlaneseq.u32;
	v1 =	vmov s3;
	s3 =	spop (v2sf)  }
0x118: {  	v0 =	vperm.xlane v0, v2;
	v1 =	vperm.xlane v1, v3;
	p0 =	seq.s32 s3, $0xFFFFFFFF  }
0x119: {  	vm0 =	vcmask $0x3F04;
	s5 =	simm.s32 $0xF208;
	p1 =	sne.s32 @!p0 s0, s2  }
0x11a: {  	s6 =	rddreg [dreg:$0x6];
	s0 =	simm.s32 @!p0 $0x1;
	v0 =	vsel vm0, v1, v0;
	p1 =	por !p1, p0  }
0x11b: {  	s4 =	sor.u32 $0x1000, s6;
	s2 =	sshll.u32 @!p0 s3, $0x9;
	[tilespmem:$0xF208] =	vst v0;
	s0 =	simm.s32 @p1 $0x0  }
0x11c: {  	[spmem:s4] =	stream.linear.scatter [tilespmem:s5], [sflag:$0x1], $0x2, $0x38;
	[tilespmem:$0x1F6F8] =	vst v63  }
0x11d: {  	s2 =	sshra.s32 @!p0 s2, $0x2;
	s0 =	sor.u32 @!p0 s0, s6  }
0x11e: {  	s2 =	sadd.s32 @!p0 $0x108, s2;
	s0 =	sshll.u32 @!p0 s0, $0x7  }
0x11f: {  	[spmem:s0] =	stream.linear.scatter @!p0 [tilespmem:s2], [sflag:$0x1], $0x80, $0x38;
	[tilespmem:$0x1F6F8] =	vst v63  }
0x120: {  	s0 =	simm.s32 @!p0 $0x82  }
0x121: {  	s28 =	simm.s32 $0x1;
	s0 =	simm.s32 @p0 $0x2  }
0x122: {  	_ =	swait.ge [sflag:s28], s0  }
0x123: {  	s15 =	stileid.u32;
	s0 =	ssub.s32 $0x0, s0;
	[sflag:s28] =	ssyncset.done $0x0  }
0x124: {  	p0 =	sne.s32 s15, $0x0;
	[sflag:s28] =	ssyncadd.s32 s0  }
.Ltmp17:
0x125: {  	_ =	sfence.stream.spmem;
	(pc) =	sbr.rel @p0 .LBB2_39-.Ltmp17, $4  }
0x126: {  	s29 =	simm.s32 $0x3;
	[bflag:$0x0] =	sbarrier.arrive $0xFFFF  }
0x127: {  	s30 =	simm.s32 $0x4;
	[sflag:s29] =	ssyncpa.u1 $0x1  }
0x128: {  	s31 =	simm.s32 $0x3C;
	[sflag:s30] =	ssyncpa.u1 $0x1  }
0x129: {  	s14 =	rddreg [dreg:$0x5];
	[sflag:s31] =	ssyncpa.u1 $0x1  }
0x12a: {  	_ =	sfence.stream.spmem;
	s0 =	simm.s32 $0x5  }
0x12b: {  	s2 =	simm.s32 $0x1000;
	s3 =	simm.s32 $0xF218;
	[sflag:s0] =	ssyncpa.u1 $0x0  }
0x12c: {  	[tilespmem:s3], [sflag:$0x5] =	stream.linear.gather [spmem:s2], $0x20, $0x38;
	[tilespmem:$0x1F6F8] =	vst v63  }
0x12d: {  	s26 =	simm.s32 $0x0;
	s28 =	simm.s32 $0xF238  }
0x12e: {  	[tilespmem:s28], [sflag:$0x5] =	stream.linear.gather [spmem:s26], $0x1000, $0x38;
	[tilespmem:$0x1F6F8] =	vst v63  }
0x12f: {  	_ =	swait.ge [sflag:s0], $0x1020  }
0x130: {  	[sflag:s0] =	ssyncset.done $0x0  }
0x131: {  	s29 =	simm.s32 $0x0;
	[sflag:s0] =	ssyncadd.s32 $0xFFFFEFE0  }
0x132: {  	v0 =	vld.msk [tilespmem:s29+$0xF218], $0x1;
	_ =	sdelay $0x1  }
0x133: {  	s30 =	simm.s32 $0x1  }
0x134: {  	v1 =	vld.msk [tilespmem:s30+$0xF218], $0x1;
	_ =	sdelay $0x1  }
0x135: {  	(v2sf) =	vpush v0, $0x0;
	_ =	sdelay $0x2  }
0x136: {  	(v2sf) =	vpush v1, $0x0;
	_ =	sdelay $0x2  }
0x137: {  	s31 =	simm.s32 $0x2  }
0x138: {  	v0 =	vld.msk [tilespmem:s31+$0xF218], $0x1;
	_ =	sdelay $0x2  }
0x139: {  	s4 =	simm.s32 $0xFFFFFFFF;
	s2 =	simm.s32 $0xFFFFFFFF;
	s0 =	simm.s32 $0xC  }
.LBB2_24:
0x13a: {  	s3 =	smov.u32 s4;
	s5 =	smov.u32 s2  }
0x13b: {  	s2 =	sshra.s32 s0, $0x2;
	p1 =	sne.s32 s0, $0x7C;
	s0 =	sadd.s32 $0x4, s0;
	(v2sf) =	vpush v0, $0x0  }
0x13c: {  	v0 =	vld.msk [tilespmem:s2+$0xF218], $0x1  }
.Ltmp18:
0x13d: {  	(pc) =	sbr.rel @p1 .LBB2_24-.Ltmp18, $4  }
0x13e: {  	s4 =	spop (v2sf)  }
0x13f: {  	p2 =	sne.s32 s5, $0xFFFFFFFF;
	s2 =	smov.u32 s4  }
0x140: {  	p3 =	seq.s32 s4, $0xFFFFFFFF;
	s2 =	smov.u32 @p2 s5  }
0x141: {  	s4 =	smov.u32 @p3 s3;
	s2 =	smov.u32 @p3 s5  }
0x142: {  	(v2sf) =	vpush v0, $0x0;
	_ =	sdelay $0x8  }
0x143: {  	s0 =	spop (v2sf)  }
0x144: {  	p1 =	sne.s32 s2, $0xFFFFFFFF;
	s3 =	smov.u32 s0  }
0x145: {  	s9 =	simm.s32 $0x6;
	p2 =	seq.s32 s0, $0xFFFFFFFF;
	s3 =	smov.u32 @p1 s2  }
0x146: {  	s6 =	simm.s32 $0x0;
	s3 =	smov.u32 @p2 s2;
	s2 =	spop (v2sf)  }
0x147: {  	s0 =	smov.u32 @p2 s4;
	p1 =	sne.s32 s3, $0xFFFFFFFF;
	s5 =	smov.u32 s2  }
.Ltmp19:
0x148: {  	p2 =	seq.s32 s2, $0xFFFFFFFF;
	s5 =	smov.u32 @p1 s3;
	(pc) =	sbr.rel .LBB2_26-.Ltmp19, $4  }
0x149: {  	s10 =	simm.s32 $0xF188;
	s5 =	smov.u32 @p2 s3;
	s7 =	spop (v2sf)  }
0x14a: {  	s11 =	simm.s32 $0x0;
	p1 =	sne.s32 s5, $0xFFFFFFFF;
	s8 =	smov.u32 s7  }
0x14b: {  	s2 =	smov.u32 @p2 s0;
	p2 =	seq.s32 s7, $0xFFFFFFFF;
	s8 =	smov.u32 @p1 s5  }
0x14c: {  	[sflag:s9] =	ssyncpa.u1 $0x0;
	s7 =	smov.u32 @p2 s2;
	s8 =	smov.u32 @p2 s5  }
.LBB2_32:
0x14d: {  	p1 =	sgt.u32 s0, $0x1869F0  }
0x14e: {  	p2 =	seq.s32 @!p1 s0, s8  }
0x14f: {  	p1 =	por p1, p2  }
0x150: {  	p2 =	sne.s32 @!p1 s0, s7  }
0x151: {  	p1 =	por p1, !p2  }
0x152: {  	s0 =	sshll.u32 @p1 s11, $0x9  }
0x153: {  	s2 =	sand.u32 @!p1 $0x1FFFF8, s0  }
0x154: {  	s0 =	sand.u32 @!p1 $0x7, s0;
	s2 =	sadd.s32 @!p1 s1, s2  }
0x155: {  	[tilespmem:s10], [sflag:$0x6] =	stream.linear.gather @!p1 [hbm4b:s2+s0], $0x80, $0x38;
	[tilespmem:$0x1F6F8] =	vst v63  }
0x156: {  	_ =	swait.ge @!p1 [sflag:s9], $0x80  }
0x157: {  	[sflag:s9] =	ssyncset.done @!p1 $0x0  }
0x158: {  	[sflag:s9] =	ssyncadd.s32 @!p1 $0xFFFFFF80  }
0x159: {  	v1 =	vld @!p1 [tilespmem:$0xF188];
	_ =	sdelay $0x2  }
0x15a: {  	s0 =	sshll.u32 @!p1 s11, $0x9  }
0x15b: {  	s2 =	sshrl.u32 @!p1 s0, $0x2  }
0x15c: {  	[tilespmem:s2+$0xF238] =	vst.add.f32.msk @!p1 $0xffff, v1  }
0x15d: {  	v1 =	vld @!p1 [tilespmem:$0xF198];
	_ =	sdelay $0x4  }
0x15e: {  	[tilespmem:s2+$0xF248] =	vst.add.f32.msk @!p1 $0xffff, v1  }
0x15f: {  	v1 =	vld @!p1 [tilespmem:$0xF1A8];
	_ =	sdelay $0x4  }
0x160: {  	[tilespmem:s2+$0xF258] =	vst.add.f32.msk @!p1 $0xffff, v1  }
0x161: {  	v1 =	vld @!p1 [tilespmem:$0xF1B8];
	_ =	sdelay $0x4  }
0x162: {  	[tilespmem:s2+$0xF268] =	vst.add.f32.msk @!p1 $0xffff, v1  }
0x163: {  	v1 =	vld @!p1 [tilespmem:$0xF1C8];
	_ =	sdelay $0x4  }
0x164: {  	[tilespmem:s2+$0xF278] =	vst.add.f32.msk @!p1 $0xffff, v1  }
0x165: {  	v1 =	vld @!p1 [tilespmem:$0xF1D8];
	_ =	sdelay $0x4  }
0x166: {  	[tilespmem:s2+$0xF288] =	vst.add.f32.msk @!p1 $0xffff, v1  }
0x167: {  	v1 =	vld @!p1 [tilespmem:$0xF1E8];
	_ =	sdelay $0x4  }
0x168: {  	[tilespmem:s2+$0xF298] =	vst.add.f32.msk @!p1 $0xffff, v1  }
0x169: {  	v1 =	vld @!p1 [tilespmem:$0xF1F8];
	_ =	sdelay $0x4  }
0x16a: {  	[tilespmem:s2+$0xF2A8] =	vst.add.f32.msk @!p1 $0xffff, v1  }
0x16b: {  	s0 =	sshrl.u32 s0, $0x2;
	[tilespmem:s6+$0xF218] =	vst.msk $0x1, v0  }
0x16c: {  	v0 =	vld [tilespmem:s0+$0xF238];
	_ =	sdelay $0x2  }
0x16d: {  	s31 =	sshll.u32 s6, $0x9  }
0x16e: {  	s2 =	sshra.s32 s31, $0x2  }
0x16f: {  	[tilespmem:s2+$0xF238] =	vst v0  }
0x170: {  	v0 =	vld [tilespmem:s0+$0xF248];
	_ =	sdelay $0x4  }
0x171: {  	[tilespmem:s2+$0xF248] =	vst v0  }
0x172: {  	v0 =	vld [tilespmem:s0+$0xF258];
	_ =	sdelay $0x4  }
0x173: {  	[tilespmem:s2+$0xF258] =	vst v0  }
0x174: {  	v0 =	vld [tilespmem:s0+$0xF268];
	_ =	sdelay $0x4  }
0x175: {  	[tilespmem:s2+$0xF268] =	vst v0  }
0x176: {  	v0 =	vld [tilespmem:s0+$0xF278];
	_ =	sdelay $0x4  }
0x177: {  	[tilespmem:s2+$0xF278] =	vst v0  }
0x178: {  	v0 =	vld [tilespmem:s0+$0xF288];
	_ =	sdelay $0x4  }
0x179: {  	[tilespmem:s2+$0xF288] =	vst v0  }
0x17a: {  	v0 =	vld [tilespmem:s0+$0xF298];
	_ =	sdelay $0x4  }
0x17b: {  	[tilespmem:s2+$0xF298] =	vst v0  }
0x17c: {  	v0 =	vld [tilespmem:s0+$0xF2A8];
	_ =	sdelay $0x4  }
0x17d: {  	s6 =	sadd.s32 $0x1, s6;
	[tilespmem:s2+$0xF2A8] =	vst v0  }
.LBB2_33:
0x17e: {  	s11 =	sadd.s32 $0x1, s11  }
0x17f: {  	p1 =	sne.s32 s11, $0x20  }
.Ltmp20:
0x180: {  	_ = 	snop;
	(pc) =	sbr.rel @!p1 .LBB2_34-.Ltmp20, $1  }
0x181: {  	_ =	sdelay $0x3  }
.LBB2_26:
0x182: {  	v0 =	vld.msk [tilespmem:s11+$0xF218], $0x1;
	_ =	sdelay $0x4  }
0x183: {  	(v2sf) =	vpush v0, $0x0;
	_ =	sdelay $0xe  }
0x184: {  	s0 =	spop (v2sf)  }
0x185: {  	p1 =	seq.s32 s0, $0xFFFFFFFF  }
.Ltmp21:
0x186: {  	_ = 	snop;
	(pc) =	sbr.rel @p1 .LBB2_33-.Ltmp21, $1  }
0x187: {  	_ =	sdelay $0x3  }
0x188: {  	p1 =	slt.s32 s6, $0x1  }
.Ltmp22:
0x189: {  	_ = 	snop;
	(pc) =	sbr.rel @p1 .LBB2_32-.Ltmp22, $1  }
0x18a: {  	_ =	sdelay $0x3  }
0x18b: {  	s12 =	simm.s32 $0xF218;
	p1 =	por $0x0, $0x0  }
0x18c: {  	v1 =	vld.msk @!p1 [tilespmem:s12+$0x0], $0x1;
	_ =	sdelay $0x4  }
0x18d: {  	(v2sf) =	vpush @!p1 v1, $0x0;
	_ =	sdelay $0xd  }
0x18e: {  	p3 =	sne.s32 s6, $0x1  }
.Ltmp23:
0x18f: {  	s2 =	spop @!p1 (v2sf);
	(pc) =	sbr.rel @!p3 .LBB2_30-.Ltmp23, $4  }
0x190: {  	p2 =	seq.s32 @!p1 s0, s2  }
0x191: {  	s13 =	simm.s32 $0x0;
	p2 =	por !p2, p1  }
0x192: {  	s2 =	simm.s32 $0xFFFFFFFF;
	s13 =	simm.s32 @p2 $0xFFFFFFFF  }
0x193: {  	s4 =	simm.s32 $0x1;
	s13 =	smov.u32 @p1 s2  }
.LBB2_29:
0x194: {  	s2 =	smov.u32 s13;
	p1 =	sne.s32 s13, $0xFFFFFFFF  }
0x195: {  	s12 =	sadd.s32 $0x1, s12;
	s13 =	smov.u32 s4;
	s4 =	sadd.s32 $0x1, s4  }
0x196: {  	p2 =	sne.s32 s6, s4;
	v1 =	vld.msk @!p1 [tilespmem:s12+$0x0], $0x1;
	_ =	sdelay $0x4  }
0x197: {  	(v2sf) =	vpush @!p1 v1, $0x0;
	_ =	sdelay $0xe  }
.Ltmp24:
0x198: {  	s3 =	spop @!p1 (v2sf);
	(pc) =	sbr.rel @p2 .LBB2_29-.Ltmp24, $4  }
0x199: {  	p3 =	seq.s32 @!p1 s0, s3  }
0x19a: {  	p3 =	por !p3, p1  }
0x19b: {  	s13 =	simm.s32 @p3 $0xFFFFFFFF  }
0x19c: {  	s13 =	smov.u32 @p1 s2  }
.LBB2_30:
0x19d: {  	p1 =	seq.s32 s13, $0xFFFFFFFF  }
.Ltmp25:
0x19e: {  	_ = 	snop;
	(pc) =	sbr.rel @p1 .LBB2_32-.Ltmp25, $1  }
0x19f: {  	_ =	sdelay $0x3  }
0x1a0: {  	s0 =	sshll.u32 s11, $0x7  }
0x1a1: {  	s0 =	sand.u32 $0x3FFFFF80, s0  }
0x1a2: {  	v0 =	vld [tilespmem:s0+$0xF238];
	_ =	sdelay $0x2  }
0x1a3: {  	s2 =	sshll.u32 s13, $0x9  }
0x1a4: {  	s2 =	sshra.s32 s2, $0x2  }
0x1a5: {  	[tilespmem:s2+$0xF238] =	vst.add.f32.msk $0xffff, v0  }
0x1a6: {  	v0 =	vld [tilespmem:s0+$0xF248];
	_ =	sdelay $0x4  }
0x1a7: {  	[tilespmem:s2+$0xF248] =	vst.add.f32.msk $0xffff, v0  }
0x1a8: {  	v0 =	vld [tilespmem:s0+$0xF258];
	_ =	sdelay $0x4  }
0x1a9: {  	[tilespmem:s2+$0xF258] =	vst.add.f32.msk $0xffff, v0  }
0x1aa: {  	v0 =	vld [tilespmem:s0+$0xF268];
	_ =	sdelay $0x4  }
0x1ab: {  	[tilespmem:s2+$0xF268] =	vst.add.f32.msk $0xffff, v0  }
0x1ac: {  	v0 =	vld [tilespmem:s0+$0xF278];
	_ =	sdelay $0x4  }
0x1ad: {  	[tilespmem:s2+$0xF278] =	vst.add.f32.msk $0xffff, v0  }
0x1ae: {  	v0 =	vld [tilespmem:s0+$0xF288];
	_ =	sdelay $0x4  }
0x1af: {  	[tilespmem:s2+$0xF288] =	vst.add.f32.msk $0xffff, v0  }
0x1b0: {  	v0 =	vld [tilespmem:s0+$0xF298];
	_ =	sdelay $0x4  }
0x1b1: {  	[tilespmem:s2+$0xF298] =	vst.add.f32.msk $0xffff, v0  }
0x1b2: {  	v0 =	vld [tilespmem:s0+$0xF2A8]  }
.Ltmp26:
0x1b3: {  	_ = 	snop;
	(pc) =	sbr.rel .LBB2_33-.Ltmp26, $2  }
0x1b4: {  	_ =	sdelay $0x2  }
0x1b5: {  	[tilespmem:s2+$0xF2A8] =	vst.add.f32.msk $0xffff, v0  }
.LBB2_34:
0x1b6: {  	s0 =	simm.s32 $0x6;
	p1 =	seq.s32 s6, $0x0  }
0x1b7: {  	[sflag:s0] =	ssyncpa.u1 $0x1;
	v0 =	vimm.s32 @p1 $0xFFFFFFFF  }
0x1b8: {  	s0 =	sadd.s32 $0xFFFFFFFF, s6;
	[tilespmem:$0x10238] =	vst @p1 v0  }
0x1b9: {  	v0 =	vld.msk @!p1 [tilespmem:s0+$0xF218], $0x1;
	_ =	sdelay $0x1  }
0x1ba: {  	v1 =	vld.msk @!p1 [tilespmem:$0xF218], $0x1;
	_ =	sdelay $0x2  }
0x1bb: {  	p2 =	seq.s32 @!p1 s0, $0x0;
	v0 =	vbroadcast @!p1 v0, $0x0  }
0x1bc: {  	vm0 =	vmmov @!p1 $0x1;
	p2 =	por !p2, p1  }
0x1bd: {  	v1 =	vnsel @!p1 vm0, $0xFFFFFFFF, v1;
	vm0 =	vcmask @!p1 $0x308;
	v0 =	vpsel !p2, $0xFFFFFFFF, v0  }
0x1be: {  	p2 =	sne.s32 @!p1 s8, s7;
	v0 =	vsel @!p1 vm0, v1, v0  }
0x1bf: {  	s2 =	simm.s32 @!p1 $0xF238;
	s3 =	simm.s32 @!p1 $0x0;
	p3 =	por !p2, p1;
	[tilespmem:$0x10238] =	vst @!p1 v0  }
0x1c0: {  	[spmem:s3] =	stream.linear.scatter @!p1 [tilespmem:s2], [sflag:$0x1], $0x80, $0x38;
	[tilespmem:$0x1F6F8] =	vst v63  }
0x1c1: {  	s2 =	sshll.u32 @!p3 s0, $0x9  }
0x1c2: {  	s2 =	sshra.s32 @!p3 s2, $0x2  }
0x1c3: {  	s3 =	simm.s32 @!p3 $0x80;
	s2 =	sadd.s32 @!p3 $0xF238, s2  }
0x1c4: {  	[spmem:s3] =	stream.linear.scatter @!p3 [tilespmem:s2], [sflag:$0x1], $0x80, $0x38;
	[tilespmem:$0x1F6F8] =	vst v63  }
0x1c5: {  	s2 =	simm.s32 @!p3 $0x1  }
0x1c6: {  	_ =	swait.ge @!p3 [sflag:s2], $0x100  }
0x1c7: {  	p1 =	por p2, p1;
	[sflag:s2] =	ssyncset.done @!p3 $0x0  }
0x1c8: {  	[sflag:s2] =	ssyncadd.s32 @!p3 $0xFFFFFF00;
	s2 =	simm.s32 @!p1 $0x1  }
0x1c9: {  	_ =	swait.ge @!p1 [sflag:s2], $0x80  }
0x1ca: {  	s29 =	simm.s32 $0x10238;
	[sflag:s2] =	ssyncset.done @!p1 $0x0  }
0x1cb: {  	s30 =	simm.s32 $0x1000;
	s31 =	simm.s32 $0x1;
	[sflag:s2] =	ssyncadd.s32 @!p1 $0xFFFFFF80  }
0x1cc: {  	[spmem:s30] =	stream.linear.scatter [tilespmem:s29], [sflag:$0x1], $0x10, $0x38;
	[tilespmem:$0x1F6F8] =	vst v63  }
0x1cd: {  	_ =	swait.ge [sflag:s31], $0x10  }
0x1ce: {  	[sflag:s31] =	ssyncset.done $0x0  }
0x1cf: {  	p1 =	seq.s32 s14, $0x0;
	s9 =	rddreg [dreg:$0x2];
	[sflag:s31] =	ssyncadd.s32 $0xFFFFFFF0  }
0x1d0: {  	s3 =	sshll.u32 @p1 s9, $0xE;
	s8 =	rddreg [dreg:$0x3]  }
0x1d1: {  	s2 =	sadd.s32 @p1 $0x15C3C, s3;
	s3 =	sshll.u32 @p1 s8, $0x11  }
0x1d2: {  	_ =	sfence.stream.spmem;
	s2 =	sor.u32 @p1 s3, s2  }
0x1d3: {  	[sflag:s2] =	ssyncadd.remote.s32 @p1 $0x1;
	s2 =	simm.s32 @p1 $0x4  }
0x1d4: {  	s4 =	simm.s32 @!p1 $0x3C;
	s3 =	sand.u32 $0xFFFFFFFE, s9;
	_ =	swait.ge @p1 [sflag:s2], $0x22  }
0x1d5: {  	s5 =	simm.s32 @!p1 $0x0;
	s3 =	sadd.s32 @!p1 $0x4, s3;
	[sflag:s2] =	ssyncset.done @p1 $0x0  }
0x1d6: {  	s7 =	simm.s32 @!p1 $0x100;
	[sflag:s2] =	ssyncadd.s32 @p1 $0xFFFFFFDE;
	s2 =	sshll.u32 @!p1 s3, $0x1A  }
0x1d7: {  	s3 =	sshll.u32 @!p1 s3, $0xD;
	s2 =	sor.u32 @!p1 s2, s8;
	_ =	swait.eq @!p1 [sflag:s4], $0x1  }
0x1d8: {  	s3 =	sor.u32 @!p1 $0x1C04, s3;
	s4 =	simm.s32 @!p1 $0x1C03;
	s2 =	sor.u32 @!p1 $0x80004000, s2  }
0x1d9: {  	[spmem:s7], [sflag:s3] =	dma.general @!p1 [spmem:s5], [sflag:s4], length:$0x20, [dreg:$0x0], stride_count:$0x0, ici_dest:s2, dma_misc:DstOpCode:WRITE  }
0x1da: {  	p2 =	slt.s32 s0, $0x2;
	s5 =	simm.s32 @!p1 $0x200;
	s7 =	simm.s32 @!p1 $0x202  }
0x1db: {  	[spmem:s7], [sflag:s3] =	dma.general @!p1 [spmem:s5], [sflag:s4], length:$0x2, [dreg:$0x0], stride_count:$0x0, ici_dest:s2, dma_misc:DstOpCode:WRITE  }
.Ltmp27:
0x1dc: {  	s2 =	simm.s32 @!p1 $0x3;
	(pc) =	sbr.rel @p2 .LBB2_38-.Ltmp27, $4  }
0x1dd: {  	s3 =	sshll.u32 @!p1 s9, $0xE;
	_ =	swait.ge @!p1 [sflag:s2], $0x22  }
0x1de: {  	s4 =	sshll.u32 @!p1 s8, $0x11;
	s3 =	sadd.s32 @!p1 $0x11C3C, s3;
	[sflag:s2] =	ssyncset.done @!p1 $0x0  }
0x1df: {  	[sflag:s2] =	ssyncadd.s32 @!p1 $0xFFFFFFDE;
	s2 =	sor.u32 @!p1 s4, s3  }
0x1e0: {  	s0 =	simm.s32 $0x0;
	[sflag:s2] =	ssyncadd.remote.s32 @!p1 $0xFFFFFFFF  }
0x1e1: {  	s0 =	simm.s32 $0xF219  }
0x1e2: {  	v0 =	vld.msk [tilespmem:s0+$0x0], $0x1;
	_ =	sdelay $0x4  }
0x1e3: {  	(v2sf) =	vpush v0, $0x0;
	_ =	sdelay $0xd  }
0x1e4: {  	s3 =	sadd.s32 $0xFFFFFFFE, s6  }
0x1e5: {  	s4 =	sadd.s32 $0xFFFFFFFF, s3;
	s2 =	spop (v2sf)  }
0x1e6: {  	p2 =	sne.s32 s4, $0x0;
	p1 =	sgt.u32 s2, $0x1869F0  }
.Ltmp28:
0x1e7: {  	s5 =	sand.u32 @!p1 $0x1FFFF8, s2;
	(pc) =	sbr.rel @!p2 .LBB2_37-.Ltmp28, $4  }
0x1e8: {  	s0 =	simm.s32 $0xF2B8;
	s2 =	sand.u32 @!p1 $0x7, s2;
	s3 =	sadd.s32 @!p1 s1, s5  }
0x1e9: {  	[hbm4b:s3+s2] =	stream.linear.scatter @!p1 [tilespmem:s0], [sflag:$0x5], $0x80, $0x38;
	[tilespmem:$0x1F6F8] =	vst v63  }
0x1ea: {  	s2 =	simm.s32 $0x0  }
0x1eb: {  	s6 =	simm.s32 $0xF21A;
	s5 =	simm.s32 $0x0;
	s2 =	simm.s32 @!p1 $0x200  }
.LBB2_36:
0x1ec: {  	v0 =	vld.msk [tilespmem:s6+$0x0], $0x1;
	s4 =	sadd.s32 $0xFFFFFFFF, s4;
	s5 =	sadd.s32 s5, s2  }
0x1ed: {  	p1 =	sne.s32 s4, $0x0;
	_ =	sdelay $0x3  }
0x1ee: {  	(v2sf) =	vpush v0, $0x0;
	_ =	sdelay $0xe  }
.Ltmp29:
0x1ef: {  	s3 =	spop (v2sf);
	(pc) =	sbr.rel @p1 .LBB2_36-.Ltmp29, $4  }
0x1f0: {  	s2 =	simm.s32 $0x0;
	p2 =	sgt.u32 s3, $0x1869F0  }
0x1f1: {  	s0 =	sadd.s32 $0x80, s0;
	s2 =	simm.s32 @!p2 $0x200;
	s7 =	sand.u32 @!p2 $0x1FFFF8, s3  }
0x1f2: {  	s6 =	sadd.s32 $0x1, s6;
	s3 =	sand.u32 @!p2 $0x7, s3;
	s7 =	sadd.s32 @!p2 s1, s7  }
0x1f3: {  	[hbm4b:s7+s3] =	stream.linear.scatter @!p2 [tilespmem:s0], [sflag:$0x5], $0x80, $0x38;
	[tilespmem:$0x1F6F8] =	vst v63  }
.LBB2_37:
0x1f4: {  	s0 =	sadd.s32 s5, s2  }
0x1f5: {  	s0 =	sshrl.u32 s0, $0x2  }
.LBB2_38:
0x1f6: {  	s2 =	simm.s32 $0x5  }
0x1f7: {  	_ =	swait.ge [sflag:s2], s0  }
0x1f8: {  	s31 =	ssub.s32 $0x0, s0;
	[sflag:s2] =	ssyncset.done $0x0  }
0x1f9: {  	[sflag:s2] =	ssyncadd.s32 s31  }
0x1fa: {  	[sflag:s2] =	ssyncpa.u1 $0x1  }
.LBB2_39:
0x1fb: {  	s0 =	sor.u32 s14, s15  }
0x1fc: {  	p1 =	sne.s32 s0, $0x0  }
.Ltmp30:
0x1fd: {  	_ = 	snop;
	(pc) =	sbr.rel @p1 .LBB2_54-.Ltmp30, $3  }
0x1fe: {  	_ =	sdelay $0x1  }
0x1ff: {  	[bflag:$0x0] =	sbarrier.arrive $0xFFFF  }
0x200: {  	_ =	sfence  }
0x201: {  	s0 =	simm.s32 $0x7  }
0x202: {  	s2 =	simm.s32 $0x1000;
	s3 =	simm.s32 $0xF218;
	[sflag:s0] =	ssyncpa.u1 $0x0  }
0x203: {  	[tilespmem:s3], [sflag:$0x7] =	stream.linear.gather [spmem:s2], $0x20, $0x38;
	[tilespmem:$0x1F6F8] =	vst v63  }
0x204: {  	s30 =	simm.s32 $0xF238;
	s2 =	simm.s32 $0x0  }
0x205: {  	[tilespmem:s30], [sflag:$0x7] =	stream.linear.gather [spmem:s2], $0x1000, $0x38;
	[tilespmem:$0x1F6F8] =	vst v63  }
.Ltmp31:
0x206: {  	_ = 	snop;
	(pc) =	sbr.rel .LBB2_41-.Ltmp31, $4  }
0x207: {  	_ =	swait.ge [sflag:s0], $0x1020  }
0x208: {  	[sflag:s0] =	ssyncset.done $0x0  }
0x209: {  	s31 =	simm.s32 $0x8;
	[sflag:s0] =	ssyncadd.s32 $0xFFFFEFE0  }
0x20a: {  	s3 =	simm.s32 $0x0;
	[sflag:s31] =	ssyncpa.u1 $0x0  }
.LBB2_47:
0x20b: {  	p1 =	slt.u32 s0, $0x1869F1  }
0x20c: {  	s4 =	sand.u32 @p1 $0x1FFFF8, s0  }
0x20d: {  	s0 =	sand.u32 @p1 $0x7, s0;
	s5 =	simm.s32 @p1 $0xF188;
	s4 =	sadd.s32 @p1 s1, s4  }
0x20e: {  	[tilespmem:s5], [sflag:$0x8] =	stream.linear.gather @p1 [hbm4b:s4+s0], $0x80, $0x38;
	[tilespmem:$0x1F6F8] =	vst v63  }
0x20f: {  	s0 =	simm.s32 @p1 $0x8  }
0x210: {  	_ =	swait.ge @p1 [sflag:s0], $0x80  }
0x211: {  	[sflag:s0] =	ssyncset.done @p1 $0x0  }
0x212: {  	[sflag:s0] =	ssyncadd.s32 @p1 $0xFFFFFF80  }
0x213: {  	v1 =	vld @p1 [tilespmem:$0xF188];
	_ =	sdelay $0x2  }
0x214: {  	s0 =	sshll.u32 @p1 s3, $0x9  }
0x215: {  	s4 =	sshrl.u32 @p1 s0, $0x2  }
0x216: {  	[tilespmem:s4+$0xF238] =	vst.add.f32.msk @p1 $0xffff, v1  }
0x217: {  	v1 =	vld @p1 [tilespmem:$0xF198];
	_ =	sdelay $0x4  }
0x218: {  	[tilespmem:s4+$0xF248] =	vst.add.f32.msk @p1 $0xffff, v1  }
0x219: {  	v1 =	vld @p1 [tilespmem:$0xF1A8];
	_ =	sdelay $0x4  }
0x21a: {  	[tilespmem:s4+$0xF258] =	vst.add.f32.msk @p1 $0xffff, v1  }
0x21b: {  	v1 =	vld @p1 [tilespmem:$0xF1B8];
	_ =	sdelay $0x4  }
0x21c: {  	[tilespmem:s4+$0xF268] =	vst.add.f32.msk @p1 $0xffff, v1  }
0x21d: {  	v1 =	vld @p1 [tilespmem:$0xF1C8];
	_ =	sdelay $0x4  }
0x21e: {  	[tilespmem:s4+$0xF278] =	vst.add.f32.msk @p1 $0xffff, v1  }
0x21f: {  	v1 =	vld @p1 [tilespmem:$0xF1D8];
	_ =	sdelay $0x4  }
0x220: {  	[tilespmem:s4+$0xF288] =	vst.add.f32.msk @p1 $0xffff, v1  }
0x221: {  	v1 =	vld @p1 [tilespmem:$0xF1E8];
	_ =	sdelay $0x4  }
0x222: {  	[tilespmem:s4+$0xF298] =	vst.add.f32.msk @p1 $0xffff, v1  }
0x223: {  	v1 =	vld @p1 [tilespmem:$0xF1F8];
	_ =	sdelay $0x3  }
0x224: {  	s5 =	sshll.u32 @!p1 s3, $0x9  }
0x225: {  	s5 =	smov.u32 @p1 s0;
	[tilespmem:s4+$0xF2A8] =	vst.add.f32.msk @p1 $0xffff, v1  }
0x226: {  	s0 =	sshrl.u32 s5, $0x2;
	[tilespmem:s2+$0xF218] =	vst.msk $0x1, v0  }
0x227: {  	v0 =	vld [tilespmem:s0+$0xF238];
	_ =	sdelay $0x2  }
0x228: {  	s31 =	sshll.u32 s2, $0x9  }
0x229: {  	s4 =	sshra.s32 s31, $0x2  }
0x22a: {  	[tilespmem:s4+$0xF238] =	vst v0  }
0x22b: {  	v0 =	vld [tilespmem:s0+$0xF248];
	_ =	sdelay $0x4  }
0x22c: {  	[tilespmem:s4+$0xF248] =	vst v0  }
0x22d: {  	v0 =	vld [tilespmem:s0+$0xF258];
	_ =	sdelay $0x4  }
0x22e: {  	[tilespmem:s4+$0xF258] =	vst v0  }
0x22f: {  	v0 =	vld [tilespmem:s0+$0xF268];
	_ =	sdelay $0x4  }
0x230: {  	[tilespmem:s4+$0xF268] =	vst v0  }
0x231: {  	v0 =	vld [tilespmem:s0+$0xF278];
	_ =	sdelay $0x4  }
0x232: {  	[tilespmem:s4+$0xF278] =	vst v0  }
0x233: {  	v0 =	vld [tilespmem:s0+$0xF288];
	_ =	sdelay $0x4  }
0x234: {  	[tilespmem:s4+$0xF288] =	vst v0  }
0x235: {  	v0 =	vld [tilespmem:s0+$0xF298];
	_ =	sdelay $0x4  }
0x236: {  	[tilespmem:s4+$0xF298] =	vst v0  }
0x237: {  	v0 =	vld [tilespmem:s0+$0xF2A8];
	_ =	sdelay $0x4  }
0x238: {  	s2 =	sadd.s32 $0x1, s2;
	[tilespmem:s4+$0xF2A8] =	vst v0  }
.LBB2_48:
0x239: {  	s3 =	sadd.s32 $0x1, s3  }
0x23a: {  	p1 =	sne.s32 s3, $0x20  }
.Ltmp32:
0x23b: {  	_ = 	snop;
	(pc) =	sbr.rel @!p1 .LBB2_49-.Ltmp32, $1  }
0x23c: {  	_ =	sdelay $0x3  }
.LBB2_41:
0x23d: {  	v0 =	vld.msk [tilespmem:s3+$0xF218], $0x1;
	_ =	sdelay $0x4  }
0x23e: {  	(v2sf) =	vpush v0, $0x0;
	_ =	sdelay $0xe  }
0x23f: {  	s0 =	spop (v2sf)  }
0x240: {  	p1 =	seq.s32 s0, $0xFFFFFFFF  }
.Ltmp33:
0x241: {  	_ = 	snop;
	(pc) =	sbr.rel @p1 .LBB2_48-.Ltmp33, $1  }
0x242: {  	_ =	sdelay $0x3  }
0x243: {  	p1 =	slt.s32 s2, $0x1  }
.Ltmp34:
0x244: {  	_ = 	snop;
	(pc) =	sbr.rel @p1 .LBB2_47-.Ltmp34, $1  }
0x245: {  	_ =	sdelay $0x3  }
0x246: {  	s4 =	simm.s32 $0xF218;
	p1 =	por $0x0, $0x0  }
0x247: {  	v1 =	vld.msk @!p1 [tilespmem:s4+$0x0], $0x1;
	_ =	sdelay $0x4  }
0x248: {  	(v2sf) =	vpush @!p1 v1, $0x0;
	_ =	sdelay $0xd  }
0x249: {  	p3 =	sne.s32 s2, $0x1  }
.Ltmp35:
0x24a: {  	s5 =	spop @!p1 (v2sf);
	(pc) =	sbr.rel @!p3 .LBB2_45-.Ltmp35, $4  }
0x24b: {  	p2 =	seq.s32 @!p1 s0, s5  }
0x24c: {  	s5 =	simm.s32 $0x0;
	p2 =	por !p2, p1  }
0x24d: {  	s7 =	simm.s32 $0xFFFFFFFF;
	s5 =	simm.s32 @p2 $0xFFFFFFFF  }
0x24e: {  	s6 =	simm.s32 $0x1;
	s5 =	smov.u32 @p1 s7  }
.LBB2_44:
0x24f: {  	s7 =	smov.u32 s5;
	p1 =	sne.s32 s5, $0xFFFFFFFF  }
0x250: {  	s4 =	sadd.s32 $0x1, s4;
	s5 =	smov.u32 s6;
	s6 =	sadd.s32 $0x1, s6  }
0x251: {  	p2 =	sne.s32 s2, s6;
	v1 =	vld.msk @!p1 [tilespmem:s4+$0x0], $0x1;
	_ =	sdelay $0x4  }
0x252: {  	(v2sf) =	vpush @!p1 v1, $0x0;
	_ =	sdelay $0xe  }
.Ltmp36:
0x253: {  	s8 =	spop @!p1 (v2sf);
	(pc) =	sbr.rel @p2 .LBB2_44-.Ltmp36, $4  }
0x254: {  	p3 =	seq.s32 @!p1 s0, s8  }
0x255: {  	p3 =	por !p3, p1  }
0x256: {  	s5 =	simm.s32 @p3 $0xFFFFFFFF  }
0x257: {  	s5 =	smov.u32 @p1 s7  }
.LBB2_45:
0x258: {  	p1 =	seq.s32 s5, $0xFFFFFFFF  }
.Ltmp37:
0x259: {  	_ = 	snop;
	(pc) =	sbr.rel @p1 .LBB2_47-.Ltmp37, $1  }
0x25a: {  	_ =	sdelay $0x3  }
0x25b: {  	s0 =	sshll.u32 s3, $0x7  }
0x25c: {  	s0 =	sand.u32 $0x3FFFFF80, s0  }
0x25d: {  	v0 =	vld [tilespmem:s0+$0xF238];
	_ =	sdelay $0x2  }
0x25e: {  	s4 =	sshll.u32 s5, $0x9  }
0x25f: {  	s4 =	sshra.s32 s4, $0x2  }
0x260: {  	[tilespmem:s4+$0xF238] =	vst.add.f32.msk $0xffff, v0  }
0x261: {  	v0 =	vld [tilespmem:s0+$0xF248];
	_ =	sdelay $0x4  }
0x262: {  	[tilespmem:s4+$0xF248] =	vst.add.f32.msk $0xffff, v0  }
0x263: {  	v0 =	vld [tilespmem:s0+$0xF258];
	_ =	sdelay $0x4  }
0x264: {  	[tilespmem:s4+$0xF258] =	vst.add.f32.msk $0xffff, v0  }
0x265: {  	v0 =	vld [tilespmem:s0+$0xF268];
	_ =	sdelay $0x4  }
0x266: {  	[tilespmem:s4+$0xF268] =	vst.add.f32.msk $0xffff, v0  }
0x267: {  	v0 =	vld [tilespmem:s0+$0xF278];
	_ =	sdelay $0x4  }
0x268: {  	[tilespmem:s4+$0xF278] =	vst.add.f32.msk $0xffff, v0  }
0x269: {  	v0 =	vld [tilespmem:s0+$0xF288];
	_ =	sdelay $0x4  }
0x26a: {  	[tilespmem:s4+$0xF288] =	vst.add.f32.msk $0xffff, v0  }
0x26b: {  	v0 =	vld [tilespmem:s0+$0xF298];
	_ =	sdelay $0x4  }
0x26c: {  	[tilespmem:s4+$0xF298] =	vst.add.f32.msk $0xffff, v0  }
0x26d: {  	v0 =	vld [tilespmem:s0+$0xF2A8]  }
.Ltmp38:
0x26e: {  	_ = 	snop;
	(pc) =	sbr.rel .LBB2_48-.Ltmp38, $2  }
0x26f: {  	_ =	sdelay $0x2  }
0x270: {  	[tilespmem:s4+$0xF2A8] =	vst.add.f32.msk $0xffff, v0  }
.LBB2_49:
0x271: {  	p1 =	slt.s32 s2, $0x1  }
.Ltmp39:
0x272: {  	_ = 	snop;
	(pc) =	sbr.rel @p1 .LBB2_53-.Ltmp39, $3  }
0x273: {  	_ =	sdelay $0x1  }
0x274: {  	s0 =	simm.s32 $0x8  }
0x275: {  	[sflag:s0] =	ssyncpa.u1 $0x1;
	s0 =	simm.s32 $0x0  }
0x276: {  	s3 =	simm.s32 $0xF218  }
0x277: {  	v0 =	vld.msk [tilespmem:s3+$0x0], $0x1;
	_ =	sdelay $0x4  }
0x278: {  	(v2sf) =	vpush v0, $0x0;
	_ =	sdelay $0xe  }
0x279: {  	s2 =	sadd.s32 $0xFFFFFFFF, s2;
	s4 =	spop (v2sf)  }
0x27a: {  	p2 =	sne.s32 s2, $0x0;
	p1 =	sgt.u32 s4, $0x1869F0  }
.Ltmp40:
0x27b: {  	s5 =	sand.u32 @!p1 $0x1FFFF8, s4;
	(pc) =	sbr.rel @!p2 .LBB2_52-.Ltmp40, $4  }
0x27c: {  	s3 =	simm.s32 $0xF238;
	s4 =	sand.u32 @!p1 $0x7, s4;
	s5 =	sadd.s32 @!p1 s1, s5  }
0x27d: {  	[hbm4b:s5+s4] =	stream.linear.scatter @!p1 [tilespmem:s3], [sflag:$0x7], $0x80, $0x38;
	[tilespmem:$0x1F6F8] =	vst v63  }
0x27e: {  	s5 =	simm.s32 $0x0  }
0x27f: {  	s4 =	simm.s32 $0xF219;
	s5 =	simm.s32 @!p1 $0x200  }
.LBB2_51:
0x280: {  	v0 =	vld.msk [tilespmem:s4+$0x0], $0x1;
	s2 =	sadd.s32 $0xFFFFFFFF, s2;
	s0 =	sadd.s32 s0, s5  }
0x281: {  	p1 =	sne.s32 s2, $0x0;
	_ =	sdelay $0x3  }
0x282: {  	(v2sf) =	vpush v0, $0x0;
	_ =	sdelay $0xe  }
.Ltmp41:
0x283: {  	s6 =	spop (v2sf);
	(pc) =	sbr.rel @p1 .LBB2_51-.Ltmp41, $4  }
0x284: {  	s5 =	simm.s32 $0x0;
	p2 =	sgt.u32 s6, $0x1869F0  }
0x285: {  	s3 =	sadd.s32 $0x80, s3;
	s5 =	simm.s32 @!p2 $0x200;
	s7 =	sand.u32 @!p2 $0x1FFFF8, s6  }
0x286: {  	s4 =	sadd.s32 $0x1, s4;
	s6 =	sand.u32 @!p2 $0x7, s6;
	s7 =	sadd.s32 @!p2 s1, s7  }
0x287: {  	[hbm4b:s7+s6] =	stream.linear.scatter @!p2 [tilespmem:s3], [sflag:$0x7], $0x80, $0x38;
	[tilespmem:$0x1F6F8] =	vst v63  }
.LBB2_52:
0x288: {  	s0 =	sadd.s32 s0, s5  }
0x289: {  	s0 =	sshrl.u32 s0, $0x2  }
.LBB2_53:
0x28a: {  	s1 =	simm.s32 $0x7  }
0x28b: {  	_ =	swait.ge [sflag:s1], s0  }
0x28c: {  	s31 =	ssub.s32 $0x0, s0;
	[sflag:s1] =	ssyncset.done $0x0  }
0x28d: {  	[sflag:s1] =	ssyncadd.s32 s31  }
0x28e: {  	[sflag:s1] =	ssyncpa.u1 $0x1  }
.LBB2_54:
0x28f: {  	_ =	sfence;
	s0 =	simm.s32 $0x1  }
0x290: {  	[sflag:s0] =	ssyncpa.u1 $0x1  }
0x291: {  	_ =	strace $0x90000053  }
0x292: {  	[bflag:$0x2] =	sbarrier.arrive $0xFFFF  }
0x293: {  	s0 =	rddreg [dreg:$0x4]  }
0x294: {  	s0 =	sadd.s32 @!p0 $0x100000, s0  }
0x295: {  	[sflag:s0] =	ssyncadd.tile.s32 @!p0 $0x1;
	_ =	shalt  }
.Lfunc_end2:
_tile_overlayer_lowered:
.L_overlay_start_2:
0x296: {  	(tag) =	ssettag $0x2  }
0x297: {  	s0 =	rddreg [dreg:$0x0];
	s2 =	stileid.u32  }
0x298: {  	s1 =	rddreg [dreg:$0x1];
	p0 =	sne.s32 s2, $0x0  }
0x299: {  	s3 =	rddreg [dreg:$0x2];
	[bflag:$0x3] =	sbarrier.arrive $0xFFFF;
	s2 =	simm.s32 @!p0 $0x1C01  }
0x29a: {  	[timem:s3], [sflag:s2] =	dma.local @!p0 [hbm:s0], s1  }
0x29b: {  	s0 =	simm.s32 @!p0 $0x1  }
0x29c: {  	_ =	swait.ge @!p0 [sflag:s0], s1  }
0x29d: {  	s1 =	ssub.s32 @!p0 $0x0, s1;
	[sflag:s0] =	ssyncset.done @!p0 $0x0  }
0x29e: {  	[sflag:s0] =	ssyncadd.s32 @!p0 s1  }
0x29f: {  	[bflag:$0x3] =	sbarrier.arrive $0xFFFF  }
0x2a0: {  	_ =	shalt  }

// kernel: scatter_offload_async_start.2
scs
__scs_entry_jumppad:
0x0: {  	(pc) =	sbr.rel $0x88, $3  }
0x1: {  	(tag) =	ssettag $0x0;
	lr =	simm.s32 $0x1  }
0x2: {  	[smem:$0x3F9B] =	sst lr;
	_ =	strace $0xD0000000  }
0x3: {  	_ = 	snop  }
0x4: {  	_ = 	snop  }
0x5: {  	_ = 	snop  }
0x6: {  	_ = 	snop  }
0x7: {  	_ = 	snop  }
__scs_overlays_trampoline_lowered:
0x8: {  	[smem:$0x3FAA] =	sst s0  }
0x9: {  	[smem:$0x3FAB] =	sst s1  }
0xa: {  	[smem:$0x3FAC] =	sst s2  }
0xb: {  	[smem:$0x3FAD] =	sst s3  }
0xc: {  	[smem:$0x3FAE] =	sst s4  }
0xd: {  	[smem:$0x3FAF] =	sst s5  }
0xe: {  	[smem:$0x3FB0] =	sst s6  }
0xf: {  	[smem:$0x3FB1] =	sst s7  }
0x10: {  	[smem:$0x3FB2] =	sst s8  }
0x11: {  	[smem:$0x3FB3] =	sst s9;
	s0 =	simm.s32 @!p0 $0x0  }
0x12: {  	s1 =	sld [smem:$0x3F99];
	s0 =	simm.s32 @p0 $0x1  }
0x13: {  	[smem:$0x3FB4] =	sst s0;
	s0 =	simm.s32 @!p1 $0x0  }
0x14: {  	s2 =	sld [smem:$0x3F98];
	s0 =	simm.s32 @p1 $0x1  }
0x15: {  	[smem:$0x3FB5] =	sst s0;
	s0 =	simm.s32 @!p2 $0x0  }
0x16: {  	s3 =	sld [smem:$0x3FDB];
	s0 =	simm.s32 @p2 $0x1  }
0x17: {  	s4 =	simm.s32 $0x1BF5;
	[smem:$0x3FB7] =	sst s0  }
0x18: {  	s0 =	sld [smem:$0x3F9A];
	_ =	swait.ge [sflag:s4], $0x0  }
0x19: {  	s7 =	sld [smem:$0x3F9B]  }
0x1a: {  	s8 =	sadd.s32 $0xFFFFE003, lr  }
0x1b: {  	s9 =	sadd.s32 $0xFFFFFEF7, lr;
	s5 =	simm.s32 $0xFFFFFFFF;
	p2 =	slt.u32 s8, $0xFFFFF086  }
0x1c: {  	p1 =	slt.u32 s9, $0xF7A;
	s5 =	simm.s32 @!p2 $0x0  }
0x1d: {  	s5 =	simm.s32 @p1 $0x1;
	p0 =	seq.s32 s7, s2  }
0x1e: {  	s7 =	smul.u32 @!p0 $0xF7A, s2;
	p2 =	seq.s32 @!p0 s5, $0x0  }
0x1f: {  	s9 =	smul.u32 $0xF7A, s1;
	s8 =	simm.s32 @!p0 $0x1BF5;
	p2 =	por !p2, p0  }
0x20: {  	[sflag:s8] =	ssyncset.s32 @!p0 $0xFFFFF086;
	s6 =	sadd.s32 @!p0 s3, s7;
	s7 =	simm.s32 @!p0 $0x108  }
0x21: {  	s3 =	sadd.s32 s3, s9;
	s6 =	sadd.s32 @!p0 $0x88, s6;
	s7 =	simm.s32 @p2 $0x1082  }
0x22: {  	[simem:s7], [sflag:s8] =	dma.local @!p0 [hbm:s6], $0xF7A  }
0x23: {  	s9 =	sor.u32 $0xD0000000, s2;
	s6 =	simm.s32 $0x108;
	_ =	swait.ge @!p0 [sflag:s8], $0x0  }
0x24: {  	s3 =	sadd.s32 $0x88, s3;
	s6 =	simm.s32 @!p1 $0x1082;
	[sflag:s4] =	ssyncset.s32 $0xFFFFF086  }
0x25: {  	[simem:s6], [sflag:s4] =	dma.local [hbm:s3], $0xF7A  }
0x26: {  	[smem:$0x3F9B] =	sst s1;
	(tag) =	ssettag s2;
	_ =	strace s9  }
0x27: {  	s1 =	sld [smem:$0x3FAB]  }
0x28: {  	s2 =	sld [smem:$0x3FAC]  }
0x29: {  	s4 =	sld [smem:$0x3FAE]  }
0x2a: {  	p0 =	seq.s32 s5, $0x0;
	s5 =	sld [smem:$0x3FAF]  }
0x2b: {  	s6 =	sld [smem:$0x3FB0]  }
0x2c: {  	s7 =	sld [smem:$0x3FB1]  }
0x2d: {  	s3 =	simm.s32 $0x108;
	s8 =	sld [smem:$0x3FB2]  }
0x2e: {  	s3 =	simm.s32 @!p0 $0x1082;
	s9 =	sld [smem:$0x3FB3]  }
0x2f: {  	lr =	sadd.s32 s0, s3;
	s0 =	sld [smem:$0x3FAA]  }
0x30: {  	s3 =	sld [smem:$0x3FAD]  }
0x31: {  	[smem:$0x3FB6] =	sst s10  }
0x32: {  	s10 =	sld [smem:$0x3FB4];
	_ =	sdelay $0x3  }
0x33: {  	p0 =	seq.s32 s10, $0x1;
	s10 =	sld [smem:$0x3FB6];
	_ =	sdelay $0x3  }
0x34: {  	[smem:$0x3FB6] =	sst s10  }
0x35: {  	s10 =	sld [smem:$0x3FB5];
	_ =	sdelay $0x3  }
0x36: {  	p1 =	seq.s32 s10, $0x1;
	s10 =	sld [smem:$0x3FB6];
	_ =	sdelay $0x3  }
0x37: {  	[smem:$0x3FB6] =	sst s10  }
0x38: {  	s10 =	sld [smem:$0x3FB7]  }
0x39: {  	_ = 	snop;
	(pc) =	sbr.ind lr, $3  }
0x3a: {  	_ = 	snop  }
0x3b: {  	_ = 	snop  }
0x3c: {  	p2 =	seq.s32 s10, $0x1;
	s10 =	sld [smem:$0x3FB6]  }
0x3d: {  	_ =	shalt  }
0x3e: {  	_ =	shalt  }
0x3f: {  	_ =	shalt  }
0x40: {  	_ =	shalt  }
0x41: {  	_ =	shalt  }
0x42: {  	_ =	shalt  }
0x43: {  	_ =	shalt  }
0x44: {  	_ =	shalt  }
0x45: {  	_ =	shalt  }
0x46: {  	_ =	shalt  }
0x47: {  	_ =	shalt  }
0x48: {  	_ =	shalt  }
0x49: {  	_ =	shalt  }
0x4a: {  	_ =	shalt  }
0x4b: {  	_ =	shalt  }
0x4c: {  	_ =	shalt  }
0x4d: {  	_ =	shalt  }
0x4e: {  	_ =	shalt  }
0x4f: {  	_ =	shalt  }
0x50: {  	_ =	shalt  }
0x51: {  	_ =	shalt  }
0x52: {  	_ =	shalt  }
0x53: {  	_ =	shalt  }
0x54: {  	_ =	shalt  }
0x55: {  	_ =	shalt  }
0x56: {  	_ =	shalt  }
0x57: {  	_ =	shalt  }
0x58: {  	_ =	shalt  }
0x59: {  	_ =	shalt  }
0x5a: {  	_ =	shalt  }
0x5b: {  	_ =	shalt  }
0x5c: {  	_ =	shalt  }
0x5d: {  	_ =	shalt  }
0x5e: {  	_ =	shalt  }
0x5f: {  	_ =	shalt  }
0x60: {  	_ =	shalt  }
0x61: {  	_ =	shalt  }
0x62: {  	_ =	shalt  }
0x63: {  	_ =	shalt  }
0x64: {  	_ =	shalt  }
0x65: {  	_ =	shalt  }
0x66: {  	_ =	shalt  }
0x67: {  	_ =	shalt  }
0x68: {  	_ =	shalt  }
0x69: {  	_ =	shalt  }
0x6a: {  	_ =	shalt  }
0x6b: {  	_ =	shalt  }
0x6c: {  	_ =	shalt  }
0x6d: {  	_ =	shalt  }
0x6e: {  	_ =	shalt  }
0x6f: {  	_ =	shalt  }
0x70: {  	_ =	shalt  }
0x71: {  	_ =	shalt  }
0x72: {  	_ =	shalt  }
0x73: {  	_ =	shalt  }
0x74: {  	_ =	shalt  }
0x75: {  	_ =	shalt  }
0x76: {  	_ =	shalt  }
0x77: {  	_ =	shalt  }
0x78: {  	_ =	shalt  }
0x79: {  	_ =	shalt  }
0x7a: {  	_ =	shalt  }
0x7b: {  	_ =	shalt  }
0x7c: {  	_ =	shalt  }
0x7d: {  	_ =	shalt  }
0x7e: {  	_ =	shalt  }
0x7f: {  	_ =	shalt  }
0x80: {  	_ =	shalt  }
0x81: {  	_ =	shalt  }
0x82: {  	_ =	shalt  }
0x83: {  	_ =	shalt  }
0x84: {  	_ =	shalt  }
0x85: {  	_ =	shalt  }
0x86: {  	_ =	shalt  }
0x87: {  	_ =	shalt  }
.Lfunc_end0:
.L_simem_size_0:
called_computation.2_lowered:
.L_overlay_start_0:
0x88: {  	s2 =	sld [smem:$0x3FD9]  }
0x89: {  	s3 =	sld [smem:$0x3FFE];
	_ =	sdelay $0x1  }
0x8a: {  	s1 =	srdreg.scid  }
0x8b: {  	s0 =	sand.u32 $0x1, s1  }
0x8c: {  	s15 =	sshll.u32 s0, $0xA;
	s2 =	sadd.s32 s3, s2  }
0x8d: {  	s2 =	sadd.s32 s2, s15  }
0x8e: {  	[smem:$0x3FC2] =	sst s2  }
0x8f: {  	_ = 	snop  }
0x90: {  	(tm) =	ssettm $0x1  }
0x91: {  	s16 =	sld [smem:$0x3FFB];
	_ =	sdelay $0x3  }
0x92: {  	_ =	strace s16  }
0x93: {  	s2 =	sld [smem:$0x3FFC];
	_ =	sdelay $0x3  }
0x94: {  	_ =	strace s2  }
0x95: {  	s2 =	sld [smem:$0x3FFD];
	_ =	sdelay $0x3  }
0x96: {  	_ =	strace s2  }
0x97: {  	_ =	strace $0x8FFFFFFF  }
0x98: {  	s17 =	sld [smem:$0x3FDB];
	_ =	sdelay $0x1  }
0x99: {  	s18 =	simm.s32 $_scs_section_size  }
0x9a: {  	s4 =	simm.s32 $_size__tile_overlayer_lowered;
	s5 =	simm.s32 $_tile_overlayer_lowered  }
0x9b: {  	s21 =	simm.s32 $0x1BFF;
	s20 =	sshll.u32 s5, $0x1;
	s2 =	sadd.s32 s18, s17  }
0x9c: {  	s6 =	simm.s32 $0x0;
	s19 =	sshll.u32 s4, $0x1;
	s4 =	sadd.s32 s20, s2  }
0x9d: {  	[timem:s6], [sflag:s21] =	dma.local [hbm:s4], s19  }
0x9e: {  	_ =	swait.ge [sflag:s21], s19  }
0x9f: {  	s3 =	ssub.s32 $0x0, s19;
	[sflag:s21] =	ssyncset.done $0x0  }
0xa0: {  	[sflag:s21] =	ssyncadd.s32 s3;
	_ =	sdelay $0x1  }
0xa1: {  	s22 =	simm.s32 $0x1B8B  }
0xa2: {  	_ =	swait.ge [sflag:s22], $0x1  }
0xa3: {  	[sflag:s22] =	ssyncset.done $0x0  }
0xa4: {  	s23 =	sld [smem:$0x3FFE];
	[sflag:s22] =	ssyncadd.s32 $0xFFFFFFFF  }
0xa5: {  	s25 =	simm.s32 $0x1B8E;
	s24 =	sld [smem:$0x0]  }
0xa6: {  	s26 =	simm.s32 $execute0_lowered;
	[smem:$0x3FD2] =	sst s25  }
0xa7: {  	s5 =	sshll.u32 s26, $0x1;
	_ =	strace $0x80000055;
	[dreg:$0x1] =	wrdreg $0xFFFFFFFF  }
0xa8: {  	s28 =	simm.s32 $_size_execute0_lowered;
	s2 =	sadd.s32 s2, s5;
	[dreg:$0x0] =	wrdreg $0x0  }
0xa9: {  	s5 =	sshll.u32 s28, $0x1;
	[dreg:$0x2] =	wrdreg s2  }
0xaa: {  	[dreg:$0x3] =	wrdreg s5  }
0xab: {  	[dreg:$0x4] =	wrdreg $0xC0  }
0xac: {  	_ =	task [dreg:s6], $0x5FFFF  }
0xad: {  	[dreg:$0x1] =	wrdreg $0xFFFFFFFF  }
0xae: {  	[dreg:$0x0] =	wrdreg $0x60  }
0xaf: {  	[dreg:$0x2] =	wrdreg s23  }
0xb0: {  	[dreg:$0x3] =	wrdreg s1  }
0xb1: {  	[dreg:$0x4] =	wrdreg s24  }
0xb2: {  	[dreg:$0x5] =	wrdreg $0x9  }
0xb3: {  	_ =	task.clear_ibuf [dreg:s6], $0x6FFFF;
	_ =	strace $0x90000055  }
0xb4: {  	s29 =	simm.s32 $0x9;
	_ =	strace $0x80000057  }
0xb5: {  	_ =	swait.ge [sflag:s29], $0x1  }
0xb6: {  	[sflag:s29] =	ssyncadd.s32 $0xFFFFFFFF  }
0xb7: {  	_ =	strace $0x90000057  }
0xb8: {  	_ =	sfence  }
0xb9: {  	s30 =	sld [smem:$0x0];
	_ =	sdelay $0x2  }
0xba: {  	s31 =	sshll.u32 s1, $0xD;
	s1 =	sshrl.u32 s1, $0x2  }
0xbb: {  	s3 =	sand.u32 $0x4000, s31;
	s1 =	sadd.s32 s1, s30  }
0xbc: {  	s0 =	sor.u32 s3, s0;
	s1 =	sshll.u32 s1, $0x11  }
0xbd: {  	s0 =	sor.u32 s1, s0  }
0xbe: {  	s0 =	sadd.s32 $0x8F2B, s0  }
0xbf: {  	[sflag:s0] =	ssyncadd.remote.s32 $0x1  }
0xc0: {  	_ =	sfence.sel $0xFFFF  }
0xc1: {  	[dreg:$0x0] =	wrdreg $0xFFFFFFFF;
	(pc) =	sbr.abs _section_cstart, $3  }
0xc2: {  	[dreg:$0x1] =	wrdreg $0xFFFFFFFF  }
0xc3: {  	_ =	task.clear_ibuf [dreg:s6], $0x2FFFF;
	_ =	strace $0x9FFFFFFF  }
0xc4: {  	(tm) =	ssettm $0x7FFFFFFF  }
0xc5: {  	_ =	shalt  }
tec
execute0_lowered:
.L_overlay_start_1:
0x0: {  	(tag) =	ssettag $0x1  }
0x1: {  	s2 =	rddreg [dreg:$0x0]  }
0x2: {  	s3 =	rddreg [dreg:$0x1];
	_ =	strace $0x80000056;
	s0 =	simm.s32 $0x1  }
0x3: {  	v0 =	vimm.s32 $0x0;
	[sflag:s0] =	ssyncpa.u1 $0x0;
	s0 =	simm.s32 $0x108  }
0x4: {  	[tilespmem:s0+$0x70] =	vst v0  }
0x5: {  	[tilespmem:s0+$0x60] =	vst v0  }
0x6: {  	[tilespmem:s0+$0x50] =	vst v0  }
0x7: {  	[tilespmem:s0+$0x40] =	vst v0  }
0x8: {  	[tilespmem:s0+$0x30] =	vst v0  }
0x9: {  	s1 =	sadd.s32 $0xD9C000, s2;
	s15 =	sadd.s32 $0x91000, s2;
	s6 =	sadd.s32 $0x1D22A00, s2;
	[tilespmem:s0+$0x20] =	vst v0  }
0xa: {  	s14 =	sadd.s32 $0xD33800, s2;
	s5 =	sand.u32 $0x1, s3;
	s3 =	simm.s32 $0x40;
	[tilespmem:s0+$0x10] =	vst v0  }
.LBB2_1:
0xb: {  	s3 =	sadd.s32 $0x40, s3;
	[tilespmem:s0+$0x0] =	vst v0;
	s0 =	sadd.s32 $0x80, s0  }
0xc: {  	p0 =	slt.u32 s3, $0x3C40;
	[tilespmem:s0+$0x70] =	vst v0  }
0xd: {  	[tilespmem:s0+$0x60] =	vst v0  }
.Ltmp0:
0xe: {  	[tilespmem:s0+$0x50] =	vst v0;
	(pc) =	sbr.rel @p0 .LBB2_1-.Ltmp0, $4  }
0xf: {  	[tilespmem:s0+$0x40] =	vst v0  }
0x10: {  	[tilespmem:s0+$0x30] =	vst v0  }
0x11: {  	[tilespmem:s0+$0x20] =	vst v0  }
0x12: {  	[tilespmem:s0+$0x10] =	vst v0  }
0x13: {  	s9 =	stileid.u32  }
0x14: {  	s2 =	smul.u32 $0x6A, s9  }
0x15: {  	s3 =	smin.u32 s9, $0xB  }
0x16: {  	s2 =	sadd.s32 s3, s2  }
0x17: {  	p0 =	slt.u32 s9, $0xB;
	s7 =	smul.u32 $0xF0, s2;
	s2 =	simm.s32 $0x6450  }
0x18: {  	s2 =	simm.s32 @!p0 $0x6360  }
0x19: {  	s2 =	sadd.s32 s2, s7  }
0x1a: {  	s8 =	smin.u32 s2, $0x64000  }
0x1b: {  	s2 =	ssub.s32 s8, s7  }
0x1c: {  	p0 =	sgt.s32 s2, $0x0  }
0x1d: {  	s29 =	simm.s32 $0x2;
	s10 =	simm.s32 $0x9;
	s2 =	simm.s32 @!p0 $0x0  }
0x1e: {  	s4 =	simm.s32 $0xA;
	s11 =	simm.s32 $0xB;
	s28 =	smulhi.u32 $0x88888889, s2  }
0x1f: {  	[dreg:$0x4] =	wrdreg s5;
	s31 =	smul.u32 $0xC800, s5;
	s12 =	simm.s32 $0x1  }
0x20: {  	s22 =	simm.s32 $0x0;
	s18 =	simm.s32 $0xC;
	s30 =	sshrl.u32 s28, $0x7  }
0x21: {  	s20 =	simm.s32 $0x0;
	s21 =	simm.s32 $0x0;
	s3 =	smul.u32 $0xF0, s30  }
.Ltmp1:
0x22: {  	[tilespmem:s0+$0x0] =	vst v0;
	v0 =	vimm.s32 $0xFFFFFFFF;
	[sflag:s29] =	ssyncpa.u1 $0x0;
	s16 =	sshll.u32 s9, $0x8;
	(pc) =	sbr.rel .LBB2_3-.Ltmp1, $4  }
0x23: {  	[tilespmem:$0xF208] =	vst v0;
	[sflag:s10] =	ssyncpa.u1 $0x0;
	p0 =	sne.s32 s2, s3;
	s2 =	simm.s32 $0x1  }
0x24: {  	s14 =	sadd.s32 s31, s14;
	[sflag:s4] =	ssyncpa.u1 $0x0;
	s2 =	simm.s32 @!p0 $0x0  }
0x25: {  	s15 =	sadd.s32 s31, s15;
	[sflag:s11] =	ssyncpa.u1 $0x0;
	s13 =	sadd.s32 s2, s30  }
0x26: {  	v0 =	vlaneseq.u32;
	s19 =	smov.u32 s7;
	p0 =	por $0x0, $0x0;
	s17 =	sadd.s32 $0x1, s13  }
.LBB2_18:
0x27: {  	s0 =	sshrl.u32 s31, $0x2  }
.LBB2_20:
0x28: {  	_ =	swait.ge [sflag:s18], s0  }
0x29: {  	s31 =	ssub.s32 $0x0, s0;
	v1 =	vmov s24;
	vm0 =	veq.s32 v0, $0x0;
	[sflag:s18] =	ssyncset.done $0x0  }
0x2a: {  	vm15 =	veq.s32 v0, $0x2;
	v1 =	vsel vm0, s30, v1;
	[sflag:s18] =	ssyncadd.s32 s31  }
0x2b: {  	v1 =	vsel vm15, s22, v1;
	[sflag:s18] =	ssyncpa.u1 $0x1  }
0x2c: {  	[tilespmem:$0xF208] =	vst v1  }
.LBB2_21:
0x2d: {  	s0 =	sadd.s32 $0xF0, s19  }
0x2e: {  	s2 =	smov.u32 s7;
	p1 =	slt.s32 s0, s8  }
0x2f: {  	s2 =	smov.u32 @p1 s0;
	p1 =	sne.s32 s21, s17  }
.Ltmp2:
0x30: {  	_ = 	snop;
	(pc) =	sbr.rel @!p1 .LBB2_22-.Ltmp2, $3  }
0x31: {  	_ =	sdelay $0x1  }
0x32: {  	s22 =	smov.u32 s20;
	s31 =	sadd.s32 $0x1, s21;
	s20 =	smov.u32 s19  }
0x33: {  	p0 =	por !p0, !p0;
	s21 =	smov.u32 s31;
	s19 =	smov.u32 s2  }
.LBB2_3:
0x34: {  	p1 =	sge.u32 s21, s13  }
0x35: {  	s0 =	smulhi.u32 @!p1 $0xAAAAAAAB, s21  }
0x36: {  	s2 =	smov.u32 s19;
	p2 =	sgt.s32 @!p1 s19, $0x63F10  }
0x37: {  	s3 =	sshra.s32 @!p1 s19, $0x1F;
	p2 =	por !p2, p1;
	s0 =	sshrl.u32 @!p1 s0, $0x1  }
0x38: {  	s3 =	sand.u32 @!p1 s3, s19;
	s2 =	simm.s32 @p2 $0x63F10;
	s0 =	smul.u32 @!p1 $0x3, s0  }
0x39: {  	s2 =	ssub.s32 @!p1 s2, s3  }
0x3a: {  	s2 =	sadd.s32 @!p1 $0xFFF9C0F0, s2;
	s0 =	ssub.s32 @!p1 s21, s0  }
0x3b: {  	s3 =	sshll.u32 @!p1 s2, $0x2;
	p2 =	sgt.s32 @!p1 s2, $0xEF;
	s0 =	smul.u32 @!p1 $0x3C0, s0  }
0x3c: {  	s4 =	sand.u32 @!p1 $0x7, s19;
	s2 =	ssub.s32 @!p1 $0x3C0, s3;
	p2 =	por !p2, p1  }
0x3d: {  	s3 =	sshrl.u32 @!p1 s19, $0x3;
	s2 =	sshrl.u32 @!p1 s2, $0x2;
	s0 =	sshrl.u32 @!p1 s0, $0x2  }
0x3e: {  	s3 =	sadd.s32 @!p1 s3, s14;
	s2 =	simm.s32 @!p2 $0x0;
	s0 =	sadd.s32 @!p1 $0x10248, s0  }
0x3f: {  	[tilespmem:s0], [sflag:$0xA] =	stream.linear.gather @!p1 [hbm4b:s3+s4], s2, $0x38;
	[tilespmem:$0x1F6F8] =	vst v63  }
0x40: {  	s0 =	sadd.s32 $0xFFFFFFFF, s21  }
0x41: {  	p1 =	sge.u32 s0, s13  }
0x42: {  	p2 =	sgt.s32 @!p1 s20, $0x63F10  }
0x43: {  	s2 =	smov.u32 s20;
	s3 =	sshra.s32 @!p1 s20, $0x1F;
	p2 =	por !p2, p1  }
0x44: {  	s3 =	sand.u32 @!p1 s3, s20;
	s2 =	simm.s32 @p2 $0x63F10  }
0x45: {  	s2 =	ssub.s32 @!p1 s2, s3  }
0x46: {  	s2 =	sadd.s32 @!p1 $0xFFF9C0F0, s2  }
0x47: {  	s4 =	sand.u32 @!p1 $0x1, s0;
	s3 =	sshll.u32 @!p1 s2, $0x2  }
0x48: {  	p2 =	sgt.s32 @!p1 s2, $0xEF;
	s2 =	ssub.s32 @!p1 $0x3C0, s3;
	s3 =	smulhi.u32 @!p1 $0xAAAAAAAB, s0  }
0x49: {  	s23 =	smul.u32 @!p1 $0x3C0, s4;
	p2 =	por !p2, p1;
	s2 =	sshrl.u32 @!p1 s2, $0x2  }
0x4a: {  	s5 =	simm.s32 @!p1 $0xA;
	s2 =	simm.s32 @!p2 $0x0;
	s3 =	sshrl.u32 @!p1 s3, $0x1  }
0x4b: {  	s23 =	sshrl.u32 @!p1 s23, $0x2;
	_ =	swait.ge @!p1 [sflag:s5], s2;
	s3 =	smul.u32 @!p1 $0x3, s3  }
0x4c: {  	s23 =	sadd.s32 @!p1 $0x10518, s23;
	s24 =	ssub.s32 @!p1 $0x0, s2;
	[sflag:s5] =	ssyncset.done @!p1 $0x0  }
0x4d: {  	[sflag:s5] =	ssyncadd.s32 @!p1 s24;
	s5 =	sshrl.u32 @!p1 s20, $0x3;
	s0 =	ssub.s32 @!p1 s0, s3  }
0x4e: {  	s24 =	sand.u32 @!p1 $0x7, s20;
	s5 =	sadd.s32 @!p1 s5, s15;
	s0 =	smul.u32 @!p1 $0x3C0, s0  }
0x4f: {  	[tilespmem:s23], [sflag:$0xB] =	stream.linear.gather @!p1 [hbm4b:s5+s24], s2, $0x38;
	[tilespmem:$0x1F6F8] =	vst v63  }
0x50: {  	s3 =	ssub.s32 @!p1 $0x64000, s20;
	s2 =	smul.u32 @!p1 $0x1E000, s4  }
0x51: {  	p2 =	slt.s32 @!p1 s3, $0xF0  }
0x52: {  	p2 =	por !p2, p1;
	s0 =	sshrl.u32 @!p1 s0, $0x2;
	s2 =	sshrl.u32 @!p1 s2, $0x2  }
0x53: {  	s3 =	simm.s32 @p2 $0xF0;
	s0 =	sadd.s32 @!p1 $0x10248, s0;
	s2 =	sor.u32 @!p1 $0x106F8, s2  }
0x54: {  	[tilespmem:s2], [sflag:$0x9] =	stream.indirect.gather @!p1 [hbm4b:s6+s3], $0x80, s0, s3, $0xb8;
	[tilespmem:$0x1F6F8] =	vst v63  }
0x55: {  	p1 =	slt.u32 s21, $0x2  }
.Ltmp3:
0x56: {  	_ = 	snop;
	(pc) =	sbr.rel @p1 .LBB2_21-.Ltmp3, $1  }
0x57: {  	_ =	sdelay $0x3  }
0x58: {  	p1 =	sgt.s32 s22, $0x63F10  }
0x59: {  	s0 =	smov.u32 s22;
	s2 =	sshra.s32 s22, $0x1F;
	s3 =	ssub.s32 $0x64000, s22  }
0x5a: {  	s0 =	simm.s32 @!p1 $0x63F10;
	s2 =	sand.u32 s2, s22;
	p1 =	slt.s32 s3, $0xF0  }
0x5b: {  	s0 =	ssub.s32 s0, s2;
	s3 =	simm.s32 @!p1 $0xF0  }
0x5c: {  	s0 =	sadd.s32 $0xFFF9C0F0, s0;
	s25 =	sshll.u32 s3, $0x7  }
0x5d: {  	s26 =	sshll.u32 s0, $0x2;
	s2 =	sand.u32 $0x3FFFFF80, s25  }
0x5e: {  	p1 =	sgt.s32 s0, $0xEF;
	s29 =	ssub.s32 $0x3C0, s26;
	_ =	swait.ge [sflag:s10], s2  }
0x5f: {  	s2 =	ssub.s32 $0x0, s2;
	[sflag:s10] =	ssyncset.done $0x0;
	s0 =	sshrl.u32 s29, $0x2  }
0x60: {  	[sflag:s10] =	ssyncadd.s32 s2;
	s0 =	simm.s32 @p1 $0x0  }
0x61: {  	_ =	swait.ge [sflag:s11], s0  }
0x62: {  	s0 =	ssub.s32 $0x0, s0;
	[sflag:s11] =	ssyncset.done $0x0  }
0x63: {  	[sflag:s11] =	ssyncadd.s32 s0  }
0x64: {  	v1 =	vld [tilespmem:$0xF208];
	_ =	sdelay $0x4  }
0x65: {  	(v2sf) =	vpush v1, $0x0  }
0x66: {  	(v2sf) =	vpush v1, $0x1  }
0x67: {  	(v2sf) =	vpush v1, $0x2;
	_ =	sdelay $0x3  }
0x68: {  	s0 =	sadd.s32 $0xF0, s22  }
0x69: {  	s2 =	ssub.s32 $0xC8000, s22;
	p1 =	slt.s32 s8, s0  }
0x6a: {  	s0 =	smov.u32 @p1 s8;
	p1 =	sgt.s32 s2, $0x0  }
0x6b: {  	s26 =	ssub.s32 s0, s22;
	s2 =	simm.s32 @!p1 $0x0  }
0x6c: {  	p1 =	slt.s32 s2, s26  }
0x6d: {  	s26 =	smov.u32 @p1 s2  }
0x6e: {  	s25 =	simm.s32 $0x1;
	p1 =	slt.s32 s26, $0x1  }
.Ltmp4:
0x6f: {  	s25 =	simm.s32 @!p0 $0x0;
	(pc) =	sbr.rel @p1 .LBB2_8-.Ltmp4, $4  }
0x70: {  	s31 =	smul.u32 $0x3C0, s25  }
0x71: {  	s28 =	spop (v2sf)  }
0x72: {  	s0 =	sshrl.u32 s31, $0x2;
	s30 =	spop (v2sf)  }
0x73: {  	s23 =	sadd.s32 $0x10518, s0;
	s22 =	spop (v2sf)  }
0x74: {  	s0 =	smin.u32 s26, $0x10  }
0x75: {  	v1 =	vmov s0  }
0x76: {  	p2 =	sgt.s32 s26, $0x10;
	vm1 =	vgt.u32 v1, v0  }
.Ltmp5:
0x77: {  	_ = 	snop;
	(pc) =	sbr.rel @!p2 .LBB2_7-.Ltmp5, $2  }
0x78: {  	_ =	sdelay $0x2  }
0x79: {  	s4 =	simm.s32 $0x10;
	s24 =	sadd.s32 $0xFFFFFFF0, s26;
	s0 =	smov.u32 s23;
	vm0 =	vmmov vm1  }
.LBB2_6:
0x7a: {  	s2 =	smin.u32 s24, $0x10;
	s4 =	sadd.s32 $0x10, s4;
	v1 =	vld.msk [tilespmem:s0+$0x0 ss:$0x1], vm1  }
0x7b: {  	v2 =	vmov s2;
	p2 =	slt.s32 s4, s26  }
0x7c: {  	vm1 =	vgt.u32 v2, v0  }
.Ltmp6:
0x7d: {  	(pc) =	sbr.rel @p2 .LBB2_6-.Ltmp6, $3  }
0x7e: {  	_ =	sdelay $0x1  }
0x7f: {  	v1 =	vshll.u32 v1, $0x4  }
0x80: {  	s24 =	sadd.s32 $0xFFFFFFF0, s24;
	[tilespmem:s0+$0x0] =	vst.msk vm0, v1;
	s0 =	sadd.s32 $0x10, s0;
	vm0 =	vmmov vm1  }
.LBB2_7:
0x81: {  	_ =	sdelay $0x4  }
0x82: {  	v1 =	vld.msk [tilespmem:s0+$0x0 ss:$0x1], vm1;
	_ =	sdelay $0x4  }
0x83: {  	v1 =	vshll.u32 v1, $0x4  }
0x84: {  	[tilespmem:s0+$0x0] =	vst.msk vm0, v1  }
.LBB2_8:
0x85: {  	s0 =	sand.u32 $0x1, s21  }
0x86: {  	s0 =	smul.u32 $0xF0, s0  }
0x87: {  	p2 =	sne.s32 s30, $0xFFFFFFFF  }
0x88: {  	v1 =	vld.msk @!p2 [tilespmem:s0+$0x10518], $0x1;
	_ =	sdelay $0x4  }
0x89: {  	(v2sf) =	vpush @!p2 v1, $0x0;
	_ =	sdelay $0xc  }
.Ltmp7:
0x8a: {  	_ = 	snop;
	(pc) =	sbr.rel @p1 .LBB2_19-.Ltmp7, $4  }
0x8b: {  	_ = 	snop  }
0x8c: {  	s29 =	spop @!p2 (v2sf)  }
0x8d: {  	s22 =	simm.s32 @!p2 $0x0;
	s24 =	smov.u32 s29  }
0x8e: {  	[sflag:s18] =	ssyncpa.u1 $0x0;
	s29 =	smov.u32 @p2 s28;
	s24 =	smov.u32 @p2 s30  }
0x8f: {  	v1 =	vld.msk [tilespmem:s23+$0x0], $0x1;
	_ =	sdelay $0x4  }
0x90: {  	(v2sf) =	vpush v1, $0x0;
	_ =	sdelay $0xe  }
0x91: {  	s2 =	smul.u32 $0x1E000, s25;
	s0 =	spop (v2sf)  }
0x92: {  	s26 =	ssub.s32 $0x0, s26;
	p1 =	seq.s32 s29, s0  }
0x93: {  	s30 =	sadd.s32 $0x1, s26;
	s2 =	sshrl.u32 s2, $0x2;
	p2 =	sgt.s32 @!p1 s29, $0x0  }
0x94: {  	s25 =	sor.u32 $0x10738, s2;
	s2 =	smov.u32 s29;
	p2 =	por !p2, p1  }
0x95: {  	s2 =	simm.s32 @p2 $0x0;
	p2 =	seq.s32 s30, $0x0  }
.Ltmp8:
0x96: {  	_ = 	snop;
	(pc) =	sbr.rel @p2 .LBB2_11-.Ltmp8, $4  }
0x97: {  	_ = 	snop  }
0x98: {  	s28 =	simm.s32 $0x0;
	s31 =	sadd.s32 $0x1, s23;
	s2 =	smin.u32 @!p1 s2, $0x1869F0  }
0x99: {  	s4 =	simm.s32 @!p1 $0x1;
	s5 =	simm.s32 @!p1 $0x7988;
	s3 =	sand.u32 @!p1 $0x1FFFF8, s2  }
0x9a: {  	s4 =	smov.u32 @p1 s28;
	s2 =	sand.u32 @!p1 $0x7, s2;
	s3 =	sadd.s32 @!p1 s1, s3  }
.LBB2_10:
0x9b: {  	s9 =	smov.u32 s4  }
0x9c: {  	[tilespmem:s5], [sflag:$0x2] =	stream.linear.gather @!p1 [hbm4b:s3+s2], $0x80, $0x38;
	[tilespmem:$0x1F6F8] =	vst v63  }
0x9d: {  	s30 =	sadd.s32 $0x1, s30;
	s2 =	smov.u32 s0;
	v1 =	vld.msk [tilespmem:s31+$0x0], $0x1  }
0x9e: {  	p2 =	seq.s32 s30, $0x0;
	_ =	sdelay $0x3  }
0x9f: {  	(v2sf) =	vpush v1, $0x0;
	_ =	sdelay $0xe  }
0xa0: {  	s0 =	spop (v2sf)  }
0xa1: {  	p1 =	seq.s32 s2, s0  }
0xa2: {  	p3 =	sgt.s32 @!p1 s2, $0x0;
	s3 =	sshll.u32 @!p1 s4, $0x9;
	s4 =	sadd.s32 @!p1 $0x1, s4  }
.Ltmp9:
0xa3: {  	p3 =	por !p3, p1;
	s3 =	sshra.s32 @!p1 s3, $0x2;
	(pc) =	sbr.rel @!p2 .LBB2_10-.Ltmp9, $4  }
0xa4: {  	s4 =	smov.u32 @p1 s9;
	s2 =	simm.s32 @p3 $0x0;
	s5 =	sadd.s32 @!p1 $0x7988, s3  }
0xa5: {  	s2 =	smin.u32 @!p1 s2, $0x1869F0  }
0xa6: {  	s3 =	sand.u32 @!p1 $0x1FFFF8, s2;
	s2 =	sand.u32 @!p1 $0x7, s2  }
0xa7: {  	s31 =	sadd.s32 $0x1, s31;
	s3 =	sadd.s32 @!p1 s1, s3  }
.LBB2_11:
0xa8: {  	[tilespmem:s5], [sflag:$0x2] =	stream.linear.gather @!p1 [hbm4b:s3+s2], $0x80, $0x38;
	[tilespmem:$0x1F6F8] =	vst v63  }
.Ltmp10:
0xa9: {  	s0 =	sshll.u32 s4, $0x7;
	(pc) =	sbr.rel .LBB2_12-.Ltmp10, $4  }
0xaa: {  	s30 =	simm.s32 $0x2;
	s0 =	sand.u32 $0x3FFFFF80, s0  }
0xab: {  	_ =	swait.ge [sflag:s30], s0  }
0xac: {  	s0 =	ssub.s32 $0x0, s0;
	[sflag:s30] =	ssyncset.done $0x0  }
0xad: {  	s31 =	simm.s32 $0x0;
	[sflag:s30] =	ssyncadd.s32 s0  }
.LBB2_13:
0xae: {  	v1 =	vld [tilespmem:s25+$0xFFFFFFC0];
	_ =	sdelay $0x3  }
0xaf: {  	s0 =	sshra.s32 s0, $0x2  }
0xb0: {  	[tilespmem:s0+$0x108] =	vst.add.f32.msk $0xffff, v1  }
0xb1: {  	v1 =	vld [tilespmem:s25+$0xFFFFFFD0];
	_ =	sdelay $0x4  }
0xb2: {  	[tilespmem:s0+$0x118] =	vst.add.f32.msk $0xffff, v1  }
0xb3: {  	v1 =	vld [tilespmem:s25+$0xFFFFFFE0];
	_ =	sdelay $0x4  }
0xb4: {  	[tilespmem:s0+$0x128] =	vst.add.f32.msk $0xffff, v1  }
0xb5: {  	v1 =	vld [tilespmem:s25+$0xFFFFFFF0];
	_ =	sdelay $0x4  }
0xb6: {  	[tilespmem:s0+$0x138] =	vst.add.f32.msk $0xffff, v1  }
0xb7: {  	v1 =	vld [tilespmem:s25+$0x0];
	_ =	sdelay $0x4  }
0xb8: {  	[tilespmem:s0+$0x148] =	vst.add.f32.msk $0xffff, v1  }
0xb9: {  	v1 =	vld [tilespmem:s25+$0x10];
	_ =	sdelay $0x4  }
0xba: {  	[tilespmem:s0+$0x158] =	vst.add.f32.msk $0xffff, v1  }
0xbb: {  	v1 =	vld [tilespmem:s25+$0x20];
	_ =	sdelay $0x4  }
0xbc: {  	[tilespmem:s0+$0x168] =	vst.add.f32.msk $0xffff, v1  }
0xbd: {  	v1 =	vld [tilespmem:s25+$0x30];
	_ =	sdelay $0x4  }
0xbe: {  	[tilespmem:s0+$0x178] =	vst.add.f32.msk $0xffff, v1  }
.LBB2_17:
0xbf: {  	s26 =	sadd.s32 $0x1, s26  }
0xc0: {  	p1 =	seq.s32 s26, $0x0  }
.Ltmp11:
0xc1: {  	_ = 	snop;
	(pc) =	sbr.rel @p1 .LBB2_18-.Ltmp11, $2  }
0xc2: {  	_ =	sdelay $0x2  }
0xc3: {  	s23 =	sadd.s32 $0x1, s23;
	s25 =	sadd.s32 $0x80, s25;
	s29 =	smov.u32 s30  }
.LBB2_12:
0xc4: {  	v1 =	vld.msk [tilespmem:s23+$0x0], $0x1;
	_ =	sdelay $0x4  }
0xc5: {  	(v2sf) =	vpush v1, $0x0;
	_ =	sdelay $0xe  }
0xc6: {  	s30 =	spop (v2sf)  }
0xc7: {  	p1 =	sne.s32 s29, s30  }
.Ltmp12:
0xc8: {  	_ = 	snop;
	(pc) =	sbr.rel @!p1 .LBB2_13-.Ltmp12, $2  }
0xc9: {  	_ =	sdelay $0x2  }
0xca: {  	s0 =	sshll.u32 s22, $0x9  }
0xcb: {  	p1 =	seq.s32 s29, s24  }
.Ltmp13:
0xcc: {  	_ = 	snop;
	(pc) =	sbr.rel @!p1 .LBB2_15-.Ltmp13, $1  }
0xcd: {  	_ =	sdelay $0x3  }
0xce: {  	s0 =	sshra.s32 s0, $0x2  }
.Ltmp14:
0xcf: {  	s0 =	sadd.s32 $0x108, s0;
	(pc) =	sbr.rel .LBB2_16-.Ltmp14, $4  }
0xd0: {  	[spmem:s16] =	stream.linear.scatter [tilespmem:s0], [sflag:$0x1], $0x80, $0x38;
	[tilespmem:$0x1F6F8] =	vst v63  }
0xd1: {  	_ =	swait.ge [sflag:s12], $0x80  }
0xd2: {  	[sflag:s12] =	ssyncset.done $0x0  }
0xd3: {  	[sflag:s12] =	ssyncadd.s32 $0xFFFFFF80  }
.LBB2_15:
0xd4: {  	s2 =	sshll.u32 s28, $0x9  }
0xd5: {  	s2 =	sshra.s32 s2, $0x2  }
0xd6: {  	v1 =	vld [tilespmem:s2+$0x7988];
	_ =	sdelay $0x3  }
0xd7: {  	s0 =	sshra.s32 s0, $0x2  }
0xd8: {  	[tilespmem:s0+$0x108] =	vst.add.f32.msk $0xffff, v1  }
0xd9: {  	v1 =	vld [tilespmem:s2+$0x7998];
	_ =	sdelay $0x4  }
0xda: {  	[tilespmem:s0+$0x118] =	vst.add.f32.msk $0xffff, v1  }
0xdb: {  	v1 =	vld [tilespmem:s2+$0x79A8];
	_ =	sdelay $0x4  }
0xdc: {  	[tilespmem:s0+$0x128] =	vst.add.f32.msk $0xffff, v1  }
0xdd: {  	v1 =	vld [tilespmem:s2+$0x79B8];
	_ =	sdelay $0x4  }
0xde: {  	[tilespmem:s0+$0x138] =	vst.add.f32.msk $0xffff, v1  }
0xdf: {  	v1 =	vld [tilespmem:s2+$0x79C8];
	_ =	sdelay $0x4  }
0xe0: {  	[tilespmem:s0+$0x148] =	vst.add.f32.msk $0xffff, v1  }
0xe1: {  	v1 =	vld [tilespmem:s2+$0x79D8];
	_ =	sdelay $0x4  }
0xe2: {  	[tilespmem:s0+$0x158] =	vst.add.f32.msk $0xffff, v1  }
0xe3: {  	v1 =	vld [tilespmem:s2+$0x79E8];
	_ =	sdelay $0x4  }
0xe4: {  	[tilespmem:s0+$0x168] =	vst.add.f32.msk $0xffff, v1  }
0xe5: {  	v1 =	vld [tilespmem:s2+$0x79F8];
	_ =	sdelay $0x2  }
0xe6: {  	p1 =	sgt.u32 s29, $0x1869F0  }
0xe7: {  	s2 =	sand.u32 @!p1 $0x1FFFF8, s29  }
0xe8: {  	s3 =	sadd.s32 $0x108, s0;
	[tilespmem:s0+$0x178] =	vst.add.f32.msk $0xffff, v1;
	s0 =	sadd.s32 @!p1 s1, s2;
	s2 =	sand.u32 @!p1 $0x7, s29  }
0xe9: {  	[hbm4b:s0+s2] =	stream.linear.scatter @!p1 [tilespmem:s3], [sflag:$0xC], $0x80, $0x38;
	[tilespmem:$0x1F6F8] =	vst v63  }
0xea: {  	s0 =	simm.s32 $0x0  }
0xeb: {  	s0 =	simm.s32 @!p1 $0x200  }
0xec: {  	s31 =	sadd.s32 s0, s31  }
.LBB2_16:
0xed: {  	s0 =	sadd.s32 $0x1, s22  }
0xee: {  	s2 =	smulhi.u32 $0x88888889, s0;
	_ =	sdelay $0x1  }
0xef: {  	v1 =	vld [tilespmem:s25+$0xFFFFFFC0];
	s2 =	sshrl.u32 s2, $0x7  }
0xf0: {  	s2 =	smul.u32 $0xF0, s2;
	_ =	sdelay $0x1  }
0xf1: {  	s22 =	ssub.s32 s0, s2  }
0xf2: {  	s0 =	sshll.u32 s22, $0x7  }
0xf3: {  	[tilespmem:s0+$0x108] =	vst v1  }
0xf4: {  	v1 =	vld [tilespmem:s25+$0xFFFFFFD0];
	_ =	sdelay $0x4  }
0xf5: {  	[tilespmem:s0+$0x118] =	vst v1  }
0xf6: {  	v1 =	vld [tilespmem:s25+$0xFFFFFFE0];
	_ =	sdelay $0x4  }
0xf7: {  	[tilespmem:s0+$0x128] =	vst v1  }
0xf8: {  	v1 =	vld [tilespmem:s25+$0xFFFFFFF0];
	_ =	sdelay $0x4  }
0xf9: {  	[tilespmem:s0+$0x138] =	vst v1  }
0xfa: {  	v1 =	vld [tilespmem:s25+$0x0];
	_ =	sdelay $0x4  }
0xfb: {  	[tilespmem:s0+$0x148] =	vst v1  }
0xfc: {  	v1 =	vld [tilespmem:s25+$0x10];
	_ =	sdelay $0x4  }
0xfd: {  	[tilespmem:s0+$0x158] =	vst v1  }
0xfe: {  	v1 =	vld [tilespmem:s25+$0x20];
	_ =	sdelay $0x4  }
0xff: {  	[tilespmem:s0+$0x168] =	vst v1  }
0x100: {  	v1 =	vld [tilespmem:s25+$0x30]  }
.Ltmp15:
0x101: {  	_ = 	snop;
	(pc) =	sbr.rel .LBB2_17-.Ltmp15, $2  }
0x102: {  	_ =	sdelay $0x2  }
0x103: {  	s28 =	sadd.s32 $0x1, s28;
	[tilespmem:s0+$0x178] =	vst v1  }
.LBB2_19:
.Ltmp16:
0x104: {  	(pc) =	sbr.rel .LBB2_20-.Ltmp16, $4  }
0x105: {  	_ = 	snop  }
0x106: {  	s0 =	simm.s32 $0x2  }
0x107: {  	_ =	swait.ge [sflag:s0], $0x0  }
0x108: {  	s30 =	smov.u32 s29;
	[sflag:s0] =	ssyncset.done $0x0;
	s0 =	simm.s32 $0x0  }
.LBB2_22:
0x109: {  	_ =	sfence.sel $0x180000  }
0x10a: {  	s0 =	simm.s32 $0x9;
	[bflag:$0x0] =	sbarrier.arrive $0xFFFF  }
0x10b: {  	s24 =	simm.s32 $0xA;
	[sflag:s0] =	ssyncpa.u1 $0x1  }
0x10c: {  	s25 =	simm.s32 $0xB;
	[sflag:s24] =	ssyncpa.u1 $0x1  }
0x10d: {  	s26 =	simm.s32 $0x2;
	[sflag:s25] =	ssyncpa.u1 $0x1  }
0x10e: {  	[sflag:s26] =	ssyncpa.u1 $0x1  }
0x10f: {  	v0 =	vld [tilespmem:$0xF208];
	_ =	sdelay $0x4  }
0x110: {  	(v2sf) =	vpush v0, $0x0  }
0x111: {  	(v2sf) =	vpush v0, $0x1;
	_ =	sdelay $0x1  }
0x112: {  	(v2sf) =	vpush v0, $0x2;
	_ =	sdelay $0xb  }
0x113: {  	s0 =	spop (v2sf)  }
0x114: {  	s2 =	spop (v2sf)  }
0x115: {  	s3 =	smov.u32 s0;
	p0 =	sne.s32 s0, s2  }
0x116: {  	s4 =	spop (v2sf);
	s3 =	simm.s32 @!p0 $0xFFFFFFFF  }
0x117: {  	v2 =	vimm.s32 $0x1;
	v3 =	vlaneseq.u32;
	p0 =	seq.s32 s4, $0xFFFFFFFF;
	v1 =	vmov s3  }
0x118: {  	s16 =	stileid.u32;
	v0 =	vperm.xlane v0, v2;
	p1 =	sne.s32 @!p0 s0, s2;
	v1 =	vperm.xlane v1, v3  }
0x119: {  	vm0 =	vcmask $0x3F04;
	s6 =	simm.s32 $0xF208;
	s0 =	simm.s32 @!p0 $0x1;
	p1 =	por !p1, p0  }
0x11a: {  	s3 =	sshll.u32 s16, $0x1;
	s2 =	sshll.u32 @!p0 s4, $0x9;
	s0 =	simm.s32 @p1 $0x0;
	v0 =	vsel vm0, v1, v0  }
0x11b: {  	s5 =	sor.u32 $0x1000, s3;
	s2 =	sshra.s32 @!p0 s2, $0x2;
	s0 =	sor.u32 @!p0 s0, s3;
	[tilespmem:$0xF208] =	vst v0  }
0x11c: {  	[spmem:s5] =	stream.linear.scatter [tilespmem:s6], [sflag:$0x1], $0x2, $0x38;
	[tilespmem:$0x1F6F8] =	vst v63  }
0x11d: {  	s2 =	sadd.s32 @!p0 $0x108, s2;
	s0 =	sshll.u32 @!p0 s0, $0x7  }
0x11e: {  	[spmem:s0] =	stream.linear.scatter @!p0 [tilespmem:s2], [sflag:$0x1], $0x80, $0x38;
	[tilespmem:$0x1F6F8] =	vst v63  }
0x11f: {  	s0 =	simm.s32 @!p0 $0x82  }
0x120: {  	s28 =	simm.s32 $0x1;
	s0 =	simm.s32 @p0 $0x2  }
0x121: {  	_ =	swait.ge [sflag:s28], s0  }
0x122: {  	s0 =	ssub.s32 $0x0, s0;
	[sflag:s28] =	ssyncset.done $0x0  }
0x123: {  	p0 =	sne.s32 s16, $0x0;
	[sflag:s28] =	ssyncadd.s32 s0  }
.Ltmp17:
0x124: {  	_ =	sfence.stream.spmem;
	(pc) =	sbr.rel @p0 .LBB2_39-.Ltmp17, $4  }
0x125: {  	s29 =	simm.s32 $0x3;
	[bflag:$0x0] =	sbarrier.arrive $0xFFFF  }
0x126: {  	s30 =	simm.s32 $0x4;
	[sflag:s29] =	ssyncpa.u1 $0x1  }
0x127: {  	s31 =	simm.s32 $0x3C;
	[sflag:s30] =	ssyncpa.u1 $0x1  }
0x128: {  	s15 =	rddreg [dreg:$0x4];
	[sflag:s31] =	ssyncpa.u1 $0x1  }
0x129: {  	_ =	sfence.stream.spmem;
	s0 =	simm.s32 $0x5  }
0x12a: {  	s2 =	simm.s32 $0x1000;
	s3 =	simm.s32 $0xF218;
	[sflag:s0] =	ssyncpa.u1 $0x0  }
0x12b: {  	[tilespmem:s3], [sflag:$0x5] =	stream.linear.gather [spmem:s2], $0x20, $0x38;
	[tilespmem:$0x1F6F8] =	vst v63  }
0x12c: {  	s26 =	simm.s32 $0x0;
	s28 =	simm.s32 $0xF238  }
0x12d: {  	[tilespmem:s28], [sflag:$0x5] =	stream.linear.gather [spmem:s26], $0x1000, $0x38;
	[tilespmem:$0x1F6F8] =	vst v63  }
0x12e: {  	_ =	swait.ge [sflag:s0], $0x1020  }
0x12f: {  	[sflag:s0] =	ssyncset.done $0x0  }
0x130: {  	s29 =	simm.s32 $0x0;
	[sflag:s0] =	ssyncadd.s32 $0xFFFFEFE0  }
0x131: {  	v0 =	vld.msk [tilespmem:s29+$0xF218], $0x1;
	_ =	sdelay $0x1  }
0x132: {  	s30 =	simm.s32 $0x1  }
0x133: {  	v1 =	vld.msk [tilespmem:s30+$0xF218], $0x1;
	_ =	sdelay $0x1  }
0x134: {  	(v2sf) =	vpush v0, $0x0;
	_ =	sdelay $0x2  }
0x135: {  	(v2sf) =	vpush v1, $0x0;
	_ =	sdelay $0x2  }
0x136: {  	s31 =	simm.s32 $0x2  }
0x137: {  	v0 =	vld.msk [tilespmem:s31+$0xF218], $0x1;
	_ =	sdelay $0x2  }
0x138: {  	s4 =	simm.s32 $0xFFFFFFFF;
	s5 =	simm.s32 $0xFFFFFFFF;
	s0 =	simm.s32 $0xC  }
.LBB2_24:
0x139: {  	s2 =	smov.u32 s5;
	s3 =	smov.u32 s4  }
0x13a: {  	s4 =	sshra.s32 s0, $0x2;
	p1 =	sne.s32 s0, $0x7C;
	s0 =	sadd.s32 $0x4, s0;
	(v2sf) =	vpush v0, $0x0  }
0x13b: {  	v0 =	vld.msk [tilespmem:s4+$0xF218], $0x1  }
.Ltmp18:
0x13c: {  	(pc) =	sbr.rel @p1 .LBB2_24-.Ltmp18, $4  }
0x13d: {  	s5 =	spop (v2sf)  }
0x13e: {  	p2 =	sne.s32 s3, $0xFFFFFFFF;
	s4 =	smov.u32 s5  }
0x13f: {  	p3 =	seq.s32 s5, $0xFFFFFFFF;
	s4 =	smov.u32 @p2 s3  }
0x140: {  	s5 =	smov.u32 @p3 s2;
	s4 =	smov.u32 @p3 s3  }
0x141: {  	(v2sf) =	vpush v0, $0x0;
	_ =	sdelay $0x8  }
0x142: {  	s0 =	spop (v2sf)  }
0x143: {  	p1 =	sne.s32 s4, $0xFFFFFFFF;
	s2 =	smov.u32 s0  }
0x144: {  	s9 =	simm.s32 $0x6;
	p2 =	seq.s32 s0, $0xFFFFFFFF;
	s2 =	smov.u32 @p1 s4  }
0x145: {  	s6 =	simm.s32 $0x0;
	s2 =	smov.u32 @p2 s4;
	s3 =	spop (v2sf)  }
0x146: {  	s0 =	smov.u32 @p2 s5;
	p1 =	sne.s32 s2, $0xFFFFFFFF;
	s4 =	smov.u32 s3  }
.Ltmp19:
0x147: {  	p2 =	seq.s32 s3, $0xFFFFFFFF;
	s4 =	smov.u32 @p1 s2;
	(pc) =	sbr.rel .LBB2_26-.Ltmp19, $4  }
0x148: {  	s10 =	simm.s32 $0xF188;
	s4 =	smov.u32 @p2 s2;
	s7 =	spop (v2sf)  }
0x149: {  	s11 =	simm.s32 $0x0;
	p1 =	sne.s32 s4, $0xFFFFFFFF;
	s8 =	smov.u32 s7  }
0x14a: {  	s3 =	smov.u32 @p2 s0;
	p2 =	seq.s32 s7, $0xFFFFFFFF;
	s8 =	smov.u32 @p1 s4  }
0x14b: {  	[sflag:s9] =	ssyncpa.u1 $0x0;
	s7 =	smov.u32 @p2 s3;
	s8 =	smov.u32 @p2 s4  }
.LBB2_32:
0x14c: {  	p1 =	sgt.u32 s12, $0x1869F0  }
0x14d: {  	p2 =	seq.s32 @!p1 s12, s8  }
0x14e: {  	p1 =	por p1, p2  }
0x14f: {  	p2 =	sne.s32 @!p1 s12, s7  }
0x150: {  	p1 =	por p1, !p2  }
0x151: {  	s0 =	sshll.u32 @p1 s11, $0x9  }
0x152: {  	s0 =	sand.u32 @!p1 $0x1FFFF8, s12  }
0x153: {  	s2 =	sand.u32 @!p1 $0x7, s12;
	s0 =	sadd.s32 @!p1 s1, s0  }
0x154: {  	[tilespmem:s10], [sflag:$0x6] =	stream.linear.gather @!p1 [hbm4b:s0+s2], $0x80, $0x38;
	[tilespmem:$0x1F6F8] =	vst v63  }
0x155: {  	_ =	swait.ge @!p1 [sflag:s9], $0x80  }
0x156: {  	[sflag:s9] =	ssyncset.done @!p1 $0x0  }
0x157: {  	[sflag:s9] =	ssyncadd.s32 @!p1 $0xFFFFFF80  }
0x158: {  	v1 =	vld @!p1 [tilespmem:$0xF188];
	_ =	sdelay $0x2  }
0x159: {  	s0 =	sshll.u32 @!p1 s11, $0x9  }
0x15a: {  	s2 =	sshrl.u32 @!p1 s0, $0x2  }
0x15b: {  	[tilespmem:s2+$0xF238] =	vst.add.f32.msk @!p1 $0xffff, v1  }
0x15c: {  	v1 =	vld @!p1 [tilespmem:$0xF198];
	_ =	sdelay $0x4  }
0x15d: {  	[tilespmem:s2+$0xF248] =	vst.add.f32.msk @!p1 $0xffff, v1  }
0x15e: {  	v1 =	vld @!p1 [tilespmem:$0xF1A8];
	_ =	sdelay $0x4  }
0x15f: {  	[tilespmem:s2+$0xF258] =	vst.add.f32.msk @!p1 $0xffff, v1  }
0x160: {  	v1 =	vld @!p1 [tilespmem:$0xF1B8];
	_ =	sdelay $0x4  }
0x161: {  	[tilespmem:s2+$0xF268] =	vst.add.f32.msk @!p1 $0xffff, v1  }
0x162: {  	v1 =	vld @!p1 [tilespmem:$0xF1C8];
	_ =	sdelay $0x4  }
0x163: {  	[tilespmem:s2+$0xF278] =	vst.add.f32.msk @!p1 $0xffff, v1  }
0x164: {  	v1 =	vld @!p1 [tilespmem:$0xF1D8];
	_ =	sdelay $0x4  }
0x165: {  	[tilespmem:s2+$0xF288] =	vst.add.f32.msk @!p1 $0xffff, v1  }
0x166: {  	v1 =	vld @!p1 [tilespmem:$0xF1E8];
	_ =	sdelay $0x4  }
0x167: {  	[tilespmem:s2+$0xF298] =	vst.add.f32.msk @!p1 $0xffff, v1  }
0x168: {  	v1 =	vld @!p1 [tilespmem:$0xF1F8];
	_ =	sdelay $0x4  }
0x169: {  	[tilespmem:s2+$0xF2A8] =	vst.add.f32.msk @!p1 $0xffff, v1  }
0x16a: {  	s0 =	sshrl.u32 s0, $0x2;
	[tilespmem:s6+$0xF218] =	vst.msk $0x1, v0  }
0x16b: {  	v0 =	vld [tilespmem:s0+$0xF238];
	_ =	sdelay $0x2  }
0x16c: {  	s31 =	sshll.u32 s6, $0x9  }
0x16d: {  	s2 =	sshra.s32 s31, $0x2  }
0x16e: {  	[tilespmem:s2+$0xF238] =	vst v0  }
0x16f: {  	v0 =	vld [tilespmem:s0+$0xF248];
	_ =	sdelay $0x4  }
0x170: {  	[tilespmem:s2+$0xF248] =	vst v0  }
0x171: {  	v0 =	vld [tilespmem:s0+$0xF258];
	_ =	sdelay $0x4  }
0x172: {  	[tilespmem:s2+$0xF258] =	vst v0  }
0x173: {  	v0 =	vld [tilespmem:s0+$0xF268];
	_ =	sdelay $0x4  }
0x174: {  	[tilespmem:s2+$0xF268] =	vst v0  }
0x175: {  	v0 =	vld [tilespmem:s0+$0xF278];
	_ =	sdelay $0x4  }
0x176: {  	[tilespmem:s2+$0xF278] =	vst v0  }
0x177: {  	v0 =	vld [tilespmem:s0+$0xF288];
	_ =	sdelay $0x4  }
0x178: {  	[tilespmem:s2+$0xF288] =	vst v0  }
0x179: {  	v0 =	vld [tilespmem:s0+$0xF298];
	_ =	sdelay $0x4  }
0x17a: {  	[tilespmem:s2+$0xF298] =	vst v0  }
0x17b: {  	v0 =	vld [tilespmem:s0+$0xF2A8];
	_ =	sdelay $0x4  }
0x17c: {  	s6 =	sadd.s32 $0x1, s6;
	[tilespmem:s2+$0xF2A8] =	vst v0  }
.LBB2_33:
0x17d: {  	s11 =	sadd.s32 $0x1, s11  }
0x17e: {  	p1 =	sne.s32 s11, $0x20  }
.Ltmp20:
0x17f: {  	_ = 	snop;
	(pc) =	sbr.rel @!p1 .LBB2_34-.Ltmp20, $1  }
0x180: {  	_ =	sdelay $0x3  }
.LBB2_26:
0x181: {  	v0 =	vld.msk [tilespmem:s11+$0xF218], $0x1;
	_ =	sdelay $0x4  }
0x182: {  	(v2sf) =	vpush v0, $0x0;
	_ =	sdelay $0xe  }
0x183: {  	s12 =	spop (v2sf)  }
0x184: {  	p1 =	seq.s32 s12, $0xFFFFFFFF  }
.Ltmp21:
0x185: {  	_ = 	snop;
	(pc) =	sbr.rel @p1 .LBB2_33-.Ltmp21, $1  }
0x186: {  	_ =	sdelay $0x3  }
0x187: {  	p1 =	slt.s32 s6, $0x1  }
.Ltmp22:
0x188: {  	_ = 	snop;
	(pc) =	sbr.rel @p1 .LBB2_32-.Ltmp22, $1  }
0x189: {  	_ =	sdelay $0x3  }
0x18a: {  	s13 =	simm.s32 $0xF218;
	p1 =	por $0x0, $0x0  }
0x18b: {  	v1 =	vld.msk @!p1 [tilespmem:s13+$0x0], $0x1;
	_ =	sdelay $0x4  }
0x18c: {  	(v2sf) =	vpush @!p1 v1, $0x0;
	_ =	sdelay $0xd  }
0x18d: {  	p3 =	sne.s32 s6, $0x1  }
.Ltmp23:
0x18e: {  	s0 =	spop @!p1 (v2sf);
	(pc) =	sbr.rel @!p3 .LBB2_30-.Ltmp23, $4  }
0x18f: {  	p2 =	seq.s32 @!p1 s12, s0  }
0x190: {  	s14 =	simm.s32 $0x0;
	p2 =	por !p2, p1  }
0x191: {  	s2 =	simm.s32 $0xFFFFFFFF;
	s14 =	simm.s32 @p2 $0xFFFFFFFF  }
0x192: {  	s0 =	simm.s32 $0x1;
	s14 =	smov.u32 @p1 s2  }
.LBB2_29:
0x193: {  	s2 =	smov.u32 s14;
	p1 =	sne.s32 s14, $0xFFFFFFFF  }
0x194: {  	s13 =	sadd.s32 $0x1, s13;
	s14 =	smov.u32 s0;
	s0 =	sadd.s32 $0x1, s0  }
0x195: {  	p2 =	sne.s32 s6, s0;
	v1 =	vld.msk @!p1 [tilespmem:s13+$0x0], $0x1;
	_ =	sdelay $0x4  }
0x196: {  	(v2sf) =	vpush @!p1 v1, $0x0;
	_ =	sdelay $0xe  }
.Ltmp24:
0x197: {  	s3 =	spop @!p1 (v2sf);
	(pc) =	sbr.rel @p2 .LBB2_29-.Ltmp24, $4  }
0x198: {  	p3 =	seq.s32 @!p1 s12, s3  }
0x199: {  	p3 =	por !p3, p1  }
0x19a: {  	s14 =	simm.s32 @p3 $0xFFFFFFFF  }
0x19b: {  	s14 =	smov.u32 @p1 s2  }
.LBB2_30:
0x19c: {  	p1 =	seq.s32 s14, $0xFFFFFFFF  }
.Ltmp25:
0x19d: {  	_ = 	snop;
	(pc) =	sbr.rel @p1 .LBB2_32-.Ltmp25, $1  }
0x19e: {  	_ =	sdelay $0x3  }
0x19f: {  	s0 =	sshll.u32 s11, $0x7  }
0x1a0: {  	s0 =	sand.u32 $0x3FFFFF80, s0  }
0x1a1: {  	v0 =	vld [tilespmem:s0+$0xF238];
	_ =	sdelay $0x2  }
0x1a2: {  	s2 =	sshll.u32 s14, $0x9  }
0x1a3: {  	s2 =	sshra.s32 s2, $0x2  }
0x1a4: {  	[tilespmem:s2+$0xF238] =	vst.add.f32.msk $0xffff, v0  }
0x1a5: {  	v0 =	vld [tilespmem:s0+$0xF248];
	_ =	sdelay $0x4  }
0x1a6: {  	[tilespmem:s2+$0xF248] =	vst.add.f32.msk $0xffff, v0  }
0x1a7: {  	v0 =	vld [tilespmem:s0+$0xF258];
	_ =	sdelay $0x4  }
0x1a8: {  	[tilespmem:s2+$0xF258] =	vst.add.f32.msk $0xffff, v0  }
0x1a9: {  	v0 =	vld [tilespmem:s0+$0xF268];
	_ =	sdelay $0x4  }
0x1aa: {  	[tilespmem:s2+$0xF268] =	vst.add.f32.msk $0xffff, v0  }
0x1ab: {  	v0 =	vld [tilespmem:s0+$0xF278];
	_ =	sdelay $0x4  }
0x1ac: {  	[tilespmem:s2+$0xF278] =	vst.add.f32.msk $0xffff, v0  }
0x1ad: {  	v0 =	vld [tilespmem:s0+$0xF288];
	_ =	sdelay $0x4  }
0x1ae: {  	[tilespmem:s2+$0xF288] =	vst.add.f32.msk $0xffff, v0  }
0x1af: {  	v0 =	vld [tilespmem:s0+$0xF298];
	_ =	sdelay $0x4  }
0x1b0: {  	[tilespmem:s2+$0xF298] =	vst.add.f32.msk $0xffff, v0  }
0x1b1: {  	v0 =	vld [tilespmem:s0+$0xF2A8]  }
.Ltmp26:
0x1b2: {  	_ = 	snop;
	(pc) =	sbr.rel .LBB2_33-.Ltmp26, $2  }
0x1b3: {  	_ =	sdelay $0x2  }
0x1b4: {  	[tilespmem:s2+$0xF2A8] =	vst.add.f32.msk $0xffff, v0  }
.LBB2_34:
0x1b5: {  	s0 =	simm.s32 $0x6;
	p1 =	seq.s32 s6, $0x0  }
0x1b6: {  	[sflag:s0] =	ssyncpa.u1 $0x1;
	v0 =	vimm.s32 @p1 $0xFFFFFFFF  }
0x1b7: {  	s9 =	sadd.s32 $0xFFFFFFFF, s6;
	[tilespmem:$0x10238] =	vst @p1 v0  }
0x1b8: {  	v0 =	vld.msk @!p1 [tilespmem:s9+$0xF218], $0x1;
	_ =	sdelay $0x1  }
0x1b9: {  	v1 =	vld.msk @!p1 [tilespmem:$0xF218], $0x1;
	_ =	sdelay $0x2  }
0x1ba: {  	p2 =	seq.s32 @!p1 s9, $0x0;
	v0 =	vbroadcast @!p1 v0, $0x0  }
0x1bb: {  	vm0 =	vmmov @!p1 $0x1;
	p2 =	por !p2, p1  }
0x1bc: {  	v1 =	vnsel @!p1 vm0, $0xFFFFFFFF, v1;
	vm0 =	vcmask @!p1 $0x308;
	v0 =	vpsel !p2, $0xFFFFFFFF, v0  }
0x1bd: {  	p2 =	sne.s32 @!p1 s8, s7;
	v0 =	vsel @!p1 vm0, v1, v0  }
0x1be: {  	s0 =	simm.s32 @!p1 $0xF238;
	s2 =	simm.s32 @!p1 $0x0;
	p3 =	por !p2, p1;
	[tilespmem:$0x10238] =	vst @!p1 v0  }
0x1bf: {  	[spmem:s2] =	stream.linear.scatter @!p1 [tilespmem:s0], [sflag:$0x1], $0x80, $0x38;
	[tilespmem:$0x1F6F8] =	vst v63  }
0x1c0: {  	s0 =	sshll.u32 @!p3 s9, $0x9  }
0x1c1: {  	s0 =	sshra.s32 @!p3 s0, $0x2  }
0x1c2: {  	s2 =	simm.s32 @!p3 $0x80;
	s0 =	sadd.s32 @!p3 $0xF238, s0  }
0x1c3: {  	[spmem:s2] =	stream.linear.scatter @!p3 [tilespmem:s0], [sflag:$0x1], $0x80, $0x38;
	[tilespmem:$0x1F6F8] =	vst v63  }
0x1c4: {  	s0 =	simm.s32 @!p3 $0x1  }
0x1c5: {  	_ =	swait.ge @!p3 [sflag:s0], $0x100  }
0x1c6: {  	p1 =	por p2, p1;
	[sflag:s0] =	ssyncset.done @!p3 $0x0  }
0x1c7: {  	[sflag:s0] =	ssyncadd.s32 @!p3 $0xFFFFFF00;
	s0 =	simm.s32 @!p1 $0x1  }
0x1c8: {  	_ =	swait.ge @!p1 [sflag:s0], $0x80  }
0x1c9: {  	s29 =	simm.s32 $0x10238;
	[sflag:s0] =	ssyncset.done @!p1 $0x0  }
0x1ca: {  	s30 =	simm.s32 $0x1000;
	s31 =	simm.s32 $0x1;
	[sflag:s0] =	ssyncadd.s32 @!p1 $0xFFFFFF80  }
0x1cb: {  	[spmem:s30] =	stream.linear.scatter [tilespmem:s29], [sflag:$0x1], $0x10, $0x38;
	[tilespmem:$0x1F6F8] =	vst v63  }
0x1cc: {  	_ =	swait.ge [sflag:s31], $0x10  }
0x1cd: {  	[sflag:s31] =	ssyncset.done $0x0  }
0x1ce: {  	p1 =	seq.s32 s15, $0x0;
	s8 =	rddreg [dreg:$0x1];
	[sflag:s31] =	ssyncadd.s32 $0xFFFFFFF0  }
0x1cf: {  	s2 =	sshll.u32 @p1 s8, $0xE;
	s7 =	rddreg [dreg:$0x2]  }
0x1d0: {  	s0 =	sadd.s32 @p1 $0x15C3C, s2;
	s2 =	sshll.u32 @p1 s7, $0x11  }
0x1d1: {  	_ =	sfence.stream.spmem;
	s0 =	sor.u32 @p1 s2, s0  }
0x1d2: {  	[sflag:s0] =	ssyncadd.remote.s32 @p1 $0x1;
	s0 =	simm.s32 @p1 $0x4  }
0x1d3: {  	s3 =	simm.s32 @!p1 $0x3C;
	s2 =	sand.u32 $0xFFFFFFFE, s8;
	_ =	swait.ge @p1 [sflag:s0], $0x22  }
0x1d4: {  	s4 =	simm.s32 @!p1 $0x0;
	s2 =	sadd.s32 @!p1 $0x4, s2;
	[sflag:s0] =	ssyncset.done @p1 $0x0  }
0x1d5: {  	s5 =	simm.s32 @!p1 $0x100;
	[sflag:s0] =	ssyncadd.s32 @p1 $0xFFFFFFDE;
	s0 =	sshll.u32 @!p1 s2, $0x1A  }
0x1d6: {  	s2 =	sshll.u32 @!p1 s2, $0xD;
	s0 =	sor.u32 @!p1 s0, s7;
	_ =	swait.eq @!p1 [sflag:s3], $0x1  }
0x1d7: {  	s2 =	sor.u32 @!p1 $0x1C04, s2;
	s3 =	simm.s32 @!p1 $0x1C03;
	s0 =	sor.u32 @!p1 $0x80004000, s0  }
0x1d8: {  	[spmem:s5], [sflag:s2] =	dma.general @!p1 [spmem:s4], [sflag:s3], length:$0x20, [dreg:$0x0], stride_count:$0x0, ici_dest:s0, dma_misc:DstOpCode:WRITE  }
0x1d9: {  	p2 =	slt.s32 s9, $0x2;
	s4 =	simm.s32 @!p1 $0x200;
	s5 =	simm.s32 @!p1 $0x202  }
0x1da: {  	[spmem:s5], [sflag:s2] =	dma.general @!p1 [spmem:s4], [sflag:s3], length:$0x2, [dreg:$0x0], stride_count:$0x0, ici_dest:s0, dma_misc:DstOpCode:WRITE  }
.Ltmp27:
0x1db: {  	s0 =	simm.s32 @!p1 $0x3;
	(pc) =	sbr.rel @p2 .LBB2_38-.Ltmp27, $4  }
0x1dc: {  	s2 =	sshll.u32 @!p1 s8, $0xE;
	_ =	swait.ge @!p1 [sflag:s0], $0x22  }
0x1dd: {  	s3 =	sshll.u32 @!p1 s7, $0x11;
	s2 =	sadd.s32 @!p1 $0x11C3C, s2;
	[sflag:s0] =	ssyncset.done @!p1 $0x0  }
0x1de: {  	[sflag:s0] =	ssyncadd.s32 @!p1 $0xFFFFFFDE;
	s0 =	sor.u32 @!p1 s3, s2  }
0x1df: {  	[sflag:s0] =	ssyncadd.remote.s32 @!p1 $0xFFFFFFFF;
	s0 =	simm.s32 $0x0  }
0x1e0: {  	s0 =	simm.s32 $0xF219  }
0x1e1: {  	v0 =	vld.msk [tilespmem:s0+$0x0], $0x1;
	_ =	sdelay $0x4  }
0x1e2: {  	(v2sf) =	vpush v0, $0x0;
	_ =	sdelay $0xb  }
0x1e3: {  	s31 =	sadd.s32 $0xFFFFFFFE, s6  }
0x1e4: {  	s0 =	sadd.s32 $0xFFFFFFFF, s31  }
0x1e5: {  	p2 =	sne.s32 s0, $0x0  }
.Ltmp28:
0x1e6: {  	s2 =	spop (v2sf);
	(pc) =	sbr.rel @!p2 .LBB2_37-.Ltmp28, $4  }
0x1e7: {  	s4 =	simm.s32 $0xF2B8;
	s7 =	simm.s32 $0x0;
	p1 =	sgt.u32 s2, $0x1869F0  }
0x1e8: {  	s5 =	simm.s32 $0x0;
	s6 =	simm.s32 $0xF21A;
	s3 =	sand.u32 @!p1 $0x1FFFF8, s2  }
0x1e9: {  	s2 =	sand.u32 @!p1 $0x7, s2;
	s7 =	simm.s32 @!p1 $0x200;
	s3 =	sadd.s32 @!p1 s1, s3  }
0x1ea: {  	[hbm4b:s3+s2] =	stream.linear.scatter @!p1 [tilespmem:s4], [sflag:$0x5], $0x80, $0x38;
	[tilespmem:$0x1F6F8] =	vst v63  }
.LBB2_36:
0x1eb: {  	v0 =	vld.msk [tilespmem:s6+$0x0], $0x1;
	s0 =	sadd.s32 $0xFFFFFFFF, s0;
	s5 =	sadd.s32 s5, s7  }
0x1ec: {  	p1 =	sne.s32 s0, $0x0;
	_ =	sdelay $0x3  }
0x1ed: {  	(v2sf) =	vpush v0, $0x0;
	_ =	sdelay $0xe  }
.Ltmp29:
0x1ee: {  	s2 =	spop (v2sf);
	(pc) =	sbr.rel @p1 .LBB2_36-.Ltmp29, $4  }
0x1ef: {  	s7 =	simm.s32 $0x0;
	p2 =	sgt.u32 s2, $0x1869F0  }
0x1f0: {  	s4 =	sadd.s32 $0x80, s4;
	s7 =	simm.s32 @!p2 $0x200;
	s3 =	sand.u32 @!p2 $0x1FFFF8, s2  }
0x1f1: {  	s6 =	sadd.s32 $0x1, s6;
	s2 =	sand.u32 @!p2 $0x7, s2;
	s3 =	sadd.s32 @!p2 s1, s3  }
0x1f2: {  	[hbm4b:s3+s2] =	stream.linear.scatter @!p2 [tilespmem:s4], [sflag:$0x5], $0x80, $0x38;
	[tilespmem:$0x1F6F8] =	vst v63  }
.LBB2_37:
0x1f3: {  	s0 =	sadd.s32 s5, s7  }
0x1f4: {  	s0 =	sshrl.u32 s0, $0x2  }
.LBB2_38:
0x1f5: {  	s2 =	simm.s32 $0x5  }
0x1f6: {  	_ =	swait.ge [sflag:s2], s0  }
0x1f7: {  	s31 =	ssub.s32 $0x0, s0;
	[sflag:s2] =	ssyncset.done $0x0  }
0x1f8: {  	[sflag:s2] =	ssyncadd.s32 s31  }
0x1f9: {  	[sflag:s2] =	ssyncpa.u1 $0x1  }
.LBB2_39:
0x1fa: {  	s0 =	sor.u32 s15, s16  }
0x1fb: {  	p1 =	sne.s32 s0, $0x0  }
.Ltmp30:
0x1fc: {  	_ = 	snop;
	(pc) =	sbr.rel @p1 .LBB2_54-.Ltmp30, $3  }
0x1fd: {  	_ =	sdelay $0x1  }
0x1fe: {  	[bflag:$0x0] =	sbarrier.arrive $0xFFFF  }
0x1ff: {  	_ =	sfence  }
0x200: {  	s0 =	simm.s32 $0x7  }
0x201: {  	s2 =	simm.s32 $0x1000;
	s3 =	simm.s32 $0xF218;
	[sflag:s0] =	ssyncpa.u1 $0x0  }
0x202: {  	[tilespmem:s3], [sflag:$0x7] =	stream.linear.gather [spmem:s2], $0x20, $0x38;
	[tilespmem:$0x1F6F8] =	vst v63  }
0x203: {  	s30 =	simm.s32 $0xF238;
	s2 =	simm.s32 $0x0  }
0x204: {  	[tilespmem:s30], [sflag:$0x7] =	stream.linear.gather [spmem:s2], $0x1000, $0x38;
	[tilespmem:$0x1F6F8] =	vst v63  }
.Ltmp31:
0x205: {  	_ = 	snop;
	(pc) =	sbr.rel .LBB2_41-.Ltmp31, $4  }
0x206: {  	_ =	swait.ge [sflag:s0], $0x1020  }
0x207: {  	[sflag:s0] =	ssyncset.done $0x0  }
0x208: {  	s31 =	simm.s32 $0x8;
	[sflag:s0] =	ssyncadd.s32 $0xFFFFEFE0  }
0x209: {  	s3 =	simm.s32 $0x0;
	[sflag:s31] =	ssyncpa.u1 $0x0  }
.LBB2_47:
0x20a: {  	p1 =	slt.u32 s4, $0x1869F1  }
0x20b: {  	s0 =	sand.u32 @p1 $0x1FFFF8, s4  }
0x20c: {  	s4 =	sand.u32 @p1 $0x7, s4;
	s5 =	simm.s32 @p1 $0xF188;
	s0 =	sadd.s32 @p1 s1, s0  }
0x20d: {  	[tilespmem:s5], [sflag:$0x8] =	stream.linear.gather @p1 [hbm4b:s0+s4], $0x80, $0x38;
	[tilespmem:$0x1F6F8] =	vst v63  }
0x20e: {  	s0 =	simm.s32 @p1 $0x8  }
0x20f: {  	_ =	swait.ge @p1 [sflag:s0], $0x80  }
0x210: {  	[sflag:s0] =	ssyncset.done @p1 $0x0  }
0x211: {  	[sflag:s0] =	ssyncadd.s32 @p1 $0xFFFFFF80  }
0x212: {  	v1 =	vld @p1 [tilespmem:$0xF188];
	_ =	sdelay $0x2  }
0x213: {  	s0 =	sshll.u32 @p1 s3, $0x9  }
0x214: {  	s4 =	sshrl.u32 @p1 s0, $0x2  }
0x215: {  	[tilespmem:s4+$0xF238] =	vst.add.f32.msk @p1 $0xffff, v1  }
0x216: {  	v1 =	vld @p1 [tilespmem:$0xF198];
	_ =	sdelay $0x4  }
0x217: {  	[tilespmem:s4+$0xF248] =	vst.add.f32.msk @p1 $0xffff, v1  }
0x218: {  	v1 =	vld @p1 [tilespmem:$0xF1A8];
	_ =	sdelay $0x4  }
0x219: {  	[tilespmem:s4+$0xF258] =	vst.add.f32.msk @p1 $0xffff, v1  }
0x21a: {  	v1 =	vld @p1 [tilespmem:$0xF1B8];
	_ =	sdelay $0x4  }
0x21b: {  	[tilespmem:s4+$0xF268] =	vst.add.f32.msk @p1 $0xffff, v1  }
0x21c: {  	v1 =	vld @p1 [tilespmem:$0xF1C8];
	_ =	sdelay $0x4  }
0x21d: {  	[tilespmem:s4+$0xF278] =	vst.add.f32.msk @p1 $0xffff, v1  }
0x21e: {  	v1 =	vld @p1 [tilespmem:$0xF1D8];
	_ =	sdelay $0x4  }
0x21f: {  	[tilespmem:s4+$0xF288] =	vst.add.f32.msk @p1 $0xffff, v1  }
0x220: {  	v1 =	vld @p1 [tilespmem:$0xF1E8];
	_ =	sdelay $0x4  }
0x221: {  	[tilespmem:s4+$0xF298] =	vst.add.f32.msk @p1 $0xffff, v1  }
0x222: {  	v1 =	vld @p1 [tilespmem:$0xF1F8];
	_ =	sdelay $0x3  }
0x223: {  	s5 =	sshll.u32 @!p1 s3, $0x9  }
0x224: {  	s5 =	smov.u32 @p1 s0;
	[tilespmem:s4+$0xF2A8] =	vst.add.f32.msk @p1 $0xffff, v1  }
0x225: {  	s0 =	sshrl.u32 s5, $0x2;
	[tilespmem:s2+$0xF218] =	vst.msk $0x1, v0  }
0x226: {  	v0 =	vld [tilespmem:s0+$0xF238];
	_ =	sdelay $0x2  }
0x227: {  	s31 =	sshll.u32 s2, $0x9  }
0x228: {  	s4 =	sshra.s32 s31, $0x2  }
0x229: {  	[tilespmem:s4+$0xF238] =	vst v0  }
0x22a: {  	v0 =	vld [tilespmem:s0+$0xF248];
	_ =	sdelay $0x4  }
0x22b: {  	[tilespmem:s4+$0xF248] =	vst v0  }
0x22c: {  	v0 =	vld [tilespmem:s0+$0xF258];
	_ =	sdelay $0x4  }
0x22d: {  	[tilespmem:s4+$0xF258] =	vst v0  }
0x22e: {  	v0 =	vld [tilespmem:s0+$0xF268];
	_ =	sdelay $0x4  }
0x22f: {  	[tilespmem:s4+$0xF268] =	vst v0  }
0x230: {  	v0 =	vld [tilespmem:s0+$0xF278];
	_ =	sdelay $0x4  }
0x231: {  	[tilespmem:s4+$0xF278] =	vst v0  }
0x232: {  	v0 =	vld [tilespmem:s0+$0xF288];
	_ =	sdelay $0x4  }
0x233: {  	[tilespmem:s4+$0xF288] =	vst v0  }
0x234: {  	v0 =	vld [tilespmem:s0+$0xF298];
	_ =	sdelay $0x4  }
0x235: {  	[tilespmem:s4+$0xF298] =	vst v0  }
0x236: {  	v0 =	vld [tilespmem:s0+$0xF2A8];
	_ =	sdelay $0x4  }
0x237: {  	s2 =	sadd.s32 $0x1, s2;
	[tilespmem:s4+$0xF2A8] =	vst v0  }
.LBB2_48:
0x238: {  	s3 =	sadd.s32 $0x1, s3  }
0x239: {  	p1 =	sne.s32 s3, $0x20  }
.Ltmp32:
0x23a: {  	_ = 	snop;
	(pc) =	sbr.rel @!p1 .LBB2_49-.Ltmp32, $1  }
0x23b: {  	_ =	sdelay $0x3  }
.LBB2_41:
0x23c: {  	v0 =	vld.msk [tilespmem:s3+$0xF218], $0x1;
	_ =	sdelay $0x4  }
0x23d: {  	(v2sf) =	vpush v0, $0x0;
	_ =	sdelay $0xe  }
0x23e: {  	s4 =	spop (v2sf)  }
0x23f: {  	p1 =	seq.s32 s4, $0xFFFFFFFF  }
.Ltmp33:
0x240: {  	_ = 	snop;
	(pc) =	sbr.rel @p1 .LBB2_48-.Ltmp33, $1  }
0x241: {  	_ =	sdelay $0x3  }
0x242: {  	p1 =	slt.s32 s2, $0x1  }
.Ltmp34:
0x243: {  	_ = 	snop;
	(pc) =	sbr.rel @p1 .LBB2_47-.Ltmp34, $1  }
0x244: {  	_ =	sdelay $0x3  }
0x245: {  	s5 =	simm.s32 $0xF218;
	p1 =	por $0x0, $0x0  }
0x246: {  	v1 =	vld.msk @!p1 [tilespmem:s5+$0x0], $0x1;
	_ =	sdelay $0x4  }
0x247: {  	(v2sf) =	vpush @!p1 v1, $0x0;
	_ =	sdelay $0xd  }
0x248: {  	p3 =	sne.s32 s2, $0x1  }
.Ltmp35:
0x249: {  	s0 =	spop @!p1 (v2sf);
	(pc) =	sbr.rel @!p3 .LBB2_45-.Ltmp35, $4  }
0x24a: {  	p2 =	seq.s32 @!p1 s4, s0  }
0x24b: {  	s6 =	simm.s32 $0x0;
	p2 =	por !p2, p1  }
0x24c: {  	s7 =	simm.s32 $0xFFFFFFFF;
	s6 =	simm.s32 @p2 $0xFFFFFFFF  }
0x24d: {  	s0 =	simm.s32 $0x1;
	s6 =	smov.u32 @p1 s7  }
.LBB2_44:
0x24e: {  	s7 =	smov.u32 s6;
	p1 =	sne.s32 s6, $0xFFFFFFFF  }
0x24f: {  	s5 =	sadd.s32 $0x1, s5;
	s6 =	smov.u32 s0;
	s0 =	sadd.s32 $0x1, s0  }
0x250: {  	p2 =	sne.s32 s2, s0;
	v1 =	vld.msk @!p1 [tilespmem:s5+$0x0], $0x1;
	_ =	sdelay $0x4  }
0x251: {  	(v2sf) =	vpush @!p1 v1, $0x0;
	_ =	sdelay $0xe  }
.Ltmp36:
0x252: {  	s8 =	spop @!p1 (v2sf);
	(pc) =	sbr.rel @p2 .LBB2_44-.Ltmp36, $4  }
0x253: {  	p3 =	seq.s32 @!p1 s4, s8  }
0x254: {  	p3 =	por !p3, p1  }
0x255: {  	s6 =	simm.s32 @p3 $0xFFFFFFFF  }
0x256: {  	s6 =	smov.u32 @p1 s7  }
.LBB2_45:
0x257: {  	p1 =	seq.s32 s6, $0xFFFFFFFF  }
.Ltmp37:
0x258: {  	_ = 	snop;
	(pc) =	sbr.rel @p1 .LBB2_47-.Ltmp37, $1  }
0x259: {  	_ =	sdelay $0x3  }
0x25a: {  	s0 =	sshll.u32 s3, $0x7  }
0x25b: {  	s0 =	sand.u32 $0x3FFFFF80, s0  }
0x25c: {  	v0 =	vld [tilespmem:s0+$0xF238];
	_ =	sdelay $0x2  }
0x25d: {  	s4 =	sshll.u32 s6, $0x9  }
0x25e: {  	s4 =	sshra.s32 s4, $0x2  }
0x25f: {  	[tilespmem:s4+$0xF238] =	vst.add.f32.msk $0xffff, v0  }
0x260: {  	v0 =	vld [tilespmem:s0+$0xF248];
	_ =	sdelay $0x4  }
0x261: {  	[tilespmem:s4+$0xF248] =	vst.add.f32.msk $0xffff, v0  }
0x262: {  	v0 =	vld [tilespmem:s0+$0xF258];
	_ =	sdelay $0x4  }
0x263: {  	[tilespmem:s4+$0xF258] =	vst.add.f32.msk $0xffff, v0  }
0x264: {  	v0 =	vld [tilespmem:s0+$0xF268];
	_ =	sdelay $0x4  }
0x265: {  	[tilespmem:s4+$0xF268] =	vst.add.f32.msk $0xffff, v0  }
0x266: {  	v0 =	vld [tilespmem:s0+$0xF278];
	_ =	sdelay $0x4  }
0x267: {  	[tilespmem:s4+$0xF278] =	vst.add.f32.msk $0xffff, v0  }
0x268: {  	v0 =	vld [tilespmem:s0+$0xF288];
	_ =	sdelay $0x4  }
0x269: {  	[tilespmem:s4+$0xF288] =	vst.add.f32.msk $0xffff, v0  }
0x26a: {  	v0 =	vld [tilespmem:s0+$0xF298];
	_ =	sdelay $0x4  }
0x26b: {  	[tilespmem:s4+$0xF298] =	vst.add.f32.msk $0xffff, v0  }
0x26c: {  	v0 =	vld [tilespmem:s0+$0xF2A8]  }
.Ltmp38:
0x26d: {  	_ = 	snop;
	(pc) =	sbr.rel .LBB2_48-.Ltmp38, $2  }
0x26e: {  	_ =	sdelay $0x2  }
0x26f: {  	[tilespmem:s4+$0xF2A8] =	vst.add.f32.msk $0xffff, v0  }
.LBB2_49:
0x270: {  	p1 =	slt.s32 s2, $0x1  }
.Ltmp39:
0x271: {  	_ = 	snop;
	(pc) =	sbr.rel @p1 .LBB2_53-.Ltmp39, $3  }
0x272: {  	_ =	sdelay $0x1  }
0x273: {  	s0 =	simm.s32 $0x8  }
0x274: {  	s3 =	simm.s32 $0x0;
	[sflag:s0] =	ssyncpa.u1 $0x1  }
0x275: {  	s0 =	simm.s32 $0xF218  }
0x276: {  	v0 =	vld.msk [tilespmem:s0+$0x0], $0x1;
	_ =	sdelay $0x4  }
0x277: {  	(v2sf) =	vpush v0, $0x0;
	_ =	sdelay $0xe  }
0x278: {  	s0 =	sadd.s32 $0xFFFFFFFF, s2;
	s5 =	spop (v2sf)  }
0x279: {  	p2 =	sne.s32 s0, $0x0;
	p1 =	sgt.u32 s5, $0x1869F0  }
.Ltmp40:
0x27a: {  	s6 =	sand.u32 @!p1 $0x1FFFF8, s5;
	(pc) =	sbr.rel @!p2 .LBB2_52-.Ltmp40, $4  }
0x27b: {  	s4 =	simm.s32 $0xF238;
	s5 =	sand.u32 @!p1 $0x7, s5;
	s2 =	sadd.s32 @!p1 s1, s6  }
0x27c: {  	[hbm4b:s2+s5] =	stream.linear.scatter @!p1 [tilespmem:s4], [sflag:$0x7], $0x80, $0x38;
	[tilespmem:$0x1F6F8] =	vst v63  }
0x27d: {  	s5 =	simm.s32 $0x0  }
0x27e: {  	s2 =	simm.s32 $0xF219;
	s5 =	simm.s32 @!p1 $0x200  }
.LBB2_51:
0x27f: {  	v0 =	vld.msk [tilespmem:s2+$0x0], $0x1;
	s0 =	sadd.s32 $0xFFFFFFFF, s0;
	s3 =	sadd.s32 s3, s5  }
0x280: {  	p1 =	sne.s32 s0, $0x0;
	_ =	sdelay $0x3  }
0x281: {  	(v2sf) =	vpush v0, $0x0;
	_ =	sdelay $0xe  }
.Ltmp41:
0x282: {  	s6 =	spop (v2sf);
	(pc) =	sbr.rel @p1 .LBB2_51-.Ltmp41, $4  }
0x283: {  	s5 =	simm.s32 $0x0;
	p2 =	sgt.u32 s6, $0x1869F0  }
0x284: {  	s4 =	sadd.s32 $0x80, s4;
	s5 =	simm.s32 @!p2 $0x200;
	s7 =	sand.u32 @!p2 $0x1FFFF8, s6  }
0x285: {  	s2 =	sadd.s32 $0x1, s2;
	s6 =	sand.u32 @!p2 $0x7, s6;
	s7 =	sadd.s32 @!p2 s1, s7  }
0x286: {  	[hbm4b:s7+s6] =	stream.linear.scatter @!p2 [tilespmem:s4], [sflag:$0x7], $0x80, $0x38;
	[tilespmem:$0x1F6F8] =	vst v63  }
.LBB2_52:
0x287: {  	s0 =	sadd.s32 s3, s5  }
0x288: {  	s3 =	sshrl.u32 s0, $0x2  }
.LBB2_53:
0x289: {  	s0 =	simm.s32 $0x7  }
0x28a: {  	_ =	swait.ge [sflag:s0], s3  }
0x28b: {  	s1 =	ssub.s32 $0x0, s3;
	[sflag:s0] =	ssyncset.done $0x0  }
0x28c: {  	[sflag:s0] =	ssyncadd.s32 s1  }
0x28d: {  	[sflag:s0] =	ssyncpa.u1 $0x1  }
.LBB2_54:
0x28e: {  	_ =	sfence;
	s0 =	simm.s32 $0x1  }
0x28f: {  	[sflag:s0] =	ssyncpa.u1 $0x1  }
0x290: {  	_ =	strace $0x90000056  }
0x291: {  	[bflag:$0x2] =	sbarrier.arrive $0xFFFF  }
0x292: {  	s0 =	rddreg [dreg:$0x3]  }
0x293: {  	s0 =	sadd.s32 @!p0 $0x100000, s0  }
0x294: {  	[sflag:s0] =	ssyncadd.tile.s32 @!p0 $0x1;
	_ =	shalt  }
.Lfunc_end2:
_tile_overlayer_lowered:
.L_overlay_start_2:
0x295: {  	(tag) =	ssettag $0x2  }
0x296: {  	s0 =	rddreg [dreg:$0x0];
	s2 =	stileid.u32  }
0x297: {  	s1 =	rddreg [dreg:$0x1];
	p0 =	sne.s32 s2, $0x0  }
0x298: {  	s3 =	rddreg [dreg:$0x2];
	[bflag:$0x3] =	sbarrier.arrive $0xFFFF;
	s2 =	simm.s32 @!p0 $0x1C01  }
0x299: {  	[timem:s3], [sflag:s2] =	dma.local @!p0 [hbm:s0], s1  }
0x29a: {  	s0 =	simm.s32 @!p0 $0x1  }
0x29b: {  	_ =	swait.ge @!p0 [sflag:s0], s1  }
0x29c: {  	s1 =	ssub.s32 @!p0 $0x0, s1;
	[sflag:s0] =	ssyncset.done @!p0 $0x0  }
0x29d: {  	[sflag:s0] =	ssyncadd.s32 @!p0 s1  }
0x29e: {  	[bflag:$0x3] =	sbarrier.arrive $0xFFFF  }
0x29f: {  	_ =	shalt  }

// kernel: scatter_offload_async_start
scs
__scs_entry_jumppad:
0x0: {  	(pc) =	sbr.rel $0x88, $3  }
0x1: {  	(tag) =	ssettag $0x0;
	lr =	simm.s32 $0x1  }
0x2: {  	[smem:$0x3F9B] =	sst lr;
	_ =	strace $0xD0000000  }
0x3: {  	_ = 	snop  }
0x4: {  	_ = 	snop  }
0x5: {  	_ = 	snop  }
0x6: {  	_ = 	snop  }
0x7: {  	_ = 	snop  }
__scs_overlays_trampoline_lowered:
0x8: {  	[smem:$0x3FAA] =	sst s0  }
0x9: {  	[smem:$0x3FAB] =	sst s1  }
0xa: {  	[smem:$0x3FAC] =	sst s2  }
0xb: {  	[smem:$0x3FAD] =	sst s3  }
0xc: {  	[smem:$0x3FAE] =	sst s4  }
0xd: {  	[smem:$0x3FAF] =	sst s5  }
0xe: {  	[smem:$0x3FB0] =	sst s6  }
0xf: {  	[smem:$0x3FB1] =	sst s7  }
0x10: {  	[smem:$0x3FB2] =	sst s8  }
0x11: {  	[smem:$0x3FB3] =	sst s9;
	s0 =	simm.s32 @!p0 $0x0  }
0x12: {  	s1 =	sld [smem:$0x3F99];
	s0 =	simm.s32 @p0 $0x1  }
0x13: {  	[smem:$0x3FB4] =	sst s0;
	s0 =	simm.s32 @!p1 $0x0  }
0x14: {  	s2 =	sld [smem:$0x3F98];
	s0 =	simm.s32 @p1 $0x1  }
0x15: {  	[smem:$0x3FB5] =	sst s0;
	s0 =	simm.s32 @!p2 $0x0  }
0x16: {  	s3 =	sld [smem:$0x3FDB];
	s0 =	simm.s32 @p2 $0x1  }
0x17: {  	s4 =	simm.s32 $0x1BF5;
	[smem:$0x3FB7] =	sst s0  }
0x18: {  	s0 =	sld [smem:$0x3F9A];
	_ =	swait.ge [sflag:s4], $0x0  }
0x19: {  	s7 =	sld [smem:$0x3F9B]  }
0x1a: {  	s8 =	sadd.s32 $0xFFFFE003, lr  }
0x1b: {  	s9 =	sadd.s32 $0xFFFFFEF7, lr;
	s5 =	simm.s32 $0xFFFFFFFF;
	p2 =	slt.u32 s8, $0xFFFFF086  }
0x1c: {  	p1 =	slt.u32 s9, $0xF7A;
	s5 =	simm.s32 @!p2 $0x0  }
0x1d: {  	s5 =	simm.s32 @p1 $0x1;
	p0 =	seq.s32 s7, s2  }
0x1e: {  	s7 =	smul.u32 @!p0 $0xF7A, s2;
	p2 =	seq.s32 @!p0 s5, $0x0  }
0x1f: {  	s9 =	smul.u32 $0xF7A, s1;
	s8 =	simm.s32 @!p0 $0x1BF5;
	p2 =	por !p2, p0  }
0x20: {  	[sflag:s8] =	ssyncset.s32 @!p0 $0xFFFFF086;
	s6 =	sadd.s32 @!p0 s3, s7;
	s7 =	simm.s32 @!p0 $0x108  }
0x21: {  	s3 =	sadd.s32 s3, s9;
	s6 =	sadd.s32 @!p0 $0x88, s6;
	s7 =	simm.s32 @p2 $0x1082  }
0x22: {  	[simem:s7], [sflag:s8] =	dma.local @!p0 [hbm:s6], $0xF7A  }
0x23: {  	s9 =	sor.u32 $0xD0000000, s2;
	s6 =	simm.s32 $0x108;
	_ =	swait.ge @!p0 [sflag:s8], $0x0  }
0x24: {  	s3 =	sadd.s32 $0x88, s3;
	s6 =	simm.s32 @!p1 $0x1082;
	[sflag:s4] =	ssyncset.s32 $0xFFFFF086  }
0x25: {  	[simem:s6], [sflag:s4] =	dma.local [hbm:s3], $0xF7A  }
0x26: {  	[smem:$0x3F9B] =	sst s1;
	(tag) =	ssettag s2;
	_ =	strace s9  }
0x27: {  	s1 =	sld [smem:$0x3FAB]  }
0x28: {  	s2 =	sld [smem:$0x3FAC]  }
0x29: {  	s4 =	sld [smem:$0x3FAE]  }
0x2a: {  	p0 =	seq.s32 s5, $0x0;
	s5 =	sld [smem:$0x3FAF]  }
0x2b: {  	s6 =	sld [smem:$0x3FB0]  }
0x2c: {  	s7 =	sld [smem:$0x3FB1]  }
0x2d: {  	s3 =	simm.s32 $0x108;
	s8 =	sld [smem:$0x3FB2]  }
0x2e: {  	s3 =	simm.s32 @!p0 $0x1082;
	s9 =	sld [smem:$0x3FB3]  }
0x2f: {  	lr =	sadd.s32 s0, s3;
	s0 =	sld [smem:$0x3FAA]  }
0x30: {  	s3 =	sld [smem:$0x3FAD]  }
0x31: {  	[smem:$0x3FB6] =	sst s10  }
0x32: {  	s10 =	sld [smem:$0x3FB4];
	_ =	sdelay $0x3  }
0x33: {  	p0 =	seq.s32 s10, $0x1;
	s10 =	sld [smem:$0x3FB6];
	_ =	sdelay $0x3  }
0x34: {  	[smem:$0x3FB6] =	sst s10  }
0x35: {  	s10 =	sld [smem:$0x3FB5];
	_ =	sdelay $0x3  }
0x36: {  	p1 =	seq.s32 s10, $0x1;
	s10 =	sld [smem:$0x3FB6];
	_ =	sdelay $0x3  }
0x37: {  	[smem:$0x3FB6] =	sst s10  }
0x38: {  	s10 =	sld [smem:$0x3FB7]  }
0x39: {  	_ = 	snop;
	(pc) =	sbr.ind lr, $3  }
0x3a: {  	_ = 	snop  }
0x3b: {  	_ = 	snop  }
0x3c: {  	p2 =	seq.s32 s10, $0x1;
	s10 =	sld [smem:$0x3FB6]  }
0x3d: {  	_ =	shalt  }
0x3e: {  	_ =	shalt  }
0x3f: {  	_ =	shalt  }
0x40: {  	_ =	shalt  }
0x41: {  	_ =	shalt  }
0x42: {  	_ =	shalt  }
0x43: {  	_ =	shalt  }
0x44: {  	_ =	shalt  }
0x45: {  	_ =	shalt  }
0x46: {  	_ =	shalt  }
0x47: {  	_ =	shalt  }
0x48: {  	_ =	shalt  }
0x49: {  	_ =	shalt  }
0x4a: {  	_ =	shalt  }
0x4b: {  	_ =	shalt  }
0x4c: {  	_ =	shalt  }
0x4d: {  	_ =	shalt  }
0x4e: {  	_ =	shalt  }
0x4f: {  	_ =	shalt  }
0x50: {  	_ =	shalt  }
0x51: {  	_ =	shalt  }
0x52: {  	_ =	shalt  }
0x53: {  	_ =	shalt  }
0x54: {  	_ =	shalt  }
0x55: {  	_ =	shalt  }
0x56: {  	_ =	shalt  }
0x57: {  	_ =	shalt  }
0x58: {  	_ =	shalt  }
0x59: {  	_ =	shalt  }
0x5a: {  	_ =	shalt  }
0x5b: {  	_ =	shalt  }
0x5c: {  	_ =	shalt  }
0x5d: {  	_ =	shalt  }
0x5e: {  	_ =	shalt  }
0x5f: {  	_ =	shalt  }
0x60: {  	_ =	shalt  }
0x61: {  	_ =	shalt  }
0x62: {  	_ =	shalt  }
0x63: {  	_ =	shalt  }
0x64: {  	_ =	shalt  }
0x65: {  	_ =	shalt  }
0x66: {  	_ =	shalt  }
0x67: {  	_ =	shalt  }
0x68: {  	_ =	shalt  }
0x69: {  	_ =	shalt  }
0x6a: {  	_ =	shalt  }
0x6b: {  	_ =	shalt  }
0x6c: {  	_ =	shalt  }
0x6d: {  	_ =	shalt  }
0x6e: {  	_ =	shalt  }
0x6f: {  	_ =	shalt  }
0x70: {  	_ =	shalt  }
0x71: {  	_ =	shalt  }
0x72: {  	_ =	shalt  }
0x73: {  	_ =	shalt  }
0x74: {  	_ =	shalt  }
0x75: {  	_ =	shalt  }
0x76: {  	_ =	shalt  }
0x77: {  	_ =	shalt  }
0x78: {  	_ =	shalt  }
0x79: {  	_ =	shalt  }
0x7a: {  	_ =	shalt  }
0x7b: {  	_ =	shalt  }
0x7c: {  	_ =	shalt  }
0x7d: {  	_ =	shalt  }
0x7e: {  	_ =	shalt  }
0x7f: {  	_ =	shalt  }
0x80: {  	_ =	shalt  }
0x81: {  	_ =	shalt  }
0x82: {  	_ =	shalt  }
0x83: {  	_ =	shalt  }
0x84: {  	_ =	shalt  }
0x85: {  	_ =	shalt  }
0x86: {  	_ =	shalt  }
0x87: {  	_ =	shalt  }
.Lfunc_end0:
.L_simem_size_0:
called_computation_lowered:
.L_overlay_start_0:
0x88: {  	s2 =	sld [smem:$0x3FD9]  }
0x89: {  	s3 =	sld [smem:$0x3FFE];
	_ =	sdelay $0x1  }
0x8a: {  	s1 =	srdreg.scid  }
0x8b: {  	s0 =	sand.u32 $0x1, s1  }
0x8c: {  	s13 =	sshll.u32 s0, $0xA;
	s2 =	sadd.s32 s3, s2  }
0x8d: {  	s2 =	sadd.s32 s2, s13  }
0x8e: {  	[smem:$0x3FC2] =	sst s2  }
0x8f: {  	_ = 	snop  }
0x90: {  	s2 =	sld [smem:$0x3FD0];
	_ =	sdelay $0x2  }
0x91: {  	s14 =	simm.s32 $0xC;
	s4 =	simm.s32 $0x10  }
0x92: {  	[smem:s4], [sflag:s14] =	dma.local [hbm:s2], $0x1  }
0x93: {  	_ =	swait.eq [sflag:s14], $0x1  }
0x94: {  	[sflag:s14] =	ssyncset.done $0x0  }
0x95: {  	s15 =	sld [smem:$0x10];
	[sflag:s14] =	ssyncadd.s32 $0xFFFFFFFF  }
0x96: {  	s16 =	sld [smem:$0x11];
	(tm) =	ssettm $0x1  }
0x97: {  	s17 =	sld [smem:$0x3FFB];
	_ =	sdelay $0x3  }
0x98: {  	_ =	strace s17  }
0x99: {  	s4 =	sld [smem:$0x3FFC];
	_ =	sdelay $0x3  }
0x9a: {  	_ =	strace s4  }
0x9b: {  	s4 =	sld [smem:$0x3FFD];
	_ =	sdelay $0x3  }
0x9c: {  	_ =	strace s4  }
0x9d: {  	_ =	strace $0x8FFFFFFF  }
0x9e: {  	s18 =	sld [smem:$0x3FDB];
	_ =	sdelay $0x1  }
0x9f: {  	s5 =	simm.s32 $_scs_section_size  }
0xa0: {  	s6 =	simm.s32 $_size__tile_overlayer_lowered;
	s7 =	simm.s32 $_tile_overlayer_lowered  }
0xa1: {  	s21 =	simm.s32 $0x1BFF;
	s20 =	sshll.u32 s7, $0x1;
	s4 =	sadd.s32 s5, s18  }
0xa2: {  	s8 =	simm.s32 $0x0;
	s19 =	sshll.u32 s6, $0x1;
	s6 =	sadd.s32 s20, s4  }
0xa3: {  	[timem:s8], [sflag:s21] =	dma.local [hbm:s6], s19  }
0xa4: {  	_ =	swait.ge [sflag:s21], s19  }
0xa5: {  	s5 =	ssub.s32 $0x0, s19;
	[sflag:s21] =	ssyncset.done $0x0  }
0xa6: {  	[sflag:s21] =	ssyncadd.s32 s5;
	_ =	sdelay $0x1  }
0xa7: {  	s22 =	simm.s32 $0x1B8B  }
0xa8: {  	_ =	swait.ge [sflag:s22], $0x1  }
0xa9: {  	[sflag:s22] =	ssyncset.done $0x0  }
0xaa: {  	s23 =	sld [smem:$0x3FFE];
	[sflag:s22] =	ssyncadd.s32 $0xFFFFFFFF  }
0xab: {  	s25 =	simm.s32 $0x1B8E;
	s24 =	sld [smem:$0x0]  }
0xac: {  	s26 =	simm.s32 $execute0_lowered;
	[smem:$0x3FD2] =	sst s25  }
0xad: {  	s7 =	sshll.u32 s26, $0x1;
	_ =	strace $0x8000004F;
	[dreg:$0x1] =	wrdreg $0xFFFFFFFF  }
0xae: {  	s28 =	simm.s32 $_size_execute0_lowered;
	s4 =	sadd.s32 s4, s7;
	[dreg:$0x0] =	wrdreg $0x0  }
0xaf: {  	s7 =	sshll.u32 s28, $0x1;
	[dreg:$0x2] =	wrdreg s4  }
0xb0: {  	[dreg:$0x3] =	wrdreg s7  }
0xb1: {  	[dreg:$0x4] =	wrdreg $0xC0  }
0xb2: {  	_ =	task [dreg:s8], $0x5FFFF  }
0xb3: {  	[dreg:$0x1] =	wrdreg $0xFFFFFFFF  }
0xb4: {  	[dreg:$0x0] =	wrdreg $0x60  }
0xb5: {  	[dreg:$0x2] =	wrdreg s23  }
0xb6: {  	[dreg:$0x3] =	wrdreg s16  }
0xb7: {  	[dreg:$0x4] =	wrdreg s15  }
0xb8: {  	[dreg:$0x5] =	wrdreg s1  }
0xb9: {  	[dreg:$0x6] =	wrdreg s24  }
0xba: {  	[dreg:$0x7] =	wrdreg $0x9  }
0xbb: {  	_ =	task.clear_ibuf [dreg:s8], $0x8FFFF;
	_ =	strace $0x9000004F  }
0xbc: {  	s29 =	simm.s32 $0x9;
	_ =	strace $0x80000051  }
0xbd: {  	_ =	swait.ge [sflag:s29], $0x1  }
0xbe: {  	[sflag:s29] =	ssyncadd.s32 $0xFFFFFFFF  }
0xbf: {  	_ =	strace $0x90000051  }
0xc0: {  	_ =	sfence  }
0xc1: {  	s30 =	sld [smem:$0x0];
	_ =	sdelay $0x2  }
0xc2: {  	s31 =	sshll.u32 s1, $0xD;
	s1 =	sshrl.u32 s1, $0x2  }
0xc3: {  	s3 =	sand.u32 $0x4000, s31;
	s1 =	sadd.s32 s1, s30  }
0xc4: {  	s0 =	sor.u32 s3, s0;
	s1 =	sshll.u32 s1, $0x11  }
0xc5: {  	s0 =	sor.u32 s1, s0  }
0xc6: {  	s0 =	sadd.s32 $0x8F2B, s0  }
0xc7: {  	[sflag:s0] =	ssyncadd.remote.s32 $0x1  }
0xc8: {  	_ =	sfence.sel $0xFFFF  }
0xc9: {  	[dreg:$0x0] =	wrdreg $0xFFFFFFFF;
	(pc) =	sbr.abs _section_cstart, $3  }
0xca: {  	[dreg:$0x1] =	wrdreg $0xFFFFFFFF  }
0xcb: {  	_ =	task.clear_ibuf [dreg:s8], $0x2FFFF;
	_ =	strace $0x9FFFFFFF  }
0xcc: {  	(tm) =	ssettm $0x7FFFFFFF  }
0xcd: {  	_ =	shalt  }
tec
execute0_lowered:
.L_overlay_start_1:
0x0: {  	(tag) =	ssettag $0x1  }
0x1: {  	s2 =	rddreg [dreg:$0x0]  }
0x2: {  	s0 =	rddreg [dreg:$0x1]  }
0x3: {  	s15 =	rddreg [dreg:$0x2]  }
0x4: {  	s3 =	rddreg [dreg:$0x3];
	_ =	strace $0x80000050;
	s1 =	simm.s32 $0x1  }
0x5: {  	s4 =	simm.s32 $0x108;
	v0 =	vimm.s32 $0x0;
	[sflag:s1] =	ssyncpa.u1 $0x0  }
0x6: {  	[tilespmem:s4+$0x70] =	vst v0  }
0x7: {  	[tilespmem:s4+$0x60] =	vst v0  }
0x8: {  	[tilespmem:s4+$0x50] =	vst v0  }
0x9: {  	[tilespmem:s4+$0x40] =	vst v0  }
0xa: {  	[tilespmem:s4+$0x30] =	vst v0  }
0xb: {  	s1 =	sadd.s32 $0xD9C000, s2;
	s3 =	sand.u32 $0x1, s3;
	s7 =	sadd.s32 $0x51000, s2;
	[tilespmem:s4+$0x20] =	vst v0  }
0xc: {  	s2 =	simm.s32 $0x40;
	[dreg:$0x6] =	wrdreg s3;
	s16 =	sshll.u32 s3, $0xA;
	[tilespmem:s4+$0x10] =	vst v0  }
.LBB2_1:
0xd: {  	s2 =	sadd.s32 $0x40, s2;
	[tilespmem:s4+$0x0] =	vst v0;
	s4 =	sadd.s32 $0x80, s4  }
0xe: {  	p0 =	slt.u32 s2, $0x3C40;
	[tilespmem:s4+$0x70] =	vst v0  }
0xf: {  	[tilespmem:s4+$0x60] =	vst v0  }
.Ltmp0:
0x10: {  	[tilespmem:s4+$0x50] =	vst v0;
	(pc) =	sbr.rel @p0 .LBB2_1-.Ltmp0, $4  }
0x11: {  	[tilespmem:s4+$0x40] =	vst v0  }
0x12: {  	[tilespmem:s4+$0x30] =	vst v0  }
0x13: {  	[tilespmem:s4+$0x20] =	vst v0  }
0x14: {  	[tilespmem:s4+$0x10] =	vst v0  }
0x15: {  	s6 =	stileid.u32  }
0x16: {  	s3 =	sshll.u32 s6, $0x1;
	s2 =	smin.u32 s6, $0x3  }
0x17: {  	s2 =	sadd.s32 s2, s3  }
0x18: {  	p0 =	slt.u32 s6, $0x3;
	s8 =	smul.u32 $0xF0, s2;
	s2 =	simm.s32 $0x2D0  }
0x19: {  	s2 =	simm.s32 @!p0 $0x1E0  }
0x1a: {  	s2 =	sadd.s32 s2, s8  }
0x1b: {  	s9 =	smin.u32 s2, $0x2000  }
0x1c: {  	s2 =	ssub.s32 s9, s8  }
0x1d: {  	p0 =	sgt.s32 s2, $0x0  }
0x1e: {  	s30 =	simm.s32 $0x2;
	s2 =	simm.s32 @!p0 $0x0  }
0x1f: {  	s11 =	simm.s32 $0x9;
	s5 =	simm.s32 $0xA;
	s29 =	smul.u32 $0x8889, s2  }
0x20: {  	s12 =	simm.s32 $0xB;
	s13 =	simm.s32 $0x1;
	s15 =	sadd.s32 s16, s15  }
0x21: {  	s16 =	sadd.s32 s16, s0;
	[dreg:$0x7] =	wrdreg s3;
	s3 =	sshrl.u32 s29, $0x17  }
0x22: {  	s23 =	simm.s32 $0x0;
	s19 =	simm.s32 $0xC;
	s31 =	smul.u32 $0xF0, s3  }
.Ltmp1:
0x23: {  	[tilespmem:s4+$0x0] =	vst v0;
	v0 =	vimm.s32 $0xFFFFFFFF;
	s21 =	simm.s32 $0x0;
	[sflag:s30] =	ssyncpa.u1 $0x0;
	(pc) =	sbr.rel .LBB2_3-.Ltmp1, $4  }
0x24: {  	[tilespmem:$0xF208] =	vst v0;
	[sflag:s11] =	ssyncpa.u1 $0x0;
	p0 =	sne.s32 s2, s31;
	s2 =	simm.s32 $0x1  }
0x25: {  	s22 =	simm.s32 $0x0;
	[sflag:s5] =	ssyncpa.u1 $0x0;
	s2 =	simm.s32 @!p0 $0x0  }
0x26: {  	s17 =	sshll.u32 s6, $0x8;
	[sflag:s12] =	ssyncpa.u1 $0x0;
	s14 =	sadd.s32 s3, s2  }
0x27: {  	v0 =	vlaneseq.u32;
	s20 =	smov.u32 s8;
	p0 =	por $0x0, $0x0;
	s18 =	sadd.s32 $0x1, s14  }
.LBB2_18:
0x28: {  	s0 =	sshrl.u32 s0, $0x2  }
.LBB2_20:
0x29: {  	_ =	swait.ge [sflag:s19], s0  }
0x2a: {  	s30 =	ssub.s32 $0x0, s0;
	v1 =	vmov s25;
	vm0 =	veq.s32 v0, $0x0;
	[sflag:s19] =	ssyncset.done $0x0  }
0x2b: {  	vm15 =	veq.s32 v0, $0x2;
	v1 =	vsel vm0, s31, v1;
	[sflag:s19] =	ssyncadd.s32 s30  }
0x2c: {  	v1 =	vsel vm15, s23, v1;
	[sflag:s19] =	ssyncpa.u1 $0x1  }
0x2d: {  	[tilespmem:$0xF208] =	vst v1  }
.LBB2_21:
0x2e: {  	s0 =	sadd.s32 $0xF0, s20  }
0x2f: {  	s2 =	smov.u32 s8;
	p1 =	slt.s32 s0, s9  }
0x30: {  	s2 =	smov.u32 @p1 s0;
	p1 =	sne.s32 s22, s18  }
.Ltmp2:
0x31: {  	_ = 	snop;
	(pc) =	sbr.rel @!p1 .LBB2_22-.Ltmp2, $3  }
0x32: {  	_ =	sdelay $0x1  }
0x33: {  	s23 =	smov.u32 s21;
	s31 =	sadd.s32 $0x1, s22;
	s21 =	smov.u32 s20  }
0x34: {  	p0 =	por !p0, !p0;
	s22 =	smov.u32 s31;
	s20 =	smov.u32 s2  }
.LBB2_3:
0x35: {  	p1 =	sge.u32 s22, s14  }
0x36: {  	s0 =	smulhi.u32 @!p1 $0xAAAAAAAB, s22  }
0x37: {  	s2 =	smov.u32 s20;
	p2 =	sgt.s32 @!p1 s20, $0x1F10  }
0x38: {  	s3 =	sshra.s32 @!p1 s20, $0x1F;
	p2 =	por !p2, p1;
	s0 =	sshrl.u32 @!p1 s0, $0x1  }
0x39: {  	s3 =	sand.u32 @!p1 s3, s20;
	s2 =	simm.s32 @p2 $0x1F10;
	s0 =	smul.u32 @!p1 $0x3, s0  }
0x3a: {  	s2 =	ssub.s32 @!p1 s2, s3  }
0x3b: {  	s2 =	sadd.s32 @!p1 $0xFFFFE0F0, s2;
	s0 =	ssub.s32 @!p1 s22, s0  }
0x3c: {  	s3 =	sshll.u32 @!p1 s2, $0x2;
	p2 =	sgt.s32 @!p1 s2, $0xEF;
	s0 =	smul.u32 @!p1 $0x3C0, s0  }
0x3d: {  	s4 =	sand.u32 @!p1 $0x7, s20;
	s2 =	ssub.s32 @!p1 $0x3C0, s3;
	p2 =	por !p2, p1  }
0x3e: {  	s3 =	sshrl.u32 @!p1 s20, $0x3;
	s2 =	sshrl.u32 @!p1 s2, $0x2;
	s0 =	sshrl.u32 @!p1 s0, $0x2  }
0x3f: {  	s3 =	sadd.s32 @!p1 s3, s15;
	s2 =	simm.s32 @!p2 $0x0;
	s0 =	sadd.s32 @!p1 $0x10248, s0  }
0x40: {  	[tilespmem:s0], [sflag:$0xA] =	stream.linear.gather @!p1 [hbm4b:s3+s4], s2, $0x38;
	[tilespmem:$0x1F6F8] =	vst v63  }
0x41: {  	s0 =	sadd.s32 $0xFFFFFFFF, s22  }
0x42: {  	p1 =	sge.u32 s0, s14  }
0x43: {  	p2 =	sgt.s32 @!p1 s21, $0x1F10  }
0x44: {  	s2 =	smov.u32 s21;
	s3 =	sshra.s32 @!p1 s21, $0x1F;
	p2 =	por !p2, p1  }
0x45: {  	s3 =	sand.u32 @!p1 s3, s21;
	s2 =	simm.s32 @p2 $0x1F10  }
0x46: {  	s2 =	ssub.s32 @!p1 s2, s3  }
0x47: {  	s2 =	sadd.s32 @!p1 $0xFFFFE0F0, s2  }
0x48: {  	s4 =	sand.u32 @!p1 $0x1, s0;
	s3 =	sshll.u32 @!p1 s2, $0x2  }
0x49: {  	p2 =	sgt.s32 @!p1 s2, $0xEF;
	s2 =	ssub.s32 @!p1 $0x3C0, s3;
	s3 =	smulhi.u32 @!p1 $0xAAAAAAAB, s0  }
0x4a: {  	s6 =	smul.u32 @!p1 $0x3C0, s4;
	p2 =	por !p2, p1;
	s2 =	sshrl.u32 @!p1 s2, $0x2  }
0x4b: {  	s5 =	simm.s32 @!p1 $0xA;
	s2 =	simm.s32 @!p2 $0x0;
	s3 =	sshrl.u32 @!p1 s3, $0x1  }
0x4c: {  	s6 =	sshrl.u32 @!p1 s6, $0x2;
	_ =	swait.ge @!p1 [sflag:s5], s2;
	s3 =	smul.u32 @!p1 $0x3, s3  }
0x4d: {  	s6 =	sadd.s32 @!p1 $0x10518, s6;
	s24 =	ssub.s32 @!p1 $0x0, s2;
	[sflag:s5] =	ssyncset.done @!p1 $0x0  }
0x4e: {  	[sflag:s5] =	ssyncadd.s32 @!p1 s24;
	s5 =	sshrl.u32 @!p1 s21, $0x3;
	s0 =	ssub.s32 @!p1 s0, s3  }
0x4f: {  	s24 =	sand.u32 @!p1 $0x7, s21;
	s5 =	sadd.s32 @!p1 s5, s16;
	s0 =	smul.u32 @!p1 $0x3C0, s0  }
0x50: {  	[tilespmem:s6], [sflag:$0xB] =	stream.linear.gather @!p1 [hbm4b:s5+s24], s2, $0x38;
	[tilespmem:$0x1F6F8] =	vst v63  }
0x51: {  	s3 =	ssub.s32 @!p1 $0x2000, s21;
	s2 =	smul.u32 @!p1 $0x1E000, s4  }
0x52: {  	p2 =	slt.s32 @!p1 s3, $0xF0  }
0x53: {  	p2 =	por !p2, p1;
	s0 =	sshrl.u32 @!p1 s0, $0x2;
	s2 =	sshrl.u32 @!p1 s2, $0x2  }
0x54: {  	s3 =	simm.s32 @p2 $0xF0;
	s0 =	sadd.s32 @!p1 $0x10248, s0;
	s2 =	sor.u32 @!p1 $0x106F8, s2  }
0x55: {  	[tilespmem:s2], [sflag:$0x9] =	stream.indirect.gather @!p1 [hbm4b:s7+s3], $0x80, s0, s3, $0xb8;
	[tilespmem:$0x1F6F8] =	vst v63  }
0x56: {  	p1 =	slt.u32 s22, $0x2  }
.Ltmp3:
0x57: {  	_ = 	snop;
	(pc) =	sbr.rel @p1 .LBB2_21-.Ltmp3, $1  }
0x58: {  	_ =	sdelay $0x3  }
0x59: {  	p1 =	sgt.s32 s23, $0x1F10  }
0x5a: {  	s0 =	smov.u32 s23;
	s2 =	sshra.s32 s23, $0x1F;
	s3 =	ssub.s32 $0x2000, s23  }
0x5b: {  	s0 =	simm.s32 @!p1 $0x1F10;
	s2 =	sand.u32 s2, s23;
	p1 =	slt.s32 s3, $0xF0  }
0x5c: {  	s0 =	ssub.s32 s0, s2;
	s3 =	simm.s32 @!p1 $0xF0  }
0x5d: {  	s0 =	sadd.s32 $0xFFFFE0F0, s0;
	s24 =	sshll.u32 s3, $0x7  }
0x5e: {  	s25 =	sshll.u32 s0, $0x2;
	s2 =	sand.u32 $0x3FFFFF80, s24  }
0x5f: {  	p1 =	sgt.s32 s0, $0xEF;
	s26 =	ssub.s32 $0x3C0, s25;
	_ =	swait.ge [sflag:s11], s2  }
0x60: {  	s2 =	ssub.s32 $0x0, s2;
	[sflag:s11] =	ssyncset.done $0x0;
	s0 =	sshrl.u32 s26, $0x2  }
0x61: {  	[sflag:s11] =	ssyncadd.s32 s2;
	s0 =	simm.s32 @p1 $0x0  }
0x62: {  	_ =	swait.ge [sflag:s12], s0  }
0x63: {  	s0 =	ssub.s32 $0x0, s0;
	[sflag:s12] =	ssyncset.done $0x0  }
0x64: {  	[sflag:s12] =	ssyncadd.s32 s0  }
0x65: {  	v1 =	vld [tilespmem:$0xF208];
	_ =	sdelay $0x4  }
0x66: {  	(v2sf) =	vpush v1, $0x0  }
0x67: {  	(v2sf) =	vpush v1, $0x1  }
0x68: {  	(v2sf) =	vpush v1, $0x2;
	_ =	sdelay $0x3  }
0x69: {  	s0 =	sadd.s32 $0xF0, s23  }
0x6a: {  	s2 =	ssub.s32 $0x4000, s23;
	p1 =	slt.s32 s9, s0  }
0x6b: {  	s0 =	smov.u32 @p1 s9;
	p1 =	sgt.s32 s2, $0x0  }
0x6c: {  	s0 =	ssub.s32 s0, s23;
	s2 =	simm.s32 @!p1 $0x0  }
0x6d: {  	p1 =	slt.s32 s2, s0  }
0x6e: {  	s0 =	smov.u32 @p1 s2  }
0x6f: {  	s26 =	simm.s32 $0x1;
	p1 =	slt.s32 s0, $0x1  }
.Ltmp4:
0x70: {  	s26 =	simm.s32 @!p0 $0x0;
	(pc) =	sbr.rel @p1 .LBB2_8-.Ltmp4, $4  }
0x71: {  	s30 =	smul.u32 $0x3C0, s26  }
0x72: {  	s28 =	spop (v2sf)  }
0x73: {  	s31 =	sshrl.u32 s30, $0x2;
	s29 =	spop (v2sf)  }
0x74: {  	s24 =	sadd.s32 $0x10518, s31;
	s23 =	spop (v2sf)  }
0x75: {  	s2 =	smin.u32 s0, $0x10  }
0x76: {  	v1 =	vmov s2  }
0x77: {  	p2 =	sgt.s32 s0, $0x10;
	vm1 =	vgt.u32 v1, v0  }
.Ltmp5:
0x78: {  	_ = 	snop;
	(pc) =	sbr.rel @!p2 .LBB2_7-.Ltmp5, $2  }
0x79: {  	_ =	sdelay $0x2  }
0x7a: {  	s5 =	simm.s32 $0x10;
	s25 =	sadd.s32 $0xFFFFFFF0, s0;
	s4 =	smov.u32 s24;
	vm0 =	vmmov vm1  }
.LBB2_6:
0x7b: {  	s2 =	smin.u32 s25, $0x10;
	s5 =	sadd.s32 $0x10, s5;
	v1 =	vld.msk [tilespmem:s4+$0x0 ss:$0x1], vm1  }
0x7c: {  	v2 =	vmov s2;
	p2 =	slt.s32 s5, s0  }
0x7d: {  	vm1 =	vgt.u32 v2, v0  }
.Ltmp6:
0x7e: {  	(pc) =	sbr.rel @p2 .LBB2_6-.Ltmp6, $3  }
0x7f: {  	_ =	sdelay $0x1  }
0x80: {  	v1 =	vshll.u32 v1, $0x4  }
0x81: {  	s25 =	sadd.s32 $0xFFFFFFF0, s25;
	[tilespmem:s4+$0x0] =	vst.msk vm0, v1;
	s4 =	sadd.s32 $0x10, s4;
	vm0 =	vmmov vm1  }
.LBB2_7:
0x82: {  	_ =	sdelay $0x4  }
0x83: {  	v1 =	vld.msk [tilespmem:s4+$0x0 ss:$0x1], vm1;
	_ =	sdelay $0x4  }
0x84: {  	v1 =	vshll.u32 v1, $0x4  }
0x85: {  	[tilespmem:s4+$0x0] =	vst.msk vm0, v1  }
.LBB2_8:
0x86: {  	s2 =	sand.u32 $0x1, s22  }
0x87: {  	s2 =	smul.u32 $0xF0, s2  }
0x88: {  	p2 =	sne.s32 s29, $0xFFFFFFFF  }
0x89: {  	v1 =	vld.msk @!p2 [tilespmem:s2+$0x10518], $0x1;
	_ =	sdelay $0x4  }
0x8a: {  	(v2sf) =	vpush @!p2 v1, $0x0;
	_ =	sdelay $0xc  }
.Ltmp7:
0x8b: {  	_ = 	snop;
	(pc) =	sbr.rel @p1 .LBB2_19-.Ltmp7, $4  }
0x8c: {  	_ = 	snop  }
0x8d: {  	s30 =	spop @!p2 (v2sf)  }
0x8e: {  	s23 =	simm.s32 @!p2 $0x0;
	s25 =	smov.u32 s30  }
0x8f: {  	[sflag:s19] =	ssyncpa.u1 $0x0;
	s30 =	smov.u32 @p2 s28;
	s25 =	smov.u32 @p2 s29  }
0x90: {  	v1 =	vld.msk [tilespmem:s24+$0x0], $0x1;
	_ =	sdelay $0x4  }
0x91: {  	(v2sf) =	vpush v1, $0x0;
	_ =	sdelay $0xe  }
0x92: {  	s2 =	smul.u32 $0x1E000, s26;
	s4 =	spop (v2sf)  }
0x93: {  	s28 =	ssub.s32 $0x0, s0;
	p1 =	seq.s32 s30, s4  }
0x94: {  	s0 =	sadd.s32 $0x1, s28;
	s2 =	sshrl.u32 s2, $0x2;
	p2 =	sgt.s32 @!p1 s30, $0x0  }
0x95: {  	s26 =	sor.u32 $0x10738, s2;
	s2 =	smov.u32 s30;
	p2 =	por !p2, p1  }
0x96: {  	s2 =	simm.s32 @p2 $0x0;
	p2 =	seq.s32 s0, $0x0  }
.Ltmp8:
0x97: {  	_ = 	snop;
	(pc) =	sbr.rel @p2 .LBB2_11-.Ltmp8, $4  }
0x98: {  	_ = 	snop  }
0x99: {  	s29 =	simm.s32 $0x0;
	s5 =	simm.s32 @!p1 $0x1;
	s3 =	smin.u32 @!p1 s2, $0x1869F0  }
0x9a: {  	s31 =	sadd.s32 $0x1, s24;
	s5 =	smov.u32 @p1 s29;
	s6 =	sand.u32 @!p1 $0x1FFFF8, s3  }
0x9b: {  	s2 =	simm.s32 @!p1 $0x7988;
	s3 =	sand.u32 @!p1 $0x7, s3;
	s6 =	sadd.s32 @!p1 s1, s6  }
.LBB2_10:
0x9c: {  	s10 =	smov.u32 s5  }
0x9d: {  	[tilespmem:s2], [sflag:$0x2] =	stream.linear.gather @!p1 [hbm4b:s6+s3], $0x80, $0x38;
	[tilespmem:$0x1F6F8] =	vst v63  }
0x9e: {  	s0 =	sadd.s32 $0x1, s0;
	s3 =	smov.u32 s4;
	v1 =	vld.msk [tilespmem:s31+$0x0], $0x1  }
0x9f: {  	p2 =	seq.s32 s0, $0x0;
	_ =	sdelay $0x3  }
0xa0: {  	(v2sf) =	vpush v1, $0x0;
	_ =	sdelay $0xe  }
0xa1: {  	s4 =	spop (v2sf)  }
0xa2: {  	p1 =	seq.s32 s3, s4  }
0xa3: {  	p3 =	sgt.s32 @!p1 s3, $0x0;
	s2 =	sshll.u32 @!p1 s5, $0x9;
	s5 =	sadd.s32 @!p1 $0x1, s5  }
.Ltmp9:
0xa4: {  	p3 =	por !p3, p1;
	s2 =	sshra.s32 @!p1 s2, $0x2;
	(pc) =	sbr.rel @!p2 .LBB2_10-.Ltmp9, $4  }
0xa5: {  	s5 =	smov.u32 @p1 s10;
	s3 =	simm.s32 @p3 $0x0;
	s2 =	sadd.s32 @!p1 $0x7988, s2  }
0xa6: {  	s3 =	smin.u32 @!p1 s3, $0x1869F0  }
0xa7: {  	s6 =	sand.u32 @!p1 $0x1FFFF8, s3;
	s3 =	sand.u32 @!p1 $0x7, s3  }
0xa8: {  	s31 =	sadd.s32 $0x1, s31;
	s6 =	sadd.s32 @!p1 s1, s6  }
.LBB2_11:
0xa9: {  	[tilespmem:s2], [sflag:$0x2] =	stream.linear.gather @!p1 [hbm4b:s6+s3], $0x80, $0x38;
	[tilespmem:$0x1F6F8] =	vst v63  }
.Ltmp10:
0xaa: {  	s0 =	sshll.u32 s5, $0x7;
	(pc) =	sbr.rel .LBB2_12-.Ltmp10, $4  }
0xab: {  	s31 =	simm.s32 $0x2;
	s0 =	sand.u32 $0x3FFFFF80, s0  }
0xac: {  	_ =	swait.ge [sflag:s31], s0  }
0xad: {  	s0 =	ssub.s32 $0x0, s0;
	[sflag:s31] =	ssyncset.done $0x0  }
0xae: {  	[sflag:s31] =	ssyncadd.s32 s0;
	s0 =	simm.s32 $0x0  }
.LBB2_13:
0xaf: {  	v1 =	vld [tilespmem:s26+$0xFFFFFFC0];
	_ =	sdelay $0x3  }
0xb0: {  	s2 =	sshra.s32 s2, $0x2  }
0xb1: {  	[tilespmem:s2+$0x108] =	vst.add.f32.msk $0xffff, v1  }
0xb2: {  	v1 =	vld [tilespmem:s26+$0xFFFFFFD0];
	_ =	sdelay $0x4  }
0xb3: {  	[tilespmem:s2+$0x118] =	vst.add.f32.msk $0xffff, v1  }
0xb4: {  	v1 =	vld [tilespmem:s26+$0xFFFFFFE0];
	_ =	sdelay $0x4  }
0xb5: {  	[tilespmem:s2+$0x128] =	vst.add.f32.msk $0xffff, v1  }
0xb6: {  	v1 =	vld [tilespmem:s26+$0xFFFFFFF0];
	_ =	sdelay $0x4  }
0xb7: {  	[tilespmem:s2+$0x138] =	vst.add.f32.msk $0xffff, v1  }
0xb8: {  	v1 =	vld [tilespmem:s26+$0x0];
	_ =	sdelay $0x4  }
0xb9: {  	[tilespmem:s2+$0x148] =	vst.add.f32.msk $0xffff, v1  }
0xba: {  	v1 =	vld [tilespmem:s26+$0x10];
	_ =	sdelay $0x4  }
0xbb: {  	[tilespmem:s2+$0x158] =	vst.add.f32.msk $0xffff, v1  }
0xbc: {  	v1 =	vld [tilespmem:s26+$0x20];
	_ =	sdelay $0x4  }
0xbd: {  	[tilespmem:s2+$0x168] =	vst.add.f32.msk $0xffff, v1  }
0xbe: {  	v1 =	vld [tilespmem:s26+$0x30];
	_ =	sdelay $0x4  }
0xbf: {  	[tilespmem:s2+$0x178] =	vst.add.f32.msk $0xffff, v1  }
.LBB2_17:
0xc0: {  	s28 =	sadd.s32 $0x1, s28  }
0xc1: {  	p1 =	seq.s32 s28, $0x0  }
.Ltmp11:
0xc2: {  	_ = 	snop;
	(pc) =	sbr.rel @p1 .LBB2_18-.Ltmp11, $2  }
0xc3: {  	_ =	sdelay $0x2  }
0xc4: {  	s24 =	sadd.s32 $0x1, s24;
	s26 =	sadd.s32 $0x80, s26;
	s30 =	smov.u32 s31  }
.LBB2_12:
0xc5: {  	v1 =	vld.msk [tilespmem:s24+$0x0], $0x1;
	_ =	sdelay $0x4  }
0xc6: {  	(v2sf) =	vpush v1, $0x0;
	_ =	sdelay $0xe  }
0xc7: {  	s31 =	spop (v2sf)  }
0xc8: {  	p1 =	sne.s32 s30, s31  }
.Ltmp12:
0xc9: {  	_ = 	snop;
	(pc) =	sbr.rel @!p1 .LBB2_13-.Ltmp12, $2  }
0xca: {  	_ =	sdelay $0x2  }
0xcb: {  	s2 =	sshll.u32 s23, $0x9  }
0xcc: {  	p1 =	seq.s32 s30, s25  }
.Ltmp13:
0xcd: {  	_ = 	snop;
	(pc) =	sbr.rel @!p1 .LBB2_15-.Ltmp13, $1  }
0xce: {  	_ =	sdelay $0x3  }
0xcf: {  	s2 =	sshra.s32 s2, $0x2  }
.Ltmp14:
0xd0: {  	s2 =	sadd.s32 $0x108, s2;
	(pc) =	sbr.rel .LBB2_16-.Ltmp14, $4  }
0xd1: {  	[spmem:s17] =	stream.linear.scatter [tilespmem:s2], [sflag:$0x1], $0x80, $0x38;
	[tilespmem:$0x1F6F8] =	vst v63  }
0xd2: {  	_ =	swait.ge [sflag:s13], $0x80  }
0xd3: {  	[sflag:s13] =	ssyncset.done $0x0  }
0xd4: {  	[sflag:s13] =	ssyncadd.s32 $0xFFFFFF80  }
.LBB2_15:
0xd5: {  	s3 =	sshll.u32 s29, $0x9  }
0xd6: {  	s3 =	sshra.s32 s3, $0x2  }
0xd7: {  	v1 =	vld [tilespmem:s3+$0x7988];
	_ =	sdelay $0x3  }
0xd8: {  	s2 =	sshra.s32 s2, $0x2  }
0xd9: {  	[tilespmem:s2+$0x108] =	vst.add.f32.msk $0xffff, v1  }
0xda: {  	v1 =	vld [tilespmem:s3+$0x7998];
	_ =	sdelay $0x4  }
0xdb: {  	[tilespmem:s2+$0x118] =	vst.add.f32.msk $0xffff, v1  }
0xdc: {  	v1 =	vld [tilespmem:s3+$0x79A8];
	_ =	sdelay $0x4  }
0xdd: {  	[tilespmem:s2+$0x128] =	vst.add.f32.msk $0xffff, v1  }
0xde: {  	v1 =	vld [tilespmem:s3+$0x79B8];
	_ =	sdelay $0x4  }
0xdf: {  	[tilespmem:s2+$0x138] =	vst.add.f32.msk $0xffff, v1  }
0xe0: {  	v1 =	vld [tilespmem:s3+$0x79C8];
	_ =	sdelay $0x4  }
0xe1: {  	[tilespmem:s2+$0x148] =	vst.add.f32.msk $0xffff, v1  }
0xe2: {  	v1 =	vld [tilespmem:s3+$0x79D8];
	_ =	sdelay $0x4  }
0xe3: {  	[tilespmem:s2+$0x158] =	vst.add.f32.msk $0xffff, v1  }
0xe4: {  	v1 =	vld [tilespmem:s3+$0x79E8];
	_ =	sdelay $0x4  }
0xe5: {  	[tilespmem:s2+$0x168] =	vst.add.f32.msk $0xffff, v1  }
0xe6: {  	v1 =	vld [tilespmem:s3+$0x79F8];
	_ =	sdelay $0x2  }
0xe7: {  	p1 =	sgt.u32 s30, $0x1869F0  }
0xe8: {  	s3 =	sand.u32 @!p1 $0x1FFFF8, s30  }
0xe9: {  	s4 =	sadd.s32 $0x108, s2;
	[tilespmem:s2+$0x178] =	vst.add.f32.msk $0xffff, v1;
	s2 =	sadd.s32 @!p1 s1, s3;
	s3 =	sand.u32 @!p1 $0x7, s30  }
0xea: {  	[hbm4b:s2+s3] =	stream.linear.scatter @!p1 [tilespmem:s4], [sflag:$0xC], $0x80, $0x38;
	[tilespmem:$0x1F6F8] =	vst v63  }
0xeb: {  	s2 =	simm.s32 $0x0  }
0xec: {  	s2 =	simm.s32 @!p1 $0x200  }
0xed: {  	s0 =	sadd.s32 s2, s0  }
.LBB2_16:
0xee: {  	s2 =	sadd.s32 $0x1, s23  }
0xef: {  	s3 =	smulhi.u32 $0x88888889, s2;
	_ =	sdelay $0x1  }
0xf0: {  	v1 =	vld [tilespmem:s26+$0xFFFFFFC0];
	s3 =	sshrl.u32 s3, $0x7  }
0xf1: {  	s3 =	smul.u32 $0xF0, s3;
	_ =	sdelay $0x1  }
0xf2: {  	s23 =	ssub.s32 s2, s3  }
0xf3: {  	s2 =	sshll.u32 s23, $0x7  }
0xf4: {  	[tilespmem:s2+$0x108] =	vst v1  }
0xf5: {  	v1 =	vld [tilespmem:s26+$0xFFFFFFD0];
	_ =	sdelay $0x4  }
0xf6: {  	[tilespmem:s2+$0x118] =	vst v1  }
0xf7: {  	v1 =	vld [tilespmem:s26+$0xFFFFFFE0];
	_ =	sdelay $0x4  }
0xf8: {  	[tilespmem:s2+$0x128] =	vst v1  }
0xf9: {  	v1 =	vld [tilespmem:s26+$0xFFFFFFF0];
	_ =	sdelay $0x4  }
0xfa: {  	[tilespmem:s2+$0x138] =	vst v1  }
0xfb: {  	v1 =	vld [tilespmem:s26+$0x0];
	_ =	sdelay $0x4  }
0xfc: {  	[tilespmem:s2+$0x148] =	vst v1  }
0xfd: {  	v1 =	vld [tilespmem:s26+$0x10];
	_ =	sdelay $0x4  }
0xfe: {  	[tilespmem:s2+$0x158] =	vst v1  }
0xff: {  	v1 =	vld [tilespmem:s26+$0x20];
	_ =	sdelay $0x4  }
0x100: {  	[tilespmem:s2+$0x168] =	vst v1  }
0x101: {  	v1 =	vld [tilespmem:s26+$0x30]  }
.Ltmp15:
0x102: {  	_ = 	snop;
	(pc) =	sbr.rel .LBB2_17-.Ltmp15, $2  }
0x103: {  	_ =	sdelay $0x2  }
0x104: {  	s29 =	sadd.s32 $0x1, s29;
	[tilespmem:s2+$0x178] =	vst v1  }
.LBB2_19:
.Ltmp16:
0x105: {  	(pc) =	sbr.rel .LBB2_20-.Ltmp16, $4  }
0x106: {  	_ = 	snop  }
0x107: {  	s0 =	simm.s32 $0x2  }
0x108: {  	_ =	swait.ge [sflag:s0], $0x0  }
0x109: {  	s31 =	smov.u32 s30;
	[sflag:s0] =	ssyncset.done $0x0;
	s0 =	simm.s32 $0x0  }
.LBB2_22:
0x10a: {  	_ =	sfence.sel $0x180000  }
0x10b: {  	s0 =	simm.s32 $0x9;
	[bflag:$0x0] =	sbarrier.arrive $0xFFFF  }
0x10c: {  	s24 =	simm.s32 $0xA;
	[sflag:s0] =	ssyncpa.u1 $0x1  }
0x10d: {  	s25 =	simm.s32 $0xB;
	[sflag:s24] =	ssyncpa.u1 $0x1  }
0x10e: {  	s26 =	simm.s32 $0x2;
	[sflag:s25] =	ssyncpa.u1 $0x1  }
0x10f: {  	[sflag:s26] =	ssyncpa.u1 $0x1  }
0x110: {  	v0 =	vld [tilespmem:$0xF208];
	_ =	sdelay $0x4  }
0x111: {  	(v2sf) =	vpush v0, $0x0  }
0x112: {  	(v2sf) =	vpush v0, $0x1;
	_ =	sdelay $0x2  }
0x113: {  	(v2sf) =	vpush v0, $0x2;
	_ =	sdelay $0xa  }
0x114: {  	s0 =	spop (v2sf)  }
0x115: {  	s2 =	spop (v2sf)  }
0x116: {  	s3 =	smov.u32 s0;
	p0 =	sne.s32 s0, s2  }
0x117: {  	s3 =	simm.s32 @!p0 $0xFFFFFFFF  }
0x118: {  	v2 =	vimm.s32 $0x1;
	v3 =	vlaneseq.u32;
	v1 =	vmov s3;
	s3 =	spop (v2sf)  }
0x119: {  	v0 =	vperm.xlane v0, v2;
	v1 =	vperm.xlane v1, v3;
	p0 =	seq.s32 s3, $0xFFFFFFFF  }
0x11a: {  	vm0 =	vcmask $0x3F04;
	s5 =	simm.s32 $0xF208;
	p1 =	sne.s32 @!p0 s0, s2  }
0x11b: {  	s6 =	rddreg [dreg:$0x7];
	s0 =	simm.s32 @!p0 $0x1;
	v0 =	vsel vm0, v1, v0;
	p1 =	por !p1, p0  }
0x11c: {  	s4 =	sor.u32 $0x1000, s6;
	s2 =	sshll.u32 @!p0 s3, $0x9;
	[tilespmem:$0xF208] =	vst v0;
	s0 =	simm.s32 @p1 $0x0  }
0x11d: {  	[spmem:s4] =	stream.linear.scatter [tilespmem:s5], [sflag:$0x1], $0x2, $0x38;
	[tilespmem:$0x1F6F8] =	vst v63  }
0x11e: {  	s2 =	sshra.s32 @!p0 s2, $0x2;
	s0 =	sor.u32 @!p0 s0, s6  }
0x11f: {  	s2 =	sadd.s32 @!p0 $0x108, s2;
	s0 =	sshll.u32 @!p0 s0, $0x7  }
0x120: {  	[spmem:s0] =	stream.linear.scatter @!p0 [tilespmem:s2], [sflag:$0x1], $0x80, $0x38;
	[tilespmem:$0x1F6F8] =	vst v63  }
0x121: {  	s0 =	simm.s32 @!p0 $0x82  }
0x122: {  	s28 =	simm.s32 $0x1;
	s0 =	simm.s32 @p0 $0x2  }
0x123: {  	_ =	swait.ge [sflag:s28], s0  }
0x124: {  	s15 =	stileid.u32;
	s0 =	ssub.s32 $0x0, s0;
	[sflag:s28] =	ssyncset.done $0x0  }
0x125: {  	p0 =	sne.s32 s15, $0x0;
	[sflag:s28] =	ssyncadd.s32 s0  }
.Ltmp17:
0x126: {  	_ =	sfence.stream.spmem;
	(pc) =	sbr.rel @p0 .LBB2_39-.Ltmp17, $4  }
0x127: {  	s29 =	simm.s32 $0x3;
	[bflag:$0x0] =	sbarrier.arrive $0xFFFF  }
0x128: {  	s30 =	simm.s32 $0x4;
	[sflag:s29] =	ssyncpa.u1 $0x1  }
0x129: {  	s31 =	simm.s32 $0x3C;
	[sflag:s30] =	ssyncpa.u1 $0x1  }
0x12a: {  	s14 =	rddreg [dreg:$0x6];
	[sflag:s31] =	ssyncpa.u1 $0x1  }
0x12b: {  	_ =	sfence.stream.spmem;
	s0 =	simm.s32 $0x5  }
0x12c: {  	s2 =	simm.s32 $0x1000;
	s3 =	simm.s32 $0xF218;
	[sflag:s0] =	ssyncpa.u1 $0x0  }
0x12d: {  	[tilespmem:s3], [sflag:$0x5] =	stream.linear.gather [spmem:s2], $0x20, $0x38;
	[tilespmem:$0x1F6F8] =	vst v63  }
0x12e: {  	s26 =	simm.s32 $0x0;
	s28 =	simm.s32 $0xF238  }
0x12f: {  	[tilespmem:s28], [sflag:$0x5] =	stream.linear.gather [spmem:s26], $0x1000, $0x38;
	[tilespmem:$0x1F6F8] =	vst v63  }
0x130: {  	_ =	swait.ge [sflag:s0], $0x1020  }
0x131: {  	[sflag:s0] =	ssyncset.done $0x0  }
0x132: {  	s29 =	simm.s32 $0x0;
	[sflag:s0] =	ssyncadd.s32 $0xFFFFEFE0  }
0x133: {  	v0 =	vld.msk [tilespmem:s29+$0xF218], $0x1;
	_ =	sdelay $0x1  }
0x134: {  	s30 =	simm.s32 $0x1  }
0x135: {  	v1 =	vld.msk [tilespmem:s30+$0xF218], $0x1;
	_ =	sdelay $0x1  }
0x136: {  	(v2sf) =	vpush v0, $0x0;
	_ =	sdelay $0x2  }
0x137: {  	(v2sf) =	vpush v1, $0x0;
	_ =	sdelay $0x2  }
0x138: {  	s31 =	simm.s32 $0x2  }
0x139: {  	v0 =	vld.msk [tilespmem:s31+$0xF218], $0x1;
	_ =	sdelay $0x2  }
0x13a: {  	s4 =	simm.s32 $0xFFFFFFFF;
	s2 =	simm.s32 $0xFFFFFFFF;
	s0 =	simm.s32 $0xC  }
.LBB2_24:
0x13b: {  	s3 =	smov.u32 s4;
	s5 =	smov.u32 s2  }
0x13c: {  	s2 =	sshra.s32 s0, $0x2;
	p1 =	sne.s32 s0, $0x7C;
	s0 =	sadd.s32 $0x4, s0;
	(v2sf) =	vpush v0, $0x0  }
0x13d: {  	v0 =	vld.msk [tilespmem:s2+$0xF218], $0x1  }
.Ltmp18:
0x13e: {  	(pc) =	sbr.rel @p1 .LBB2_24-.Ltmp18, $4  }
0x13f: {  	s4 =	spop (v2sf)  }
0x140: {  	p2 =	sne.s32 s5, $0xFFFFFFFF;
	s2 =	smov.u32 s4  }
0x141: {  	p3 =	seq.s32 s4, $0xFFFFFFFF;
	s2 =	smov.u32 @p2 s5  }
0x142: {  	s4 =	smov.u32 @p3 s3;
	s2 =	smov.u32 @p3 s5  }
0x143: {  	(v2sf) =	vpush v0, $0x0;
	_ =	sdelay $0x8  }
0x144: {  	s0 =	spop (v2sf)  }
0x145: {  	p1 =	sne.s32 s2, $0xFFFFFFFF;
	s3 =	smov.u32 s0  }
0x146: {  	s9 =	simm.s32 $0x6;
	p2 =	seq.s32 s0, $0xFFFFFFFF;
	s3 =	smov.u32 @p1 s2  }
0x147: {  	s6 =	simm.s32 $0x0;
	s3 =	smov.u32 @p2 s2;
	s2 =	spop (v2sf)  }
0x148: {  	s0 =	smov.u32 @p2 s4;
	p1 =	sne.s32 s3, $0xFFFFFFFF;
	s5 =	smov.u32 s2  }
.Ltmp19:
0x149: {  	p2 =	seq.s32 s2, $0xFFFFFFFF;
	s5 =	smov.u32 @p1 s3;
	(pc) =	sbr.rel .LBB2_26-.Ltmp19, $4  }
0x14a: {  	s10 =	simm.s32 $0xF188;
	s5 =	smov.u32 @p2 s3;
	s7 =	spop (v2sf)  }
0x14b: {  	s11 =	simm.s32 $0x0;
	p1 =	sne.s32 s5, $0xFFFFFFFF;
	s8 =	smov.u32 s7  }
0x14c: {  	s2 =	smov.u32 @p2 s0;
	p2 =	seq.s32 s7, $0xFFFFFFFF;
	s8 =	smov.u32 @p1 s5  }
0x14d: {  	[sflag:s9] =	ssyncpa.u1 $0x0;
	s7 =	smov.u32 @p2 s2;
	s8 =	smov.u32 @p2 s5  }
.LBB2_32:
0x14e: {  	p1 =	sgt.u32 s0, $0x1869F0  }
0x14f: {  	p2 =	seq.s32 @!p1 s0, s8  }
0x150: {  	p1 =	por p1, p2  }
0x151: {  	p2 =	sne.s32 @!p1 s0, s7  }
0x152: {  	p1 =	por p1, !p2  }
0x153: {  	s0 =	sshll.u32 @p1 s11, $0x9  }
0x154: {  	s2 =	sand.u32 @!p1 $0x1FFFF8, s0  }
0x155: {  	s0 =	sand.u32 @!p1 $0x7, s0;
	s2 =	sadd.s32 @!p1 s1, s2  }
0x156: {  	[tilespmem:s10], [sflag:$0x6] =	stream.linear.gather @!p1 [hbm4b:s2+s0], $0x80, $0x38;
	[tilespmem:$0x1F6F8] =	vst v63  }
0x157: {  	_ =	swait.ge @!p1 [sflag:s9], $0x80  }
0x158: {  	[sflag:s9] =	ssyncset.done @!p1 $0x0  }
0x159: {  	[sflag:s9] =	ssyncadd.s32 @!p1 $0xFFFFFF80  }
0x15a: {  	v1 =	vld @!p1 [tilespmem:$0xF188];
	_ =	sdelay $0x2  }
0x15b: {  	s0 =	sshll.u32 @!p1 s11, $0x9  }
0x15c: {  	s2 =	sshrl.u32 @!p1 s0, $0x2  }
0x15d: {  	[tilespmem:s2+$0xF238] =	vst.add.f32.msk @!p1 $0xffff, v1  }
0x15e: {  	v1 =	vld @!p1 [tilespmem:$0xF198];
	_ =	sdelay $0x4  }
0x15f: {  	[tilespmem:s2+$0xF248] =	vst.add.f32.msk @!p1 $0xffff, v1  }
0x160: {  	v1 =	vld @!p1 [tilespmem:$0xF1A8];
	_ =	sdelay $0x4  }
0x161: {  	[tilespmem:s2+$0xF258] =	vst.add.f32.msk @!p1 $0xffff, v1  }
0x162: {  	v1 =	vld @!p1 [tilespmem:$0xF1B8];
	_ =	sdelay $0x4  }
0x163: {  	[tilespmem:s2+$0xF268] =	vst.add.f32.msk @!p1 $0xffff, v1  }
0x164: {  	v1 =	vld @!p1 [tilespmem:$0xF1C8];
	_ =	sdelay $0x4  }
0x165: {  	[tilespmem:s2+$0xF278] =	vst.add.f32.msk @!p1 $0xffff, v1  }
0x166: {  	v1 =	vld @!p1 [tilespmem:$0xF1D8];
	_ =	sdelay $0x4  }
0x167: {  	[tilespmem:s2+$0xF288] =	vst.add.f32.msk @!p1 $0xffff, v1  }
0x168: {  	v1 =	vld @!p1 [tilespmem:$0xF1E8];
	_ =	sdelay $0x4  }
0x169: {  	[tilespmem:s2+$0xF298] =	vst.add.f32.msk @!p1 $0xffff, v1  }
0x16a: {  	v1 =	vld @!p1 [tilespmem:$0xF1F8];
	_ =	sdelay $0x4  }
0x16b: {  	[tilespmem:s2+$0xF2A8] =	vst.add.f32.msk @!p1 $0xffff, v1  }
0x16c: {  	s0 =	sshrl.u32 s0, $0x2;
	[tilespmem:s6+$0xF218] =	vst.msk $0x1, v0  }
0x16d: {  	v0 =	vld [tilespmem:s0+$0xF238];
	_ =	sdelay $0x2  }
0x16e: {  	s31 =	sshll.u32 s6, $0x9  }
0x16f: {  	s2 =	sshra.s32 s31, $0x2  }
0x170: {  	[tilespmem:s2+$0xF238] =	vst v0  }
0x171: {  	v0 =	vld [tilespmem:s0+$0xF248];
	_ =	sdelay $0x4  }
0x172: {  	[tilespmem:s2+$0xF248] =	vst v0  }
0x173: {  	v0 =	vld [tilespmem:s0+$0xF258];
	_ =	sdelay $0x4  }
0x174: {  	[tilespmem:s2+$0xF258] =	vst v0  }
0x175: {  	v0 =	vld [tilespmem:s0+$0xF268];
	_ =	sdelay $0x4  }
0x176: {  	[tilespmem:s2+$0xF268] =	vst v0  }
0x177: {  	v0 =	vld [tilespmem:s0+$0xF278];
	_ =	sdelay $0x4  }
0x178: {  	[tilespmem:s2+$0xF278] =	vst v0  }
0x179: {  	v0 =	vld [tilespmem:s0+$0xF288];
	_ =	sdelay $0x4  }
0x17a: {  	[tilespmem:s2+$0xF288] =	vst v0  }
0x17b: {  	v0 =	vld [tilespmem:s0+$0xF298];
	_ =	sdelay $0x4  }
0x17c: {  	[tilespmem:s2+$0xF298] =	vst v0  }
0x17d: {  	v0 =	vld [tilespmem:s0+$0xF2A8];
	_ =	sdelay $0x4  }
0x17e: {  	s6 =	sadd.s32 $0x1, s6;
	[tilespmem:s2+$0xF2A8] =	vst v0  }
.LBB2_33:
0x17f: {  	s11 =	sadd.s32 $0x1, s11  }
0x180: {  	p1 =	sne.s32 s11, $0x20  }
.Ltmp20:
0x181: {  	_ = 	snop;
	(pc) =	sbr.rel @!p1 .LBB2_34-.Ltmp20, $1  }
0x182: {  	_ =	sdelay $0x3  }
.LBB2_26:
0x183: {  	v0 =	vld.msk [tilespmem:s11+$0xF218], $0x1;
	_ =	sdelay $0x4  }
0x184: {  	(v2sf) =	vpush v0, $0x0;
	_ =	sdelay $0xe  }
0x185: {  	s0 =	spop (v2sf)  }
0x186: {  	p1 =	seq.s32 s0, $0xFFFFFFFF  }
.Ltmp21:
0x187: {  	_ = 	snop;
	(pc) =	sbr.rel @p1 .LBB2_33-.Ltmp21, $1  }
0x188: {  	_ =	sdelay $0x3  }
0x189: {  	p1 =	slt.s32 s6, $0x1  }
.Ltmp22:
0x18a: {  	_ = 	snop;
	(pc) =	sbr.rel @p1 .LBB2_32-.Ltmp22, $1  }
0x18b: {  	_ =	sdelay $0x3  }
0x18c: {  	s12 =	simm.s32 $0xF218;
	p1 =	por $0x0, $0x0  }
0x18d: {  	v1 =	vld.msk @!p1 [tilespmem:s12+$0x0], $0x1;
	_ =	sdelay $0x4  }
0x18e: {  	(v2sf) =	vpush @!p1 v1, $0x0;
	_ =	sdelay $0xd  }
0x18f: {  	p3 =	sne.s32 s6, $0x1  }
.Ltmp23:
0x190: {  	s2 =	spop @!p1 (v2sf);
	(pc) =	sbr.rel @!p3 .LBB2_30-.Ltmp23, $4  }
0x191: {  	p2 =	seq.s32 @!p1 s0, s2  }
0x192: {  	s13 =	simm.s32 $0x0;
	p2 =	por !p2, p1  }
0x193: {  	s2 =	simm.s32 $0xFFFFFFFF;
	s13 =	simm.s32 @p2 $0xFFFFFFFF  }
0x194: {  	s4 =	simm.s32 $0x1;
	s13 =	smov.u32 @p1 s2  }
.LBB2_29:
0x195: {  	s2 =	smov.u32 s13;
	p1 =	sne.s32 s13, $0xFFFFFFFF  }
0x196: {  	s12 =	sadd.s32 $0x1, s12;
	s13 =	smov.u32 s4;
	s4 =	sadd.s32 $0x1, s4  }
0x197: {  	p2 =	sne.s32 s6, s4;
	v1 =	vld.msk @!p1 [tilespmem:s12+$0x0], $0x1;
	_ =	sdelay $0x4  }
0x198: {  	(v2sf) =	vpush @!p1 v1, $0x0;
	_ =	sdelay $0xe  }
.Ltmp24:
0x199: {  	s3 =	spop @!p1 (v2sf);
	(pc) =	sbr.rel @p2 .LBB2_29-.Ltmp24, $4  }
0x19a: {  	p3 =	seq.s32 @!p1 s0, s3  }
0x19b: {  	p3 =	por !p3, p1  }
0x19c: {  	s13 =	simm.s32 @p3 $0xFFFFFFFF  }
0x19d: {  	s13 =	smov.u32 @p1 s2  }
.LBB2_30:
0x19e: {  	p1 =	seq.s32 s13, $0xFFFFFFFF  }
.Ltmp25:
0x19f: {  	_ = 	snop;
	(pc) =	sbr.rel @p1 .LBB2_32-.Ltmp25, $1  }
0x1a0: {  	_ =	sdelay $0x3  }
0x1a1: {  	s0 =	sshll.u32 s11, $0x7  }
0x1a2: {  	s0 =	sand.u32 $0x3FFFFF80, s0  }
0x1a3: {  	v0 =	vld [tilespmem:s0+$0xF238];
	_ =	sdelay $0x2  }
0x1a4: {  	s2 =	sshll.u32 s13, $0x9  }
0x1a5: {  	s2 =	sshra.s32 s2, $0x2  }
0x1a6: {  	[tilespmem:s2+$0xF238] =	vst.add.f32.msk $0xffff, v0  }
0x1a7: {  	v0 =	vld [tilespmem:s0+$0xF248];
	_ =	sdelay $0x4  }
0x1a8: {  	[tilespmem:s2+$0xF248] =	vst.add.f32.msk $0xffff, v0  }
0x1a9: {  	v0 =	vld [tilespmem:s0+$0xF258];
	_ =	sdelay $0x4  }
0x1aa: {  	[tilespmem:s2+$0xF258] =	vst.add.f32.msk $0xffff, v0  }
0x1ab: {  	v0 =	vld [tilespmem:s0+$0xF268];
	_ =	sdelay $0x4  }
0x1ac: {  	[tilespmem:s2+$0xF268] =	vst.add.f32.msk $0xffff, v0  }
0x1ad: {  	v0 =	vld [tilespmem:s0+$0xF278];
	_ =	sdelay $0x4  }
0x1ae: {  	[tilespmem:s2+$0xF278] =	vst.add.f32.msk $0xffff, v0  }
0x1af: {  	v0 =	vld [tilespmem:s0+$0xF288];
	_ =	sdelay $0x4  }
0x1b0: {  	[tilespmem:s2+$0xF288] =	vst.add.f32.msk $0xffff, v0  }
0x1b1: {  	v0 =	vld [tilespmem:s0+$0xF298];
	_ =	sdelay $0x4  }
0x1b2: {  	[tilespmem:s2+$0xF298] =	vst.add.f32.msk $0xffff, v0  }
0x1b3: {  	v0 =	vld [tilespmem:s0+$0xF2A8]  }
.Ltmp26:
0x1b4: {  	_ = 	snop;
	(pc) =	sbr.rel .LBB2_33-.Ltmp26, $2  }
0x1b5: {  	_ =	sdelay $0x2  }
0x1b6: {  	[tilespmem:s2+$0xF2A8] =	vst.add.f32.msk $0xffff, v0  }
.LBB2_34:
0x1b7: {  	s0 =	simm.s32 $0x6;
	p1 =	seq.s32 s6, $0x0  }
0x1b8: {  	[sflag:s0] =	ssyncpa.u1 $0x1;
	v0 =	vimm.s32 @p1 $0xFFFFFFFF  }
0x1b9: {  	s0 =	sadd.s32 $0xFFFFFFFF, s6;
	[tilespmem:$0x10238] =	vst @p1 v0  }
0x1ba: {  	v0 =	vld.msk @!p1 [tilespmem:s0+$0xF218], $0x1;
	_ =	sdelay $0x1  }
0x1bb: {  	v1 =	vld.msk @!p1 [tilespmem:$0xF218], $0x1;
	_ =	sdelay $0x2  }
0x1bc: {  	p2 =	seq.s32 @!p1 s0, $0x0;
	v0 =	vbroadcast @!p1 v0, $0x0  }
0x1bd: {  	vm0 =	vmmov @!p1 $0x1;
	p2 =	por !p2, p1  }
0x1be: {  	v1 =	vnsel @!p1 vm0, $0xFFFFFFFF, v1;
	vm0 =	vcmask @!p1 $0x308;
	v0 =	vpsel !p2, $0xFFFFFFFF, v0  }
0x1bf: {  	p2 =	sne.s32 @!p1 s8, s7;
	v0 =	vsel @!p1 vm0, v1, v0  }
0x1c0: {  	s2 =	simm.s32 @!p1 $0xF238;
	s3 =	simm.s32 @!p1 $0x0;
	p3 =	por !p2, p1;
	[tilespmem:$0x10238] =	vst @!p1 v0  }
0x1c1: {  	[spmem:s3] =	stream.linear.scatter @!p1 [tilespmem:s2], [sflag:$0x1], $0x80, $0x38;
	[tilespmem:$0x1F6F8] =	vst v63  }
0x1c2: {  	s2 =	sshll.u32 @!p3 s0, $0x9  }
0x1c3: {  	s2 =	sshra.s32 @!p3 s2, $0x2  }
0x1c4: {  	s3 =	simm.s32 @!p3 $0x80;
	s2 =	sadd.s32 @!p3 $0xF238, s2  }
0x1c5: {  	[spmem:s3] =	stream.linear.scatter @!p3 [tilespmem:s2], [sflag:$0x1], $0x80, $0x38;
	[tilespmem:$0x1F6F8] =	vst v63  }
0x1c6: {  	s2 =	simm.s32 @!p3 $0x1  }
0x1c7: {  	_ =	swait.ge @!p3 [sflag:s2], $0x100  }
0x1c8: {  	p1 =	por p2, p1;
	[sflag:s2] =	ssyncset.done @!p3 $0x0  }
0x1c9: {  	[sflag:s2] =	ssyncadd.s32 @!p3 $0xFFFFFF00;
	s2 =	simm.s32 @!p1 $0x1  }
0x1ca: {  	_ =	swait.ge @!p1 [sflag:s2], $0x80  }
0x1cb: {  	s29 =	simm.s32 $0x10238;
	[sflag:s2] =	ssyncset.done @!p1 $0x0  }
0x1cc: {  	s30 =	simm.s32 $0x1000;
	s31 =	simm.s32 $0x1;
	[sflag:s2] =	ssyncadd.s32 @!p1 $0xFFFFFF80  }
0x1cd: {  	[spmem:s30] =	stream.linear.scatter [tilespmem:s29], [sflag:$0x1], $0x10, $0x38;
	[tilespmem:$0x1F6F8] =	vst v63  }
0x1ce: {  	_ =	swait.ge [sflag:s31], $0x10  }
0x1cf: {  	[sflag:s31] =	ssyncset.done $0x0  }
0x1d0: {  	p1 =	seq.s32 s14, $0x0;
	s9 =	rddreg [dreg:$0x3];
	[sflag:s31] =	ssyncadd.s32 $0xFFFFFFF0  }
0x1d1: {  	s3 =	sshll.u32 @p1 s9, $0xE;
	s8 =	rddreg [dreg:$0x4]  }
0x1d2: {  	s2 =	sadd.s32 @p1 $0x15C3C, s3;
	s3 =	sshll.u32 @p1 s8, $0x11  }
0x1d3: {  	_ =	sfence.stream.spmem;
	s2 =	sor.u32 @p1 s3, s2  }
0x1d4: {  	[sflag:s2] =	ssyncadd.remote.s32 @p1 $0x1;
	s2 =	simm.s32 @p1 $0x4  }
0x1d5: {  	s4 =	simm.s32 @!p1 $0x3C;
	s3 =	sand.u32 $0xFFFFFFFE, s9;
	_ =	swait.ge @p1 [sflag:s2], $0x22  }
0x1d6: {  	s5 =	simm.s32 @!p1 $0x0;
	s3 =	sadd.s32 @!p1 $0x4, s3;
	[sflag:s2] =	ssyncset.done @p1 $0x0  }
0x1d7: {  	s7 =	simm.s32 @!p1 $0x100;
	[sflag:s2] =	ssyncadd.s32 @p1 $0xFFFFFFDE;
	s2 =	sshll.u32 @!p1 s3, $0x1A  }
0x1d8: {  	s3 =	sshll.u32 @!p1 s3, $0xD;
	s2 =	sor.u32 @!p1 s2, s8;
	_ =	swait.eq @!p1 [sflag:s4], $0x1  }
0x1d9: {  	s3 =	sor.u32 @!p1 $0x1C04, s3;
	s4 =	simm.s32 @!p1 $0x1C03;
	s2 =	sor.u32 @!p1 $0x80004000, s2  }
0x1da: {  	[spmem:s7], [sflag:s3] =	dma.general @!p1 [spmem:s5], [sflag:s4], length:$0x20, [dreg:$0x0], stride_count:$0x0, ici_dest:s2, dma_misc:DstOpCode:WRITE  }
0x1db: {  	p2 =	slt.s32 s0, $0x2;
	s5 =	simm.s32 @!p1 $0x200;
	s7 =	simm.s32 @!p1 $0x202  }
0x1dc: {  	[spmem:s7], [sflag:s3] =	dma.general @!p1 [spmem:s5], [sflag:s4], length:$0x2, [dreg:$0x0], stride_count:$0x0, ici_dest:s2, dma_misc:DstOpCode:WRITE  }
.Ltmp27:
0x1dd: {  	s2 =	simm.s32 @!p1 $0x3;
	(pc) =	sbr.rel @p2 .LBB2_38-.Ltmp27, $4  }
0x1de: {  	s3 =	sshll.u32 @!p1 s9, $0xE;
	_ =	swait.ge @!p1 [sflag:s2], $0x22  }
0x1df: {  	s4 =	sshll.u32 @!p1 s8, $0x11;
	s3 =	sadd.s32 @!p1 $0x11C3C, s3;
	[sflag:s2] =	ssyncset.done @!p1 $0x0  }
0x1e0: {  	[sflag:s2] =	ssyncadd.s32 @!p1 $0xFFFFFFDE;
	s2 =	sor.u32 @!p1 s4, s3  }
0x1e1: {  	s0 =	simm.s32 $0x0;
	[sflag:s2] =	ssyncadd.remote.s32 @!p1 $0xFFFFFFFF  }
0x1e2: {  	s0 =	simm.s32 $0xF219  }
0x1e3: {  	v0 =	vld.msk [tilespmem:s0+$0x0], $0x1;
	_ =	sdelay $0x4  }
0x1e4: {  	(v2sf) =	vpush v0, $0x0;
	_ =	sdelay $0xd  }
0x1e5: {  	s3 =	sadd.s32 $0xFFFFFFFE, s6  }
0x1e6: {  	s4 =	sadd.s32 $0xFFFFFFFF, s3;
	s2 =	spop (v2sf)  }
0x1e7: {  	p2 =	sne.s32 s4, $0x0;
	p1 =	sgt.u32 s2, $0x1869F0  }
.Ltmp28:
0x1e8: {  	s5 =	sand.u32 @!p1 $0x1FFFF8, s2;
	(pc) =	sbr.rel @!p2 .LBB2_37-.Ltmp28, $4  }
0x1e9: {  	s0 =	simm.s32 $0xF2B8;
	s2 =	sand.u32 @!p1 $0x7, s2;
	s3 =	sadd.s32 @!p1 s1, s5  }
0x1ea: {  	[hbm4b:s3+s2] =	stream.linear.scatter @!p1 [tilespmem:s0], [sflag:$0x5], $0x80, $0x38;
	[tilespmem:$0x1F6F8] =	vst v63  }
0x1eb: {  	s2 =	simm.s32 $0x0  }
0x1ec: {  	s6 =	simm.s32 $0xF21A;
	s5 =	simm.s32 $0x0;
	s2 =	simm.s32 @!p1 $0x200  }
.LBB2_36:
0x1ed: {  	v0 =	vld.msk [tilespmem:s6+$0x0], $0x1;
	s4 =	sadd.s32 $0xFFFFFFFF, s4;
	s5 =	sadd.s32 s5, s2  }
0x1ee: {  	p1 =	sne.s32 s4, $0x0;
	_ =	sdelay $0x3  }
0x1ef: {  	(v2sf) =	vpush v0, $0x0;
	_ =	sdelay $0xe  }
.Ltmp29:
0x1f0: {  	s3 =	spop (v2sf);
	(pc) =	sbr.rel @p1 .LBB2_36-.Ltmp29, $4  }
0x1f1: {  	s2 =	simm.s32 $0x0;
	p2 =	sgt.u32 s3, $0x1869F0  }
0x1f2: {  	s0 =	sadd.s32 $0x80, s0;
	s2 =	simm.s32 @!p2 $0x200;
	s7 =	sand.u32 @!p2 $0x1FFFF8, s3  }
0x1f3: {  	s6 =	sadd.s32 $0x1, s6;
	s3 =	sand.u32 @!p2 $0x7, s3;
	s7 =	sadd.s32 @!p2 s1, s7  }
0x1f4: {  	[hbm4b:s7+s3] =	stream.linear.scatter @!p2 [tilespmem:s0], [sflag:$0x5], $0x80, $0x38;
	[tilespmem:$0x1F6F8] =	vst v63  }
.LBB2_37:
0x1f5: {  	s0 =	sadd.s32 s5, s2  }
0x1f6: {  	s0 =	sshrl.u32 s0, $0x2  }
.LBB2_38:
0x1f7: {  	s2 =	simm.s32 $0x5  }
0x1f8: {  	_ =	swait.ge [sflag:s2], s0  }
0x1f9: {  	s31 =	ssub.s32 $0x0, s0;
	[sflag:s2] =	ssyncset.done $0x0  }
0x1fa: {  	[sflag:s2] =	ssyncadd.s32 s31  }
0x1fb: {  	[sflag:s2] =	ssyncpa.u1 $0x1  }
.LBB2_39:
0x1fc: {  	s0 =	sor.u32 s14, s15  }
0x1fd: {  	p1 =	sne.s32 s0, $0x0  }
.Ltmp30:
0x1fe: {  	_ = 	snop;
	(pc) =	sbr.rel @p1 .LBB2_54-.Ltmp30, $3  }
0x1ff: {  	_ =	sdelay $0x1  }
0x200: {  	[bflag:$0x0] =	sbarrier.arrive $0xFFFF  }
0x201: {  	_ =	sfence  }
0x202: {  	s0 =	simm.s32 $0x7  }
0x203: {  	s2 =	simm.s32 $0x1000;
	s3 =	simm.s32 $0xF218;
	[sflag:s0] =	ssyncpa.u1 $0x0  }
0x204: {  	[tilespmem:s3], [sflag:$0x7] =	stream.linear.gather [spmem:s2], $0x20, $0x38;
	[tilespmem:$0x1F6F8] =	vst v63  }
0x205: {  	s30 =	simm.s32 $0xF238;
	s2 =	simm.s32 $0x0  }
0x206: {  	[tilespmem:s30], [sflag:$0x7] =	stream.linear.gather [spmem:s2], $0x1000, $0x38;
	[tilespmem:$0x1F6F8] =	vst v63  }
.Ltmp31:
0x207: {  	_ = 	snop;
	(pc) =	sbr.rel .LBB2_41-.Ltmp31, $4  }
0x208: {  	_ =	swait.ge [sflag:s0], $0x1020  }
0x209: {  	[sflag:s0] =	ssyncset.done $0x0  }
0x20a: {  	s31 =	simm.s32 $0x8;
	[sflag:s0] =	ssyncadd.s32 $0xFFFFEFE0  }
0x20b: {  	s3 =	simm.s32 $0x0;
	[sflag:s31] =	ssyncpa.u1 $0x0  }
.LBB2_47:
0x20c: {  	p1 =	slt.u32 s0, $0x1869F1  }
0x20d: {  	s4 =	sand.u32 @p1 $0x1FFFF8, s0  }
0x20e: {  	s0 =	sand.u32 @p1 $0x7, s0;
	s5 =	simm.s32 @p1 $0xF188;
	s4 =	sadd.s32 @p1 s1, s4  }
0x20f: {  	[tilespmem:s5], [sflag:$0x8] =	stream.linear.gather @p1 [hbm4b:s4+s0], $0x80, $0x38;
	[tilespmem:$0x1F6F8] =	vst v63  }
0x210: {  	s0 =	simm.s32 @p1 $0x8  }
0x211: {  	_ =	swait.ge @p1 [sflag:s0], $0x80  }
0x212: {  	[sflag:s0] =	ssyncset.done @p1 $0x0  }
0x213: {  	[sflag:s0] =	ssyncadd.s32 @p1 $0xFFFFFF80  }
0x214: {  	v1 =	vld @p1 [tilespmem:$0xF188];
	_ =	sdelay $0x2  }
0x215: {  	s0 =	sshll.u32 @p1 s3, $0x9  }
0x216: {  	s4 =	sshrl.u32 @p1 s0, $0x2  }
0x217: {  	[tilespmem:s4+$0xF238] =	vst.add.f32.msk @p1 $0xffff, v1  }
0x218: {  	v1 =	vld @p1 [tilespmem:$0xF198];
	_ =	sdelay $0x4  }
0x219: {  	[tilespmem:s4+$0xF248] =	vst.add.f32.msk @p1 $0xffff, v1  }
0x21a: {  	v1 =	vld @p1 [tilespmem:$0xF1A8];
	_ =	sdelay $0x4  }
0x21b: {  	[tilespmem:s4+$0xF258] =	vst.add.f32.msk @p1 $0xffff, v1  }
0x21c: {  	v1 =	vld @p1 [tilespmem:$0xF1B8];
	_ =	sdelay $0x4  }
0x21d: {  	[tilespmem:s4+$0xF268] =	vst.add.f32.msk @p1 $0xffff, v1  }
0x21e: {  	v1 =	vld @p1 [tilespmem:$0xF1C8];
	_ =	sdelay $0x4  }
0x21f: {  	[tilespmem:s4+$0xF278] =	vst.add.f32.msk @p1 $0xffff, v1  }
0x220: {  	v1 =	vld @p1 [tilespmem:$0xF1D8];
	_ =	sdelay $0x4  }
0x221: {  	[tilespmem:s4+$0xF288] =	vst.add.f32.msk @p1 $0xffff, v1  }
0x222: {  	v1 =	vld @p1 [tilespmem:$0xF1E8];
	_ =	sdelay $0x4  }
0x223: {  	[tilespmem:s4+$0xF298] =	vst.add.f32.msk @p1 $0xffff, v1  }
0x224: {  	v1 =	vld @p1 [tilespmem:$0xF1F8];
	_ =	sdelay $0x3  }
0x225: {  	s5 =	sshll.u32 @!p1 s3, $0x9  }
0x226: {  	s5 =	smov.u32 @p1 s0;
	[tilespmem:s4+$0xF2A8] =	vst.add.f32.msk @p1 $0xffff, v1  }
0x227: {  	s0 =	sshrl.u32 s5, $0x2;
	[tilespmem:s2+$0xF218] =	vst.msk $0x1, v0  }
0x228: {  	v0 =	vld [tilespmem:s0+$0xF238];
	_ =	sdelay $0x2  }
0x229: {  	s31 =	sshll.u32 s2, $0x9  }
0x22a: {  	s4 =	sshra.s32 s31, $0x2  }
0x22b: {  	[tilespmem:s4+$0xF238] =	vst v0  }
0x22c: {  	v0 =	vld [tilespmem:s0+$0xF248];
	_ =	sdelay $0x4  }
0x22d: {  	[tilespmem:s4+$0xF248] =	vst v0  }
0x22e: {  	v0 =	vld [tilespmem:s0+$0xF258];
	_ =	sdelay $0x4  }
0x22f: {  	[tilespmem:s4+$0xF258] =	vst v0  }
0x230: {  	v0 =	vld [tilespmem:s0+$0xF268];
	_ =	sdelay $0x4  }
0x231: {  	[tilespmem:s4+$0xF268] =	vst v0  }
0x232: {  	v0 =	vld [tilespmem:s0+$0xF278];
	_ =	sdelay $0x4  }
0x233: {  	[tilespmem:s4+$0xF278] =	vst v0  }
0x234: {  	v0 =	vld [tilespmem:s0+$0xF288];
	_ =	sdelay $0x4  }
0x235: {  	[tilespmem:s4+$0xF288] =	vst v0  }
0x236: {  	v0 =	vld [tilespmem:s0+$0xF298];
	_ =	sdelay $0x4  }
0x237: {  	[tilespmem:s4+$0xF298] =	vst v0  }
0x238: {  	v0 =	vld [tilespmem:s0+$0xF2A8];
	_ =	sdelay $0x4  }
0x239: {  	s2 =	sadd.s32 $0x1, s2;
	[tilespmem:s4+$0xF2A8] =	vst v0  }
.LBB2_48:
0x23a: {  	s3 =	sadd.s32 $0x1, s3  }
0x23b: {  	p1 =	sne.s32 s3, $0x20  }
.Ltmp32:
0x23c: {  	_ = 	snop;
	(pc) =	sbr.rel @!p1 .LBB2_49-.Ltmp32, $1  }
0x23d: {  	_ =	sdelay $0x3  }
.LBB2_41:
0x23e: {  	v0 =	vld.msk [tilespmem:s3+$0xF218], $0x1;
	_ =	sdelay $0x4  }
0x23f: {  	(v2sf) =	vpush v0, $0x0;
	_ =	sdelay $0xe  }
0x240: {  	s0 =	spop (v2sf)  }
0x241: {  	p1 =	seq.s32 s0, $0xFFFFFFFF  }
.Ltmp33:
0x242: {  	_ = 	snop;
	(pc) =	sbr.rel @p1 .LBB2_48-.Ltmp33, $1  }
0x243: {  	_ =	sdelay $0x3  }
0x244: {  	p1 =	slt.s32 s2, $0x1  }
.Ltmp34:
0x245: {  	_ = 	snop;
	(pc) =	sbr.rel @p1 .LBB2_47-.Ltmp34, $1  }
0x246: {  	_ =	sdelay $0x3  }
0x247: {  	s4 =	simm.s32 $0xF218;
	p1 =	por $0x0, $0x0  }
0x248: {  	v1 =	vld.msk @!p1 [tilespmem:s4+$0x0], $0x1;
	_ =	sdelay $0x4  }
0x249: {  	(v2sf) =	vpush @!p1 v1, $0x0;
	_ =	sdelay $0xd  }
0x24a: {  	p3 =	sne.s32 s2, $0x1  }
.Ltmp35:
0x24b: {  	s5 =	spop @!p1 (v2sf);
	(pc) =	sbr.rel @!p3 .LBB2_45-.Ltmp35, $4  }
0x24c: {  	p2 =	seq.s32 @!p1 s0, s5  }
0x24d: {  	s5 =	simm.s32 $0x0;
	p2 =	por !p2, p1  }
0x24e: {  	s7 =	simm.s32 $0xFFFFFFFF;
	s5 =	simm.s32 @p2 $0xFFFFFFFF  }
0x24f: {  	s6 =	simm.s32 $0x1;
	s5 =	smov.u32 @p1 s7  }
.LBB2_44:
0x250: {  	s7 =	smov.u32 s5;
	p1 =	sne.s32 s5, $0xFFFFFFFF  }
0x251: {  	s4 =	sadd.s32 $0x1, s4;
	s5 =	smov.u32 s6;
	s6 =	sadd.s32 $0x1, s6  }
0x252: {  	p2 =	sne.s32 s2, s6;
	v1 =	vld.msk @!p1 [tilespmem:s4+$0x0], $0x1;
	_ =	sdelay $0x4  }
0x253: {  	(v2sf) =	vpush @!p1 v1, $0x0;
	_ =	sdelay $0xe  }
.Ltmp36:
0x254: {  	s8 =	spop @!p1 (v2sf);
	(pc) =	sbr.rel @p2 .LBB2_44-.Ltmp36, $4  }
0x255: {  	p3 =	seq.s32 @!p1 s0, s8  }
0x256: {  	p3 =	por !p3, p1  }
0x257: {  	s5 =	simm.s32 @p3 $0xFFFFFFFF  }
0x258: {  	s5 =	smov.u32 @p1 s7  }
.LBB2_45:
0x259: {  	p1 =	seq.s32 s5, $0xFFFFFFFF  }
.Ltmp37:
0x25a: {  	_ = 	snop;
	(pc) =	sbr.rel @p1 .LBB2_47-.Ltmp37, $1  }
0x25b: {  	_ =	sdelay $0x3  }
0x25c: {  	s0 =	sshll.u32 s3, $0x7  }
0x25d: {  	s0 =	sand.u32 $0x3FFFFF80, s0  }
0x25e: {  	v0 =	vld [tilespmem:s0+$0xF238];
	_ =	sdelay $0x2  }
0x25f: {  	s4 =	sshll.u32 s5, $0x9  }
0x260: {  	s4 =	sshra.s32 s4, $0x2  }
0x261: {  	[tilespmem:s4+$0xF238] =	vst.add.f32.msk $0xffff, v0  }
0x262: {  	v0 =	vld [tilespmem:s0+$0xF248];
	_ =	sdelay $0x4  }
0x263: {  	[tilespmem:s4+$0xF248] =	vst.add.f32.msk $0xffff, v0  }
0x264: {  	v0 =	vld [tilespmem:s0+$0xF258];
	_ =	sdelay $0x4  }
0x265: {  	[tilespmem:s4+$0xF258] =	vst.add.f32.msk $0xffff, v0  }
0x266: {  	v0 =	vld [tilespmem:s0+$0xF268];
	_ =	sdelay $0x4  }
0x267: {  	[tilespmem:s4+$0xF268] =	vst.add.f32.msk $0xffff, v0  }
0x268: {  	v0 =	vld [tilespmem:s0+$0xF278];
	_ =	sdelay $0x4  }
0x269: {  	[tilespmem:s4+$0xF278] =	vst.add.f32.msk $0xffff, v0  }
0x26a: {  	v0 =	vld [tilespmem:s0+$0xF288];
	_ =	sdelay $0x4  }
0x26b: {  	[tilespmem:s4+$0xF288] =	vst.add.f32.msk $0xffff, v0  }
0x26c: {  	v0 =	vld [tilespmem:s0+$0xF298];
	_ =	sdelay $0x4  }
0x26d: {  	[tilespmem:s4+$0xF298] =	vst.add.f32.msk $0xffff, v0  }
0x26e: {  	v0 =	vld [tilespmem:s0+$0xF2A8]  }
.Ltmp38:
0x26f: {  	_ = 	snop;
	(pc) =	sbr.rel .LBB2_48-.Ltmp38, $2  }
0x270: {  	_ =	sdelay $0x2  }
0x271: {  	[tilespmem:s4+$0xF2A8] =	vst.add.f32.msk $0xffff, v0  }
.LBB2_49:
0x272: {  	p1 =	slt.s32 s2, $0x1  }
.Ltmp39:
0x273: {  	_ = 	snop;
	(pc) =	sbr.rel @p1 .LBB2_53-.Ltmp39, $3  }
0x274: {  	_ =	sdelay $0x1  }
0x275: {  	s0 =	simm.s32 $0x8  }
0x276: {  	[sflag:s0] =	ssyncpa.u1 $0x1;
	s0 =	simm.s32 $0x0  }
0x277: {  	s3 =	simm.s32 $0xF218  }
0x278: {  	v0 =	vld.msk [tilespmem:s3+$0x0], $0x1;
	_ =	sdelay $0x4  }
0x279: {  	(v2sf) =	vpush v0, $0x0;
	_ =	sdelay $0xe  }
0x27a: {  	s2 =	sadd.s32 $0xFFFFFFFF, s2;
	s4 =	spop (v2sf)  }
0x27b: {  	p2 =	sne.s32 s2, $0x0;
	p1 =	sgt.u32 s4, $0x1869F0  }
.Ltmp40:
0x27c: {  	s5 =	sand.u32 @!p1 $0x1FFFF8, s4;
	(pc) =	sbr.rel @!p2 .LBB2_52-.Ltmp40, $4  }
0x27d: {  	s3 =	simm.s32 $0xF238;
	s4 =	sand.u32 @!p1 $0x7, s4;
	s5 =	sadd.s32 @!p1 s1, s5  }
0x27e: {  	[hbm4b:s5+s4] =	stream.linear.scatter @!p1 [tilespmem:s3], [sflag:$0x7], $0x80, $0x38;
	[tilespmem:$0x1F6F8] =	vst v63  }
0x27f: {  	s5 =	simm.s32 $0x0  }
0x280: {  	s4 =	simm.s32 $0xF219;
	s5 =	simm.s32 @!p1 $0x200  }
.LBB2_51:
0x281: {  	v0 =	vld.msk [tilespmem:s4+$0x0], $0x1;
	s2 =	sadd.s32 $0xFFFFFFFF, s2;
	s0 =	sadd.s32 s0, s5  }
0x282: {  	p1 =	sne.s32 s2, $0x0;
	_ =	sdelay $0x3  }
0x283: {  	(v2sf) =	vpush v0, $0x0;
	_ =	sdelay $0xe  }
.Ltmp41:
0x284: {  	s6 =	spop (v2sf);
	(pc) =	sbr.rel @p1 .LBB2_51-.Ltmp41, $4  }
0x285: {  	s5 =	simm.s32 $0x0;
	p2 =	sgt.u32 s6, $0x1869F0  }
0x286: {  	s3 =	sadd.s32 $0x80, s3;
	s5 =	simm.s32 @!p2 $0x200;
	s7 =	sand.u32 @!p2 $0x1FFFF8, s6  }
0x287: {  	s4 =	sadd.s32 $0x1, s4;
	s6 =	sand.u32 @!p2 $0x7, s6;
	s7 =	sadd.s32 @!p2 s1, s7  }
0x288: {  	[hbm4b:s7+s6] =	stream.linear.scatter @!p2 [tilespmem:s3], [sflag:$0x7], $0x80, $0x38;
	[tilespmem:$0x1F6F8] =	vst v63  }
.LBB2_52:
0x289: {  	s0 =	sadd.s32 s0, s5  }
0x28a: {  	s0 =	sshrl.u32 s0, $0x2  }
.LBB2_53:
0x28b: {  	s1 =	simm.s32 $0x7  }
0x28c: {  	_ =	swait.ge [sflag:s1], s0  }
0x28d: {  	s31 =	ssub.s32 $0x0, s0;
	[sflag:s1] =	ssyncset.done $0x0  }
0x28e: {  	[sflag:s1] =	ssyncadd.s32 s31  }
0x28f: {  	[sflag:s1] =	ssyncpa.u1 $0x1  }
.LBB2_54:
0x290: {  	_ =	sfence;
	s0 =	simm.s32 $0x1  }
0x291: {  	[sflag:s0] =	ssyncpa.u1 $0x1  }
0x292: {  	_ =	strace $0x90000050  }
0x293: {  	[bflag:$0x2] =	sbarrier.arrive $0xFFFF  }
0x294: {  	s0 =	rddreg [dreg:$0x5]  }
0x295: {  	s0 =	sadd.s32 @!p0 $0x100000, s0  }
0x296: {  	[sflag:s0] =	ssyncadd.tile.s32 @!p0 $0x1;
	_ =	shalt  }
.Lfunc_end2:
_tile_overlayer_lowered:
.L_overlay_start_2:
0x297: {  	(tag) =	ssettag $0x2  }
0x298: {  	s0 =	rddreg [dreg:$0x0];
	s2 =	stileid.u32  }
0x299: {  	s1 =	rddreg [dreg:$0x1];
	p0 =	sne.s32 s2, $0x0  }
0x29a: {  	s3 =	rddreg [dreg:$0x2];
	[bflag:$0x3] =	sbarrier.arrive $0xFFFF;
	s2 =	simm.s32 @!p0 $0x1C01  }
0x29b: {  	[timem:s3], [sflag:s2] =	dma.local @!p0 [hbm:s0], s1  }
0x29c: {  	s0 =	simm.s32 @!p0 $0x1  }
0x29d: {  	_ =	swait.ge @!p0 [sflag:s0], s1  }
0x29e: {  	s1 =	ssub.s32 @!p0 $0x0, s1;
	[sflag:s0] =	ssyncset.done @!p0 $0x0  }
0x29f: {  	[sflag:s0] =	ssyncadd.s32 @!p0 s1  }
0x2a0: {  	[bflag:$0x3] =	sbarrier.arrive $0xFFFF  }
0x2a1: {  	_ =	shalt  }

</sc_bundles>
